<compile_context>
chip_gen: v7x
topology: tpu7x:2x2x1
jax: 0.10.2.dev20260603
libtpu: 0.0.44.dev20260713+nightly
codegen_flags: <defaults>
</compile_context>

<pallas_src>
import functools

import jax
import jax.numpy as jnp
from jax import lax
from jax.experimental import pallas as pl
from jax.experimental.pallas import tpu as pltpu
from jax.experimental.pallas import tpu_sc as plsc

NC = 2
NS = 16
NW = NC * NS
CH = 128
G = 64


def _pad_to(n: int, m: int) -> int:
    return -(-n // m) * m



def _preload_idx(idx2, pad2, buf, tile, nchunks, nreal, npad):
    start = tile * nchunks
    if npad == 0:
        pltpu.sync_copy(idx2.at[pl.ds(start, nchunks)], buf)
        return
    r_last = nchunks - npad

    @pl.when(start + nchunks <= nreal)
    def _():
        pltpu.sync_copy(idx2.at[pl.ds(start, nchunks)], buf)

    @pl.when(start + nchunks > nreal)
    def _():
        pltpu.sync_copy(idx2.at[pl.ds(nreal - r_last, r_last)],
                        buf.at[pl.ds(0, r_last)])
        pltpu.sync_copy(pad2.at[pl.ds(0, npad)], buf.at[pl.ds(r_last, npad)])


@functools.lru_cache(maxsize=None)
def _make_deg(EP: int, NP: int, nreal: int):
    nchunks = EP // (NW * CH)
    rpt = NP // NS
    npad = EP // CH - nreal
    assert npad < nchunks
    mesh = plsc.VectorSubcoreMesh(core_axis_name="c", subcore_axis_name="s")

    @functools.partial(
        pl.kernel,
        out_type=jax.ShapeDtypeStruct((NC * NP,), jnp.float32),
        mesh=mesh,
        compiler_params=pltpu.CompilerParams(use_tc_tiling_on_sc=False),
        scratch_types=[
            pltpu.VMEM_SHARED((NP,), jnp.float32),
            pltpu.VMEM((nchunks, CH), jnp.int32),
            pltpu.VMEM((CH,), jnp.float32),
            pltpu.SemaphoreType.DMA,
        ],
    )
    def deg_kernel(dst2, pad2, zeros1, out, acc, dbuf, ones_v, ssem):
        c = lax.axis_index("c")
        s = lax.axis_index("s")
        tile = c * NS + s
        for i in range(CH // 16):
            ones_v[pl.ds(i * 16, 16)] = jnp.ones((16,), jnp.float32)
        pltpu.sync_copy(zeros1.at[pl.ds(s * rpt, rpt)], acc.at[pl.ds(s * rpt, rpt)])
        _preload_idx(dst2, pad2, dbuf, tile, nchunks, nreal, npad)
        plsc.subcore_barrier()

        def body(j, carry):
            @pl.when(j >= 8)
            def _():
                pltpu.make_async_copy(
                    zeros1.at[pl.ds(0, CH)], ones_v, ssem).wait()
            pltpu.async_copy(ones_v, acc.at[dbuf.at[j]], ssem, add=True)
            return carry

        lax.fori_loop(0, nchunks, body, 0)
        for _ in range(min(nchunks, 8)):
            pltpu.make_async_copy(zeros1.at[pl.ds(0, CH)], ones_v, ssem).wait()
        plsc.subcore_barrier()
        pltpu.sync_copy(acc.at[pl.ds(s * rpt, rpt)],
                        out.at[pl.ds(c * NP + s * rpt, rpt)])

    return deg_kernel


@functools.lru_cache(maxsize=None)
def _make_mp(EP: int, NP: int, H: int, nreal: int):
    K = 8
    D = 4
    nchunks = EP // (NW * CH)
    assert nchunks % K == 0 and nchunks >= 2 * K
    npad = EP // CH - nreal
    assert npad < nchunks
    rpt = NP // NS
    mesh = plsc.VectorSubcoreMesh(core_axis_name="c", subcore_axis_name="s")

    @functools.partial(
        pl.kernel,
        out_type=jax.ShapeDtypeStruct((NC, NP, H), jnp.float32),
        mesh=mesh,
        compiler_params=pltpu.CompilerParams(use_tc_tiling_on_sc=False),
        scratch_types=(
            [
                pltpu.VMEM_SHARED((NP, H), jnp.float32),
                pltpu.VMEM((nchunks, CH), jnp.int32),
                pltpu.VMEM((nchunks, CH), jnp.int32),
            ]
            + [pltpu.VMEM((CH, H), jnp.float32)] * K
            + [pltpu.SemaphoreType.DMA] * (2 * K)
        ),
    )
    def mp_kernel(table, src2, dst2, pad2, zeros2, out,
                  acc, sbuf, dbuf, *rest):
        rows = rest[:K]
        gsem = rest[K:2 * K]
        ssem = rest[2 * K:3 * K]
        c = lax.axis_index("c")
        s = lax.axis_index("s")
        tile = c * NS + s
        pltpu.sync_copy(zeros2.at[pl.ds(s * rpt, rpt)], acc.at[pl.ds(s * rpt, rpt)])
        _preload_idx(src2, pad2, sbuf, tile, nchunks, nreal, npad)
        _preload_idx(dst2, pad2, dbuf, tile, nchunks, nreal, npad)
        plsc.subcore_barrier()
        for b in range(D):
            pltpu.async_copy(table.at[sbuf.at[b]], rows[b], gsem[b])

        def body(g, carry):
            for b in range(K):
                j = g * K + b
                bp = (b + D) % K
                pltpu.make_async_copy(table.at[pl.ds(0, CH)], rows[b], gsem[b]).wait()
                pltpu.async_copy(rows[b], acc.at[dbuf.at[j]], ssem[b], add=True)

                @pl.when(j + D < nchunks)
                def _():
                    @pl.when(j >= D)
                    def _():
                        pltpu.make_async_copy(
                            table.at[pl.ds(0, CH)], rows[bp], ssem[bp]).wait()
                    pltpu.async_copy(table.at[sbuf.at[j + D]], rows[bp], gsem[bp])

            return carry

        lax.fori_loop(0, nchunks // K, body, 0)
        for b in range(K):
            pltpu.make_async_copy(table.at[pl.ds(0, CH)], rows[b], ssem[b]).wait()
        plsc.subcore_barrier()
        pltpu.sync_copy(acc.at[pl.ds(s * rpt, rpt)], out.at[c, pl.ds(s * rpt, rpt)])

    return mp_kernel



def _dense1(x, W1, degp, NP):
    N, H = x.shape[0], W1.shape[1]

    F = x.shape[1]
    BLK = 2048
    nb = NP // BLK

    def body(x_ref, w_ref, degp_ref, hs_ref, dinv_ref):
        i = pl.program_id(0)
        h = jnp.dot(x_ref[...], w_ref[...], preferred_element_type=jnp.float32)
        deg = degp_ref[0] + degp_ref[1] + 1.0
        dinv = lax.rsqrt(deg)[:, None]
        rowid = i * BLK + lax.broadcasted_iota(jnp.int32, (BLK, 1), 0)
        dinv_ref[...] = dinv
        hs_ref[...] = jnp.where(rowid < N, dinv * h, 0.0)

    return pl.pallas_call(
        body,
        grid=(nb,),
        in_specs=[
            pl.BlockSpec((BLK, F), lambda i: (i, 0)),
            pl.BlockSpec((F, H), lambda i: (0, 0)),
            pl.BlockSpec((2, BLK), lambda i: (0, i)),
        ],
        out_specs=[
            pl.BlockSpec((BLK, H), lambda i: (i, 0)),
            pl.BlockSpec((BLK, 1), lambda i: (i, 0)),
        ],
        out_shape=[
            jax.ShapeDtypeStruct((NP, H), jnp.float32),
            jax.ShapeDtypeStruct((NP, 1), jnp.float32),
        ],
    )(x, W1, degp)


def _dense2(s1p, dinv, hs1, b1, W2):
    NP, H = hs1.shape

    BLK = 2048
    nb = NP // BLK

    def body(sp_ref, dinv_ref, hs1_ref, b_ref, w_ref, hs_ref):
        dinv = dinv_ref[...]
        su = sp_ref[0] + sp_ref[1]
        out1 = jnp.maximum(
            dinv * su + dinv * hs1_ref[...] + b_ref[...][None, :], 0.0)
        hs_ref[...] = dinv * jnp.dot(
            out1, w_ref[...], preferred_element_type=jnp.float32)

    return pl.pallas_call(
        body,
        grid=(nb,),
        in_specs=[
            pl.BlockSpec((NC, BLK, H), lambda i: (0, i, 0)),
            pl.BlockSpec((BLK, 1), lambda i: (i, 0)),
            pl.BlockSpec((BLK, H), lambda i: (i, 0)),
            pl.BlockSpec((H,), lambda i: (0,)),
            pl.BlockSpec((H, H), lambda i: (0, 0)),
        ],
        out_specs=pl.BlockSpec((BLK, H), lambda i: (i, 0)),
        out_shape=jax.ShapeDtypeStruct((NP, H), jnp.float32),
    )(s1p, dinv, hs1, b1, W2)


def _dense3(s2p, dinv, hs2, b2, batch_p, W3, b3):
    NP, H = hs2.shape

    def body(sp_ref, dinv_ref, hs2_ref, b_ref, batch_ref, w3_ref, b3_ref, out_ref):
        dinv = dinv_ref[...]
        su = sp_ref[0] + sp_ref[1]
        out2 = jnp.maximum(
            dinv * su + dinv * hs2_ref[...] + b_ref[...][None, :], 0.0)
        z = jnp.dot(out2, w3_ref[...], preferred_element_type=jnp.float32)
        gi = lax.broadcasted_iota(jnp.int32, (G, NP), 0)
        onehot = (batch_ref[...][None, :] == gi).astype(jnp.float32)
        sums = jnp.dot(onehot, z, preferred_element_type=jnp.float32)
        counts = jnp.sum(onehot, axis=1, keepdims=True)
        out_ref[...] = sums / jnp.maximum(counts, 1.0) + b3_ref[...][None, :]

    return pl.pallas_call(
        body,
        out_shape=jax.ShapeDtypeStruct((G, 1), jnp.float32),
    )(s2p, dinv, hs2, b2, batch_p, W3, b3)



def kernel(x, edge_index, batch, W1, b1, W2, b2, W3, b3):
    N, F = x.shape
    H = W1.shape[1]
    E = edge_index.shape[1]
    NP = _pad_to(N + 1, NS * 128)
    EP = _pad_to(E, NW * CH * 8)

    src = edge_index[0].astype(jnp.int32)
    dst = edge_index[1].astype(jnp.int32)
    pad_rows = N + jnp.arange(EP - E, dtype=jnp.int32) % (NP - N)
    nch_total = EP // CH
    if E % CH == 0 and (nch_total - E // CH) < nch_total // NW:
        nreal = E // CH
        srcp = src.reshape(nreal, CH)
        dstp = dst.reshape(nreal, CH)
        pad2 = pad_rows.reshape(nch_total - nreal, CH)
    else:
        nreal = nch_total
        srcp = jnp.concatenate([src, pad_rows]).reshape(nch_total, CH)
        dstp = jnp.concatenate([dst, pad_rows]).reshape(nch_total, CH)
        pad2 = jnp.zeros((8, CH), jnp.int32)
    batch_p = jnp.concatenate(
        [batch.astype(jnp.int32), jnp.full((NP - N,), G, jnp.int32)])
    zeros1 = jnp.zeros((NP,), jnp.float32)
    zeros2 = jnp.zeros((NP, H), jnp.float32)

    degp = _make_deg(EP, NP, nreal)(dstp, pad2, zeros1).reshape(NC, NP)
    hs1, dinv = _dense1(x, W1, degp, NP)
    s1p = _make_mp(EP, NP, H, nreal)(hs1, srcp, dstp, pad2, zeros2)
    hs2 = _dense2(s1p, dinv, hs1, b1, W2)
    s2p = _make_mp(EP, NP, H, nreal)(hs2, srcp, dstp, pad2, zeros2)
    out = _dense3(s2p, dinv, hs2, b2, batch_p, W3, b3)
    return out.reshape(-1)

# --- scband reference (transcript-rebuilt; emitter-appended) ---
"""Pipeline reference for scband-simple-gcn-4389456577426 (READ-ONLY COPY).

The authoritative reference and input builder live on the scoring server;
editing this copy changes nothing except your own understanding.
"""

import jax, jax.numpy as jnp
import numpy as np

N = 10000
E = 320000
F = 128
H = 32
G = 64


def setup_inputs(seed: int = 0) -> dict:
    key = jax.random.key(seed)
    ks = jax.random.split(key, 8)
    x = jax.random.normal(ks[0], (N, F), dtype=jnp.float32)
    edge_index = jax.random.randint(ks[1], (2, E), 0, N, dtype=jnp.int64)
    batch = jnp.sort(jax.random.randint(ks[2], (N,), 0, G, dtype=jnp.int64))
    W1 = jax.random.normal(ks[3], (F, H), dtype=jnp.float32) * (1.0 / np.sqrt(F))
    b1 = jnp.zeros((H,), dtype=jnp.float32)
    W2 = jax.random.normal(ks[4], (H, H), dtype=jnp.float32) * (1.0 / np.sqrt(H))
    b2 = jnp.zeros((H,), dtype=jnp.float32)
    W3 = jax.random.normal(ks[5], (H, 1), dtype=jnp.float32) * (1.0 / np.sqrt(H))
    b3 = jnp.zeros((1,), dtype=jnp.float32)
    return {"x": x, "edge_index": edge_index, "batch": batch,
            "W1": W1, "b1": b1, "W2": W2, "b2": b2, "W3": W3, "b3": b3}


def _gcn_conv(x, edge_index, W, b):
    # GCNConv: x' = D^{-1/2} (A + I) D^{-1/2} (x W) + b
    n = x.shape[0]
    loop = jnp.arange(n, dtype=edge_index.dtype)
    src = jnp.concatenate([edge_index[0], loop])
    dst = jnp.concatenate([edge_index[1], loop])
    deg = jnp.zeros((n,), dtype=x.dtype).at[dst].add(1.0)
    deg_inv_sqrt = jnp.where(deg > 0, jax.lax.rsqrt(jnp.maximum(deg, 1e-12)), 0.0)
    norm = deg_inv_sqrt[src] * deg_inv_sqrt[dst]
    h = x @ W
    msgs = h[src] * norm[:, None]
    out = jnp.zeros((n, W.shape[1]), dtype=x.dtype).at[dst].add(msgs)
    return out + b


def reference(x, edge_index, batch, W1, b1, W2, b2, W3, b3):
    h = jax.nn.relu(_gcn_conv(x, edge_index, W1, b1))
    h = jax.nn.relu(_gcn_conv(h, edge_index, W2, b2))
    # global_mean_pool
    sums = jax.ops.segment_sum(h, batch, num_segments=G)
    counts = jax.ops.segment_sum(jnp.ones((h.shape[0], 1), dtype=h.dtype), batch, num_segments=G)
    pooled = sums / jnp.maximum(counts, 1.0)
    out = (pooled @ W3 + b3).reshape(-1)
    return out

if __name__ == "__main__":
    import jax
    _d = setup_inputs()
    print(jax.jit(kernel)(*tuple(_d.values())))

</pallas_src>

<mosaic_0001>
#map = affine_map<(d0, d1) -> (0, 0)>
#map1 = affine_map<(d0, d1) -> (0)>
module attributes {stable_mosaic.version = 14 : i64} {
  func.func @deg_kernel(%arg0: i32, %arg1: i32, %arg2: memref<2500x128xi32, #tpu.memory_space<hbm>>, %arg3: memref<60x128xi32, #tpu.memory_space<hbm>>, %arg4: memref<10240xf32, #tpu.memory_space<hbm>>, %arg5: memref<20480xf32, #tpu.memory_space<hbm>>, %arg6: memref<10240xf32, #tpu.memory_space<vmem_shared>>, %arg7: memref<80x128xi32, #tpu.memory_space<vmem>>, %arg8: memref<128xf32, #tpu.memory_space<vmem>>, %arg9: memref<!tpu.dma_semaphore, #tpu.memory_space<semaphore_mem>>) attributes {dimension_semantics = [#tpu.dimension_semantics<core_parallel>, #tpu.dimension_semantics<subcore_parallel>], iteration_bounds = array<i64: 2, 16>, scalar_prefetch = 0 : i64, scratch_operands = 4 : i64, tpu.core_type = #tpu.core_type<sc_vector_subcore>, window_params = [{transform_indices = #map}, {transform_indices = #map}, {transform_indices = #map1}, {transform_indices = #map1}]} {
    %mul3A = arith.constant 16 : i32
    %mul3A_0 = arith.muli %arg0, %mul3A : i32
    %add3A = arith.addi %mul3A_0, %arg1 : i32
    %broadcast_in_dim3A = arith.constant 1.000000e+00 : f32
    %broadcast_in_dim3A_1 = vector.broadcast %broadcast_in_dim3A : f32 to vector<16xf32>
    %swap3A = arith.constant 0 : index
    %swap3A_2 = tpu.vector_load %arg8[%swap3A] {strides = array<i32>} : memref<128xf32, #tpu.memory_space<vmem>>, vector<16xf32>,
    %swap3A_3 = vector.shape_cast %swap3A_2 : vector<16xf32> to vector<16xf32>
    %swap3A_4 = vector.shape_cast %broadcast_in_dim3A_1 : vector<16xf32> to vector<16xf32>
    tpu.vector_store %arg8[%swap3A], %swap3A_4 {strides = array<i32>} : memref<128xf32, #tpu.memory_space<vmem>>, vector<16xf32>,
    %broadcast_in_dim3A_5 = arith.constant 1.000000e+00 : f32
    %broadcast_in_dim3A_6 = vector.broadcast %broadcast_in_dim3A_5 : f32 to vector<16xf32>
    %swap3A_7 = arith.constant 16 : index
    %swap3A_8 = tpu.vector_load %arg8[%swap3A_7] {strides = array<i32>} : memref<128xf32, #tpu.memory_space<vmem>>, vector<16xf32>,
    %swap3A_9 = vector.shape_cast %swap3A_8 : vector<16xf32> to vector<16xf32>
    %swap3A_10 = vector.shape_cast %broadcast_in_dim3A_6 : vector<16xf32> to vector<16xf32>
    tpu.vector_store %arg8[%swap3A_7], %swap3A_10 {strides = array<i32>} : memref<128xf32, #tpu.memory_space<vmem>>, vector<16xf32>,
    %broadcast_in_dim3A_11 = arith.constant 1.000000e+00 : f32
    %broadcast_in_dim3A_12 = vector.broadcast %broadcast_in_dim3A_11 : f32 to vector<16xf32>
    %swap3A_13 = arith.constant 32 : index
    %swap3A_14 = tpu.vector_load %arg8[%swap3A_13] {strides = array<i32>} : memref<128xf32, #tpu.memory_space<vmem>>, vector<16xf32>,
    %swap3A_15 = vector.shape_cast %swap3A_14 : vector<16xf32> to vector<16xf32>
    %swap3A_16 = vector.shape_cast %broadcast_in_dim3A_12 : vector<16xf32> to vector<16xf32>
    tpu.vector_store %arg8[%swap3A_13], %swap3A_16 {strides = array<i32>} : memref<128xf32, #tpu.memory_space<vmem>>, vector<16xf32>,
    %broadcast_in_dim3A_17 = arith.constant 1.000000e+00 : f32
    %broadcast_in_dim3A_18 = vector.broadcast %broadcast_in_dim3A_17 : f32 to vector<16xf32>
    %swap3A_19 = arith.constant 48 : index
    %swap3A_20 = tpu.vector_load %arg8[%swap3A_19] {strides = array<i32>} : memref<128xf32, #tpu.memory_space<vmem>>, vector<16xf32>,
    %swap3A_21 = vector.shape_cast %swap3A_20 : vector<16xf32> to vector<16xf32>
    %swap3A_22 = vector.shape_cast %broadcast_in_dim3A_18 : vector<16xf32> to vector<16xf32>
    tpu.vector_store %arg8[%swap3A_19], %swap3A_22 {strides = array<i32>} : memref<128xf32, #tpu.memory_space<vmem>>, vector<16xf32>,
    %broadcast_in_dim3A_23 = arith.constant 1.000000e+00 : f32
    %broadcast_in_dim3A_24 = vector.broadcast %broadcast_in_dim3A_23 : f32 to vector<16xf32>
    %swap3A_25 = arith.constant 64 : index
    %swap3A_26 = tpu.vector_load %arg8[%swap3A_25] {strides = array<i32>} : memref<128xf32, #tpu.memory_space<vmem>>, vector<16xf32>,
    %swap3A_27 = vector.shape_cast %swap3A_26 : vector<16xf32> to vector<16xf32>
    %swap3A_28 = vector.shape_cast %broadcast_in_dim3A_24 : vector<16xf32> to vector<16xf32>
    tpu.vector_store %arg8[%swap3A_25], %swap3A_28 {strides = array<i32>} : memref<128xf32, #tpu.memory_space<vmem>>, vector<16xf32>,
    %broadcast_in_dim3A_29 = arith.constant 1.000000e+00 : f32
    %broadcast_in_dim3A_30 = vector.broadcast %broadcast_in_dim3A_29 : f32 to vector<16xf32>
    %swap3A_31 = arith.constant 80 : index
    %swap3A_32 = tpu.vector_load %arg8[%swap3A_31] {strides = array<i32>} : memref<128xf32, #tpu.memory_space<vmem>>, vector<16xf32>,
    %swap3A_33 = vector.shape_cast %swap3A_32 : vector<16xf32> to vector<16xf32>
    %swap3A_34 = vector.shape_cast %broadcast_in_dim3A_30 : vector<16xf32> to vector<16xf32>
    tpu.vector_store %arg8[%swap3A_31], %swap3A_34 {strides = array<i32>} : memref<128xf32, #tpu.memory_space<vmem>>, vector<16xf32>,
    %broadcast_in_dim3A_35 = arith.constant 1.000000e+00 : f32
    %broadcast_in_dim3A_36 = vector.broadcast %broadcast_in_dim3A_35 : f32 to vector<16xf32>
    %swap3A_37 = arith.constant 96 : index
    %swap3A_38 = tpu.vector_load %arg8[%swap3A_37] {strides = array<i32>} : memref<128xf32, #tpu.memory_space<vmem>>, vector<16xf32>,
    %swap3A_39 = vector.shape_cast %swap3A_38 : vector<16xf32> to vector<16xf32>
    %swap3A_40 = vector.shape_cast %broadcast_in_dim3A_36 : vector<16xf32> to vector<16xf32>
    tpu.vector_store %arg8[%swap3A_37], %swap3A_40 {strides = array<i32>} : memref<128xf32, #tpu.memory_space<vmem>>, vector<16xf32>,
    %broadcast_in_dim3A_41 = arith.constant 1.000000e+00 : f32
    %broadcast_in_dim3A_42 = vector.broadcast %broadcast_in_dim3A_41 : f32 to vector<16xf32>
    %swap3A_43 = arith.constant 112 : index
    %swap3A_44 = tpu.vector_load %arg8[%swap3A_43] {strides = array<i32>} : memref<128xf32, #tpu.memory_space<vmem>>, vector<16xf32>,
    %swap3A_45 = vector.shape_cast %swap3A_44 : vector<16xf32> to vector<16xf32>
    %swap3A_46 = vector.shape_cast %broadcast_in_dim3A_42 : vector<16xf32> to vector<16xf32>
    tpu.vector_store %arg8[%swap3A_43], %swap3A_46 {strides = array<i32>} : memref<128xf32, #tpu.memory_space<vmem>>, vector<16xf32>,
    %mul3A_47 = arith.constant 640 : i32
    %mul3A_48 = arith.muli %arg1, %mul3A_47 : i32
    %mul3A_49 = arith.constant 640 : i32
    %mul3A_50 = arith.muli %arg1, %mul3A_49 : i32
    "tpu.region"() ({
      %run_scoped3A = tpu.sem_alloc : memref<!tpu.dma_semaphore, #tpu.memory_space<semaphore_mem>>
      %dma_start3A = tpu.memref_slice %arg6[%mul3A_50] : memref<10240xf32, #tpu.memory_space<vmem_shared>> -> memref<640xf32, #tpu.memory_space<vmem_shared>>
      %dma_start3A_107 = tpu.memref_slice %arg4[%mul3A_48] : memref<10240xf32, #tpu.memory_space<hbm>> -> memref<640xf32, #tpu.memory_space<hbm>>
      tpu.enqueue_dma source(%dma_start3A_107 : memref<640xf32, #tpu.memory_space<hbm>>) target(%dma_start3A : memref<640xf32, #tpu.memory_space<vmem_shared>>) target_semaphore(%run_scoped3A : memref<!tpu.dma_semaphore, #tpu.memory_space<semaphore_mem>>)
      %dma_wait3A_108 = tpu.memref_slice %arg6[%mul3A_50] : memref<10240xf32, #tpu.memory_space<vmem_shared>> -> memref<640xf32, #tpu.memory_space<vmem_shared>>
      %dma_wait3A_109 = tpu.memref_slice %arg4[%mul3A_48] : memref<10240xf32, #tpu.memory_space<hbm>> -> memref<640xf32, #tpu.memory_space<hbm>>
      tpu.wait_dma2 semaphore(%run_scoped3A : memref<!tpu.dma_semaphore, #tpu.memory_space<semaphore_mem>>) src(%dma_wait3A_109 : memref<640xf32, #tpu.memory_space<hbm>>) dst(%dma_wait3A_108 : memref<640xf32, #tpu.memory_space<vmem_shared>>)
      tpu.yield
    }) : () -> ()
    %mul3A_51 = arith.constant 80 : i32
    %mul3A_52 = arith.muli %add3A, %mul3A_51 : i32
    %add3A_53 = arith.constant 80 : i32
    %add3A_54 = arith.addi %mul3A_52, %add3A_53 : i32
    %le3A = arith.constant 2500 : i32
    %le3A_55 = arith.cmpi sle, %add3A_54, %le3A : i32
    %convert_element_type3A = arith.extui %le3A_55 : i1 to i32
    %cond3A = arith.constant 0 : i32
    %cond3A_56 = arith.cmpi ne, %convert_element_type3A, %cond3A : i32
    scf.if %cond3A_56 {
      "tpu.region"() ({
        %run_scoped3A = tpu.sem_alloc : memref<!tpu.dma_semaphore, #tpu.memory_space<semaphore_mem>>
        %dma_start3A = arith.constant 0 : i32
        %dma_start3A_107 = tpu.memref_slice %arg2[%mul3A_52, %dma_start3A] : memref<2500x128xi32, #tpu.memory_space<hbm>> -> memref<80x128xi32, #tpu.memory_space<hbm>>
        %dma_start3A_108 = arith.constant 0 : i32
        %dma_start3A_109 = tpu.memref_slice %arg2[%mul3A_52, %dma_start3A_108] : memref<2500x128xi32, #tpu.memory_space<hbm>> -> memref<80x128xi32, #tpu.memory_space<hbm>>
        tpu.enqueue_dma source(%dma_start3A_109 : memref<80x128xi32, #tpu.memory_space<hbm>>) target(%arg7 : memref<80x128xi32, #tpu.memory_space<vmem>>) target_semaphore(%run_scoped3A : memref<!tpu.dma_semaphore, #tpu.memory_space<semaphore_mem>>)
        %dma_wait3A_110 = arith.constant 0 : i32
        %dma_wait3A_111 = tpu.memref_slice %arg2[%mul3A_52, %dma_wait3A_110] : memref<2500x128xi32, #tpu.memory_space<hbm>> -> memref<80x128xi32, #tpu.memory_space<hbm>>
        %dma_wait3A_112 = arith.constant 0 : i32
        %dma_wait3A_113 = tpu.memref_slice %arg2[%mul3A_52, %dma_wait3A_112] : memref<2500x128xi32, #tpu.memory_space<hbm>> -> memref<80x128xi32, #tpu.memory_space<hbm>>
        tpu.wait_dma2 semaphore(%run_scoped3A : memref<!tpu.dma_semaphore, #tpu.memory_space<semaphore_mem>>) src(%dma_wait3A_113 : memref<80x128xi32, #tpu.memory_space<hbm>>) dst(%arg7 : memref<80x128xi32, #tpu.memory_space<vmem>>)
        tpu.yield
      }) : () -> ()
    } else {
    }
    %add3A_57 = arith.constant 80 : i32
    %add3A_58 = arith.addi %mul3A_52, %add3A_57 : i32
    %gt3A = arith.constant 2500 : i32
    %gt3A_59 = arith.cmpi sgt, %add3A_58, %gt3A : i32
    %convert_element_type3A_60 = arith.extui %gt3A_59 : i1 to i32
    %cond3A_61 = arith.constant 0 : i32
    %cond3A_62 = arith.cmpi ne, %convert_element_type3A_60, %cond3A_61 : i32
    scf.if %cond3A_62 {
      "tpu.region"() ({
        %run_scoped3A = tpu.sem_alloc : memref<!tpu.dma_semaphore, #tpu.memory_space<semaphore_mem>>
        %dma_start3A = arith.constant 0 : i32
        %dma_start3A_107 = arith.constant 0 : i32
        %dma_start3A_108 = tpu.memref_slice %arg7[%dma_start3A, %dma_start3A_107] : memref<80x128xi32, #tpu.memory_space<vmem>> -> memref<20x128xi32, #tpu.memory_space<vmem>>
        %dma_start3A_109 = arith.constant 2480 : i32
        %dma_start3A_110 = arith.constant 0 : i32
        %dma_start3A_111 = tpu.memref_slice %arg2[%dma_start3A_109, %dma_start3A_110] : memref<2500x128xi32, #tpu.memory_space<hbm>> -> memref<20x128xi32, #tpu.memory_space<hbm>>
        %dma_start3A_112 = arith.constant 0 : i32
        %dma_start3A_113 = arith.constant 0 : i32
        %dma_start3A_114 = tpu.memref_slice %arg7[%dma_start3A_112, %dma_start3A_113] : memref<80x128xi32, #tpu.memory_space<vmem>> -> memref<20x128xi32, #tpu.memory_space<vmem>>
        %dma_start3A_115 = arith.constant 2480 : i32
        %dma_start3A_116 = arith.constant 0 : i32
        %dma_start3A_117 = tpu.memref_slice %arg2[%dma_start3A_115, %dma_start3A_116] : memref<2500x128xi32, #tpu.memory_space<hbm>> -> memref<20x128xi32, #tpu.memory_space<hbm>>
        tpu.enqueue_dma source(%dma_start3A_117 : memref<20x128xi32, #tpu.memory_space<hbm>>) target(%dma_start3A_114 : memref<20x128xi32, #tpu.memory_space<vmem>>) target_semaphore(%run_scoped3A : memref<!tpu.dma_semaphore, #tpu.memory_space<semaphore_mem>>)
        %dma_wait3A_118 = arith.constant 0 : i32
        %dma_wait3A_119 = arith.constant 0 : i32
        %dma_wait3A_120 = tpu.memref_slice %arg7[%dma_wait3A_118, %dma_wait3A_119] : memref<80x128xi32, #tpu.memory_space<vmem>> -> memref<20x128xi32, #tpu.memory_space<vmem>>
        %dma_wait3A_121 = arith.constant 2480 : i32
        %dma_wait3A_122 = arith.constant 0 : i32
        %dma_wait3A_123 = tpu.memref_slice %arg2[%dma_wait3A_121, %dma_wait3A_122] : memref<2500x128xi32, #tpu.memory_space<hbm>> -> memref<20x128xi32, #tpu.memory_space<hbm>>
        %dma_wait3A_124 = arith.constant 0 : i32
        %dma_wait3A_125 = arith.constant 0 : i32
        %dma_wait3A_126 = tpu.memref_slice %arg7[%dma_wait3A_124, %dma_wait3A_125] : memref<80x128xi32, #tpu.memory_space<vmem>> -> memref<20x128xi32, #tpu.memory_space<vmem>>
        %dma_wait3A_127 = arith.constant 2480 : i32
        %dma_wait3A_128 = arith.constant 0 : i32
        %dma_wait3A_129 = tpu.memref_slice %arg2[%dma_wait3A_127, %dma_wait3A_128] : memref<2500x128xi32, #tpu.memory_space<hbm>> -> memref<20x128xi32, #tpu.memory_space<hbm>>
        tpu.wait_dma2 semaphore(%run_scoped3A : memref<!tpu.dma_semaphore, #tpu.memory_space<semaphore_mem>>) src(%dma_wait3A_129 : memref<20x128xi32, #tpu.memory_space<hbm>>) dst(%dma_wait3A_126 : memref<20x128xi32, #tpu.memory_space<vmem>>)
        tpu.yield
      }) : () -> ()
      "tpu.region"() ({
        %run_scoped3A = tpu.sem_alloc : memref<!tpu.dma_semaphore, #tpu.memory_space<semaphore_mem>>
        %dma_start3A = arith.constant 20 : i32
        %dma_start3A_107 = arith.constant 0 : i32
        %dma_start3A_108 = tpu.memref_slice %arg7[%dma_start3A, %dma_start3A_107] : memref<80x128xi32, #tpu.memory_space<vmem>> -> memref<60x128xi32, #tpu.memory_space<vmem>>
        %dma_start3A_109 = arith.constant 0 : i32
        %dma_start3A_110 = arith.constant 0 : i32
        %dma_start3A_111 = tpu.memref_slice %arg3[%dma_start3A_109, %dma_start3A_110] : memref<60x128xi32, #tpu.memory_space<hbm>> -> memref<60x128xi32, #tpu.memory_space<hbm>>
        %dma_start3A_112 = arith.constant 20 : i32
        %dma_start3A_113 = arith.constant 0 : i32
        %dma_start3A_114 = tpu.memref_slice %arg7[%dma_start3A_112, %dma_start3A_113] : memref<80x128xi32, #tpu.memory_space<vmem>> -> memref<60x128xi32, #tpu.memory_space<vmem>>
        %dma_start3A_115 = arith.constant 0 : i32
        %dma_start3A_116 = arith.constant 0 : i32
        %dma_start3A_117 = tpu.memref_slice %arg3[%dma_start3A_115, %dma_start3A_116] : memref<60x128xi32, #tpu.memory_space<hbm>> -> memref<60x128xi32, #tpu.memory_space<hbm>>
        tpu.enqueue_dma source(%dma_start3A_117 : memref<60x128xi32, #tpu.memory_space<hbm>>) target(%dma_start3A_114 : memref<60x128xi32, #tpu.memory_space<vmem>>) target_semaphore(%run_scoped3A : memref<!tpu.dma_semaphore, #tpu.memory_space<semaphore_mem>>)
        %dma_wait3A_118 = arith.constant 20 : i32
        %dma_wait3A_119 = arith.constant 0 : i32
        %dma_wait3A_120 = tpu.memref_slice %arg7[%dma_wait3A_118, %dma_wait3A_119] : memref<80x128xi32, #tpu.memory_space<vmem>> -> memref<60x128xi32, #tpu.memory_space<vmem>>
        %dma_wait3A_121 = arith.constant 0 : i32
        %dma_wait3A_122 = arith.constant 0 : i32
        %dma_wait3A_123 = tpu.memref_slice %arg3[%dma_wait3A_121, %dma_wait3A_122] : memref<60x128xi32, #tpu.memory_space<hbm>> -> memref<60x128xi32, #tpu.memory_space<hbm>>
        %dma_wait3A_124 = arith.constant 20 : i32
        %dma_wait3A_125 = arith.constant 0 : i32
        %dma_wait3A_126 = tpu.memref_slice %arg7[%dma_wait3A_124, %dma_wait3A_125] : memref<80x128xi32, #tpu.memory_space<vmem>> -> memref<60x128xi32, #tpu.memory_space<vmem>>
        %dma_wait3A_127 = arith.constant 0 : i32
        %dma_wait3A_128 = arith.constant 0 : i32
        %dma_wait3A_129 = tpu.memref_slice %arg3[%dma_wait3A_127, %dma_wait3A_128] : memref<60x128xi32, #tpu.memory_space<hbm>> -> memref<60x128xi32, #tpu.memory_space<hbm>>
        tpu.wait_dma2 semaphore(%run_scoped3A : memref<!tpu.dma_semaphore, #tpu.memory_space<semaphore_mem>>) src(%dma_wait3A_129 : memref<60x128xi32, #tpu.memory_space<hbm>>) dst(%dma_wait3A_126 : memref<60x128xi32, #tpu.memory_space<vmem>>)
        tpu.yield
      }) : () -> ()
    } else {
    }
    %barrier3A = arith.constant 0 : index
    tpu.barrier barrier_id(%barrier3A)
    %scan3A = arith.constant 0 : i32
    %scan3A_63 = arith.constant 0 : i32
    %scan3A_64 = arith.constant 80 : i32
    %scan3A_65 = arith.addi %scan3A_63, %scan3A_64 : i32
    %scan3A_66 = arith.constant 1 : i32
    scf.for %scan3A_107 = %scan3A_63 to %scan3A_65 step %scan3A_66  : i32 {
      %ge3A = arith.constant 8 : i32
      %ge3A_108 = arith.cmpi sge, %scan3A_107, %ge3A : i32
      %convert_element_type3A_109 = arith.extui %ge3A_108 : i1 to i32
      %cond3A_110 = arith.constant 0 : i32
      %cond3A_111 = arith.cmpi ne, %convert_element_type3A_109, %cond3A_110 : i32
      scf.if %cond3A_111 {
        %dma_wait3A_116 = arith.constant 0 : i32
        %dma_wait3A_117 = tpu.memref_slice %arg4[%dma_wait3A_116] : memref<10240xf32, #tpu.memory_space<hbm>> -> memref<128xf32, #tpu.memory_space<hbm>>
        %dma_wait3A_118 = arith.constant 0 : i32
        %dma_wait3A_119 = tpu.memref_slice %arg4[%dma_wait3A_118] : memref<10240xf32, #tpu.memory_space<hbm>> -> memref<128xf32, #tpu.memory_space<hbm>>
        tpu.wait_dma2 semaphore(%arg9 : memref<!tpu.dma_semaphore, #tpu.memory_space<semaphore_mem>>) src(%dma_wait3A_119 : memref<128xf32, #tpu.memory_space<hbm>>) dst(%arg8 : memref<128xf32, #tpu.memory_space<vmem>>)
      } else {
      }
      %dma_start3A = arith.constant 0 : i32
      %dma_start3A_112 = tpu.memref_slice %arg7[%scan3A_107, %dma_start3A] : memref<80x128xi32, #tpu.memory_space<vmem>> -> memref<1x128xi32, #tpu.memory_space<vmem>>
      %dma_start3A_113 = tpu.memref_squeeze %dma_start3A_112 : memref<1x128xi32, #tpu.memory_space<vmem>> -> memref<128xi32, #tpu.memory_space<vmem>>
      %dma_start3A_114 = arith.constant 0 : i32
      %dma_start3A_115 = tpu.memref_slice %arg6[%dma_start3A_114] : memref<10240xf32, #tpu.memory_space<vmem_shared>> -> memref<10240xf32, #tpu.memory_space<vmem_shared>>
      tpu.enqueue_indirect_dma source(%arg8 : memref<128xf32, #tpu.memory_space<vmem>>) target(%dma_start3A_115 : memref<10240xf32, #tpu.memory_space<vmem_shared>>) offsets(%dma_start3A_113 : memref<128xi32, #tpu.memory_space<vmem>>) semaphore(%arg9 : memref<!tpu.dma_semaphore, #tpu.memory_space<semaphore_mem>>) {add = true}
    }
    %scan3A_67 = arith.constant 80 : i32
    %dma_wait3A = arith.constant 0 : i32
    %dma_wait3A_68 = tpu.memref_slice %arg4[%dma_wait3A] : memref<10240xf32, #tpu.memory_space<hbm>> -> memref<128xf32, #tpu.memory_space<hbm>>
    %dma_wait3A_69 = arith.constant 0 : i32
    %dma_wait3A_70 = tpu.memref_slice %arg4[%dma_wait3A_69] : memref<10240xf32, #tpu.memory_space<hbm>> -> memref<128xf32, #tpu.memory_space<hbm>>
    tpu.wait_dma2 semaphore(%arg9 : memref<!tpu.dma_semaphore, #tpu.memory_space<semaphore_mem>>) src(%dma_wait3A_70 : memref<128xf32, #tpu.memory_space<hbm>>) dst(%arg8 : memref<128xf32, #tpu.memory_space<vmem>>)
    %dma_wait3A_71 = arith.constant 0 : i32
    %dma_wait3A_72 = tpu.memref_slice %arg4[%dma_wait3A_71] : memref<10240xf32, #tpu.memory_space<hbm>> -> memref<128xf32, #tpu.memory_space<hbm>>
    %dma_wait3A_73 = arith.constant 0 : i32
    %dma_wait3A_74 = tpu.memref_slice %arg4[%dma_wait3A_73] : memref<10240xf32, #tpu.memory_space<hbm>> -> memref<128xf32, #tpu.memory_space<hbm>>
    tpu.wait_dma2 semaphore(%arg9 : memref<!tpu.dma_semaphore, #tpu.memory_space<semaphore_mem>>) src(%dma_wait3A_74 : memref<128xf32, #tpu.memory_space<hbm>>) dst(%arg8 : memref<128xf32, #tpu.memory_space<vmem>>)
    %dma_wait3A_75 = arith.constant 0 : i32
    %dma_wait3A_76 = tpu.memref_slice %arg4[%dma_wait3A_75] : memref<10240xf32, #tpu.memory_space<hbm>> -> memref<128xf32, #tpu.memory_space<hbm>>
    %dma_wait3A_77 = arith.constant 0 : i32
    %dma_wait3A_78 = tpu.memref_slice %arg4[%dma_wait3A_77] : memref<10240xf32, #tpu.memory_space<hbm>> -> memref<128xf32, #tpu.memory_space<hbm>>
    tpu.wait_dma2 semaphore(%arg9 : memref<!tpu.dma_semaphore, #tpu.memory_space<semaphore_mem>>) src(%dma_wait3A_78 : memref<128xf32, #tpu.memory_space<hbm>>) dst(%arg8 : memref<128xf32, #tpu.memory_space<vmem>>)
    %dma_wait3A_79 = arith.constant 0 : i32
    %dma_wait3A_80 = tpu.memref_slice %arg4[%dma_wait3A_79] : memref<10240xf32, #tpu.memory_space<hbm>> -> memref<128xf32, #tpu.memory_space<hbm>>
    %dma_wait3A_81 = arith.constant 0 : i32
    %dma_wait3A_82 = tpu.memref_slice %arg4[%dma_wait3A_81] : memref<10240xf32, #tpu.memory_space<hbm>> -> memref<128xf32, #tpu.memory_space<hbm>>
    tpu.wait_dma2 semaphore(%arg9 : memref<!tpu.dma_semaphore, #tpu.memory_space<semaphore_mem>>) src(%dma_wait3A_82 : memref<128xf32, #tpu.memory_space<hbm>>) dst(%arg8 : memref<128xf32, #tpu.memory_space<vmem>>)
    %dma_wait3A_83 = arith.constant 0 : i32
    %dma_wait3A_84 = tpu.memref_slice %arg4[%dma_wait3A_83] : memref<10240xf32, #tpu.memory_space<hbm>> -> memref<128xf32, #tpu.memory_space<hbm>>
    %dma_wait3A_85 = arith.constant 0 : i32
    %dma_wait3A_86 = tpu.memref_slice %arg4[%dma_wait3A_85] : memref<10240xf32, #tpu.memory_space<hbm>> -> memref<128xf32, #tpu.memory_space<hbm>>
    tpu.wait_dma2 semaphore(%arg9 : memref<!tpu.dma_semaphore, #tpu.memory_space<semaphore_mem>>) src(%dma_wait3A_86 : memref<128xf32, #tpu.memory_space<hbm>>) dst(%arg8 : memref<128xf32, #tpu.memory_space<vmem>>)
    %dma_wait3A_87 = arith.constant 0 : i32
    %dma_wait3A_88 = tpu.memref_slice %arg4[%dma_wait3A_87] : memref<10240xf32, #tpu.memory_space<hbm>> -> memref<128xf32, #tpu.memory_space<hbm>>
    %dma_wait3A_89 = arith.constant 0 : i32
    %dma_wait3A_90 = tpu.memref_slice %arg4[%dma_wait3A_89] : memref<10240xf32, #tpu.memory_space<hbm>> -> memref<128xf32, #tpu.memory_space<hbm>>
    tpu.wait_dma2 semaphore(%arg9 : memref<!tpu.dma_semaphore, #tpu.memory_space<semaphore_mem>>) src(%dma_wait3A_90 : memref<128xf32, #tpu.memory_space<hbm>>) dst(%arg8 : memref<128xf32, #tpu.memory_space<vmem>>)
    %dma_wait3A_91 = arith.constant 0 : i32
    %dma_wait3A_92 = tpu.memref_slice %arg4[%dma_wait3A_91] : memref<10240xf32, #tpu.memory_space<hbm>> -> memref<128xf32, #tpu.memory_space<hbm>>
    %dma_wait3A_93 = arith.constant 0 : i32
    %dma_wait3A_94 = tpu.memref_slice %arg4[%dma_wait3A_93] : memref<10240xf32, #tpu.memory_space<hbm>> -> memref<128xf32, #tpu.memory_space<hbm>>
    tpu.wait_dma2 semaphore(%arg9 : memref<!tpu.dma_semaphore, #tpu.memory_space<semaphore_mem>>) src(%dma_wait3A_94 : memref<128xf32, #tpu.memory_space<hbm>>) dst(%arg8 : memref<128xf32, #tpu.memory_space<vmem>>)
    %dma_wait3A_95 = arith.constant 0 : i32
    %dma_wait3A_96 = tpu.memref_slice %arg4[%dma_wait3A_95] : memref<10240xf32, #tpu.memory_space<hbm>> -> memref<128xf32, #tpu.memory_space<hbm>>
    %dma_wait3A_97 = arith.constant 0 : i32
    %dma_wait3A_98 = tpu.memref_slice %arg4[%dma_wait3A_97] : memref<10240xf32, #tpu.memory_space<hbm>> -> memref<128xf32, #tpu.memory_space<hbm>>
    tpu.wait_dma2 semaphore(%arg9 : memref<!tpu.dma_semaphore, #tpu.memory_space<semaphore_mem>>) src(%dma_wait3A_98 : memref<128xf32, #tpu.memory_space<hbm>>) dst(%arg8 : memref<128xf32, #tpu.memory_space<vmem>>)
    %barrier3A_99 = arith.constant 0 : index
    tpu.barrier barrier_id(%barrier3A_99)
    %mul3A_100 = arith.constant 640 : i32
    %mul3A_101 = arith.muli %arg1, %mul3A_100 : i32
    %mul3A_102 = arith.constant 10240 : i32
    %mul3A_103 = arith.muli %arg0, %mul3A_102 : i32
    %mul3A_104 = arith.constant 640 : i32
    %mul3A_105 = arith.muli %arg1, %mul3A_104 : i32
    %add3A_106 = arith.addi %mul3A_103, %mul3A_105 : i32
    "tpu.region"() ({
      %run_scoped3A = tpu.sem_alloc : memref<!tpu.dma_semaphore, #tpu.memory_space<semaphore_mem>>
      %dma_start3A = tpu.memref_slice %arg5[%add3A_106] : memref<20480xf32, #tpu.memory_space<hbm>> -> memref<640xf32, #tpu.memory_space<hbm>>
      %dma_start3A_107 = tpu.memref_slice %arg6[%mul3A_101] : memref<10240xf32, #tpu.memory_space<vmem_shared>> -> memref<640xf32, #tpu.memory_space<vmem_shared>>
      tpu.enqueue_dma source(%dma_start3A_107 : memref<640xf32, #tpu.memory_space<vmem_shared>>) target(%dma_start3A : memref<640xf32, #tpu.memory_space<hbm>>) target_semaphore(%run_scoped3A : memref<!tpu.dma_semaphore, #tpu.memory_space<semaphore_mem>>)
      %dma_wait3A_108 = tpu.memref_slice %arg5[%add3A_106] : memref<20480xf32, #tpu.memory_space<hbm>> -> memref<640xf32, #tpu.memory_space<hbm>>
      %dma_wait3A_109 = tpu.memref_slice %arg6[%mul3A_101] : memref<10240xf32, #tpu.memory_space<vmem_shared>> -> memref<640xf32, #tpu.memory_space<vmem_shared>>
      tpu.wait_dma2 semaphore(%run_scoped3A : memref<!tpu.dma_semaphore, #tpu.memory_space<semaphore_mem>>) src(%dma_wait3A_109 : memref<640xf32, #tpu.memory_space<vmem_shared>>) dst(%dma_wait3A_108 : memref<640xf32, #tpu.memory_space<hbm>>)
      tpu.yield
    }) : () -> ()
    return
  }
}

#map = affine_map<(d0, d1) -> (0, 0)>
#map1 = affine_map<(d0, d1) -> (0, 0, 0)>
module attributes {stable_mosaic.version = 14 : i64} {
  func.func @mp_kernel(%arg0: i32, %arg1: i32, %arg2: memref<10240x32xf32, #tpu.memory_space<hbm>>, %arg3: memref<2500x128xi32, #tpu.memory_space<hbm>>, %arg4: memref<2500x128xi32, #tpu.memory_space<hbm>>, %arg5: memref<60x128xi32, #tpu.memory_space<hbm>>, %arg6: memref<10240x32xf32, #tpu.memory_space<hbm>>, %arg7: memref<2x10240x32xf32, #tpu.memory_space<hbm>>, %arg8: memref<10240x32xf32, #tpu.memory_space<vmem_shared>>, %arg9: memref<80x128xi32, #tpu.memory_space<vmem>>, %arg10: memref<80x128xi32, #tpu.memory_space<vmem>>, %arg11: memref<128x32xf32, #tpu.memory_space<vmem>>, %arg12: memref<128x32xf32, #tpu.memory_space<vmem>>, %arg13: memref<128x32xf32, #tpu.memory_space<vmem>>, %arg14: memref<128x32xf32, #tpu.memory_space<vmem>>, %arg15: memref<128x32xf32, #tpu.memory_space<vmem>>, %arg16: memref<128x32xf32, #tpu.memory_space<vmem>>, %arg17: memref<128x32xf32, #tpu.memory_space<vmem>>, %arg18: memref<128x32xf32, #tpu.memory_space<vmem>>, %arg19: memref<!tpu.dma_semaphore, #tpu.memory_space<semaphore_mem>>, %arg20: memref<!tpu.dma_semaphore, #tpu.memory_space<semaphore_mem>>, %arg21: memref<!tpu.dma_semaphore, #tpu.memory_space<semaphore_mem>>, %arg22: memref<!tpu.dma_semaphore, #tpu.memory_space<semaphore_mem>>, %arg23: memref<!tpu.dma_semaphore, #tpu.memory_space<semaphore_mem>>, %arg24: memref<!tpu.dma_semaphore, #tpu.memory_space<semaphore_mem>>, %arg25: memref<!tpu.dma_semaphore, #tpu.memory_space<semaphore_mem>>, %arg26: memref<!tpu.dma_semaphore, #tpu.memory_space<semaphore_mem>>, %arg27: memref<!tpu.dma_semaphore, #tpu.memory_space<semaphore_mem>>, %arg28: memref<!tpu.dma_semaphore, #tpu.memory_space<semaphore_mem>>, %arg29: memref<!tpu.dma_semaphore, #tpu.memory_space<semaphore_mem>>, %arg30: memref<!tpu.dma_semaphore, #tpu.memory_space<semaphore_mem>>, %arg31: memref<!tpu.dma_semaphore, #tpu.memory_space<semaphore_mem>>, %arg32: memref<!tpu.dma_semaphore, #tpu.memory_space<semaphore_mem>>, %arg33: memref<!tpu.dma_semaphore, #tpu.memory_space<semaphore_mem>>, %arg34: memref<!tpu.dma_semaphore, #tpu.memory_space<semaphore_mem>>) attributes {dimension_semantics = [#tpu.dimension_semantics<core_parallel>, #tpu.dimension_semantics<subcore_parallel>], iteration_bounds = array<i64: 2, 16>, scalar_prefetch = 0 : i64, scratch_operands = 27 : i64, tpu.core_type = #tpu.core_type<sc_vector_subcore>, window_params = [{transform_indices = #map}, {transform_indices = #map}, {transform_indices = #map}, {transform_indices = #map}, {transform_indices = #map}, {transform_indices = #map1}]} {
    %mul3A = arith.constant 16 : i32
    %mul3A_0 = arith.muli %arg0, %mul3A : i32
    %add3A = arith.addi %mul3A_0, %arg1 : i32
    %mul3A_1 = arith.constant 640 : i32
    %mul3A_2 = arith.muli %arg1, %mul3A_1 : i32
    %mul3A_3 = arith.constant 640 : i32
    %mul3A_4 = arith.muli %arg1, %mul3A_3 : i32
    "tpu.region"() ({
      %run_scoped3A = tpu.sem_alloc : memref<!tpu.dma_semaphore, #tpu.memory_space<semaphore_mem>>
      %dma_start3A_117 = arith.constant 0 : i32
      %dma_start3A_118 = tpu.memref_slice %arg8[%mul3A_4, %dma_start3A_117] : memref<10240x32xf32, #tpu.memory_space<vmem_shared>> -> memref<640x32xf32, #tpu.memory_space<vmem_shared>>
      %dma_start3A_119 = arith.constant 0 : i32
      %dma_start3A_120 = tpu.memref_slice %arg6[%mul3A_2, %dma_start3A_119] : memref<10240x32xf32, #tpu.memory_space<hbm>> -> memref<640x32xf32, #tpu.memory_space<hbm>>
      tpu.enqueue_dma source(%dma_start3A_120 : memref<640x32xf32, #tpu.memory_space<hbm>>) target(%dma_start3A_118 : memref<640x32xf32, #tpu.memory_space<vmem_shared>>) target_semaphore(%run_scoped3A : memref<!tpu.dma_semaphore, #tpu.memory_space<semaphore_mem>>)
      %dma_wait3A_121 = arith.constant 0 : i32
      %dma_wait3A_122 = tpu.memref_slice %arg8[%mul3A_4, %dma_wait3A_121] : memref<10240x32xf32, #tpu.memory_space<vmem_shared>> -> memref<640x32xf32, #tpu.memory_space<vmem_shared>>
      %dma_wait3A_123 = arith.constant 0 : i32
      %dma_wait3A_124 = tpu.memref_slice %arg6[%mul3A_2, %dma_wait3A_123] : memref<10240x32xf32, #tpu.memory_space<hbm>> -> memref<640x32xf32, #tpu.memory_space<hbm>>
      tpu.wait_dma2 semaphore(%run_scoped3A : memref<!tpu.dma_semaphore, #tpu.memory_space<semaphore_mem>>) src(%dma_wait3A_124 : memref<640x32xf32, #tpu.memory_space<hbm>>) dst(%dma_wait3A_122 : memref<640x32xf32, #tpu.memory_space<vmem_shared>>)
      tpu.yield
    }) : () -> ()
    %mul3A_5 = arith.constant 80 : i32
    %mul3A_6 = arith.muli %add3A, %mul3A_5 : i32
    %add3A_7 = arith.constant 80 : i32
    %add3A_8 = arith.addi %mul3A_6, %add3A_7 : i32
    %le3A = arith.constant 2500 : i32
    %le3A_9 = arith.cmpi sle, %add3A_8, %le3A : i32
    %convert_element_type3A = arith.extui %le3A_9 : i1 to i32
    %cond3A = arith.constant 0 : i32
    %cond3A_10 = arith.cmpi ne, %convert_element_type3A, %cond3A : i32
    scf.if %cond3A_10 {
      "tpu.region"() ({
        %run_scoped3A = tpu.sem_alloc : memref<!tpu.dma_semaphore, #tpu.memory_space<semaphore_mem>>
        %dma_start3A_117 = arith.constant 0 : i32
        %dma_start3A_118 = tpu.memref_slice %arg3[%mul3A_6, %dma_start3A_117] : memref<2500x128xi32, #tpu.memory_space<hbm>> -> memref<80x128xi32, #tpu.memory_space<hbm>>
        %dma_start3A_119 = arith.constant 0 : i32
        %dma_start3A_120 = tpu.memref_slice %arg3[%mul3A_6, %dma_start3A_119] : memref<2500x128xi32, #tpu.memory_space<hbm>> -> memref<80x128xi32, #tpu.memory_space<hbm>>
        tpu.enqueue_dma source(%dma_start3A_120 : memref<80x128xi32, #tpu.memory_space<hbm>>) target(%arg9 : memref<80x128xi32, #tpu.memory_space<vmem>>) target_semaphore(%run_scoped3A : memref<!tpu.dma_semaphore, #tpu.memory_space<semaphore_mem>>)
        %dma_wait3A_121 = arith.constant 0 : i32
        %dma_wait3A_122 = tpu.memref_slice %arg3[%mul3A_6, %dma_wait3A_121] : memref<2500x128xi32, #tpu.memory_space<hbm>> -> memref<80x128xi32, #tpu.memory_space<hbm>>
        %dma_wait3A_123 = arith.constant 0 : i32
        %dma_wait3A_124 = tpu.memref_slice %arg3[%mul3A_6, %dma_wait3A_123] : memref<2500x128xi32, #tpu.memory_space<hbm>> -> memref<80x128xi32, #tpu.memory_space<hbm>>
        tpu.wait_dma2 semaphore(%run_scoped3A : memref<!tpu.dma_semaphore, #tpu.memory_space<semaphore_mem>>) src(%dma_wait3A_124 : memref<80x128xi32, #tpu.memory_space<hbm>>) dst(%arg9 : memref<80x128xi32, #tpu.memory_space<vmem>>)
        tpu.yield
      }) : () -> ()
    } else {
    }
    %add3A_11 = arith.constant 80 : i32
    %add3A_12 = arith.addi %mul3A_6, %add3A_11 : i32
    %gt3A = arith.constant 2500 : i32
    %gt3A_13 = arith.cmpi sgt, %add3A_12, %gt3A : i32
    %convert_element_type3A_14 = arith.extui %gt3A_13 : i1 to i32
    %cond3A_15 = arith.constant 0 : i32
    %cond3A_16 = arith.cmpi ne, %convert_element_type3A_14, %cond3A_15 : i32
    scf.if %cond3A_16 {
      "tpu.region"() ({
        %run_scoped3A = tpu.sem_alloc : memref<!tpu.dma_semaphore, #tpu.memory_space<semaphore_mem>>
        %dma_start3A_117 = arith.constant 0 : i32
        %dma_start3A_118 = arith.constant 0 : i32
        %dma_start3A_119 = tpu.memref_slice %arg9[%dma_start3A_117, %dma_start3A_118] : memref<80x128xi32, #tpu.memory_space<vmem>> -> memref<20x128xi32, #tpu.memory_space<vmem>>
        %dma_start3A_120 = arith.constant 2480 : i32
        %dma_start3A_121 = arith.constant 0 : i32
        %dma_start3A_122 = tpu.memref_slice %arg3[%dma_start3A_120, %dma_start3A_121] : memref<2500x128xi32, #tpu.memory_space<hbm>> -> memref<20x128xi32, #tpu.memory_space<hbm>>
        %dma_start3A_123 = arith.constant 0 : i32
        %dma_start3A_124 = arith.constant 0 : i32
        %dma_start3A_125 = tpu.memref_slice %arg9[%dma_start3A_123, %dma_start3A_124] : memref<80x128xi32, #tpu.memory_space<vmem>> -> memref<20x128xi32, #tpu.memory_space<vmem>>
        %dma_start3A_126 = arith.constant 2480 : i32
        %dma_start3A_127 = arith.constant 0 : i32
        %dma_start3A_128 = tpu.memref_slice %arg3[%dma_start3A_126, %dma_start3A_127] : memref<2500x128xi32, #tpu.memory_space<hbm>> -> memref<20x128xi32, #tpu.memory_space<hbm>>
        tpu.enqueue_dma source(%dma_start3A_128 : memref<20x128xi32, #tpu.memory_space<hbm>>) target(%dma_start3A_125 : memref<20x128xi32, #tpu.memory_space<vmem>>) target_semaphore(%run_scoped3A : memref<!tpu.dma_semaphore, #tpu.memory_space<semaphore_mem>>)
        %dma_wait3A_129 = arith.constant 0 : i32
        %dma_wait3A_130 = arith.constant 0 : i32
        %dma_wait3A_131 = tpu.memref_slice %arg9[%dma_wait3A_129, %dma_wait3A_130] : memref<80x128xi32, #tpu.memory_space<vmem>> -> memref<20x128xi32, #tpu.memory_space<vmem>>
        %dma_wait3A_132 = arith.constant 2480 : i32
        %dma_wait3A_133 = arith.constant 0 : i32
        %dma_wait3A_134 = tpu.memref_slice %arg3[%dma_wait3A_132, %dma_wait3A_133] : memref<2500x128xi32, #tpu.memory_space<hbm>> -> memref<20x128xi32, #tpu.memory_space<hbm>>
        %dma_wait3A_135 = arith.constant 0 : i32
        %dma_wait3A_136 = arith.constant 0 : i32
        %dma_wait3A_137 = tpu.memref_slice %arg9[%dma_wait3A_135, %dma_wait3A_136] : memref<80x128xi32, #tpu.memory_space<vmem>> -> memref<20x128xi32, #tpu.memory_space<vmem>>
        %dma_wait3A_138 = arith.constant 2480 : i32
        %dma_wait3A_139 = arith.constant 0 : i32
        %dma_wait3A_140 = tpu.memref_slice %arg3[%dma_wait3A_138, %dma_wait3A_139] : memref<2500x128xi32, #tpu.memory_space<hbm>> -> memref<20x128xi32, #tpu.memory_space<hbm>>
        tpu.wait_dma2 semaphore(%run_scoped3A : memref<!tpu.dma_semaphore, #tpu.memory_space<semaphore_mem>>) src(%dma_wait3A_140 : memref<20x128xi32, #tpu.memory_space<hbm>>) dst(%dma_wait3A_137 : memref<20x128xi32, #tpu.memory_space<vmem>>)
        tpu.yield
      }) : () -> ()
      "tpu.region"() ({
        %run_scoped3A = tpu.sem_alloc : memref<!tpu.dma_semaphore, #tpu.memory_space<semaphore_mem>>
        %dma_start3A_117 = arith.constant 20 : i32
        %dma_start3A_118 = arith.constant 0 : i32
        %dma_start3A_119 = tpu.memref_slice %arg9[%dma_start3A_117, %dma_start3A_118] : memref<80x128xi32, #tpu.memory_space<vmem>> -> memref<60x128xi32, #tpu.memory_space<vmem>>
        %dma_start3A_120 = arith.constant 0 : i32
        %dma_start3A_121 = arith.constant 0 : i32
        %dma_start3A_122 = tpu.memref_slice %arg5[%dma_start3A_120, %dma_start3A_121] : memref<60x128xi32, #tpu.memory_space<hbm>> -> memref<60x128xi32, #tpu.memory_space<hbm>>
        %dma_start3A_123 = arith.constant 20 : i32
        %dma_start3A_124 = arith.constant 0 : i32
        %dma_start3A_125 = tpu.memref_slice %arg9[%dma_start3A_123, %dma_start3A_124] : memref<80x128xi32, #tpu.memory_space<vmem>> -> memref<60x128xi32, #tpu.memory_space<vmem>>
        %dma_start3A_126 = arith.constant 0 : i32
        %dma_start3A_127 = arith.constant 0 : i32
        %dma_start3A_128 = tpu.memref_slice %arg5[%dma_start3A_126, %dma_start3A_127] : memref<60x128xi32, #tpu.memory_space<hbm>> -> memref<60x128xi32, #tpu.memory_space<hbm>>
        tpu.enqueue_dma source(%dma_start3A_128 : memref<60x128xi32, #tpu.memory_space<hbm>>) target(%dma_start3A_125 : memref<60x128xi32, #tpu.memory_space<vmem>>) target_semaphore(%run_scoped3A : memref<!tpu.dma_semaphore, #tpu.memory_space<semaphore_mem>>)
        %dma_wait3A_129 = arith.constant 20 : i32
        %dma_wait3A_130 = arith.constant 0 : i32
        %dma_wait3A_131 = tpu.memref_slice %arg9[%dma_wait3A_129, %dma_wait3A_130] : memref<80x128xi32, #tpu.memory_space<vmem>> -> memref<60x128xi32, #tpu.memory_space<vmem>>
        %dma_wait3A_132 = arith.constant 0 : i32
        %dma_wait3A_133 = arith.constant 0 : i32
        %dma_wait3A_134 = tpu.memref_slice %arg5[%dma_wait3A_132, %dma_wait3A_133] : memref<60x128xi32, #tpu.memory_space<hbm>> -> memref<60x128xi32, #tpu.memory_space<hbm>>
        %dma_wait3A_135 = arith.constant 20 : i32
        %dma_wait3A_136 = arith.constant 0 : i32
        %dma_wait3A_137 = tpu.memref_slice %arg9[%dma_wait3A_135, %dma_wait3A_136] : memref<80x128xi32, #tpu.memory_space<vmem>> -> memref<60x128xi32, #tpu.memory_space<vmem>>
        %dma_wait3A_138 = arith.constant 0 : i32
        %dma_wait3A_139 = arith.constant 0 : i32
        %dma_wait3A_140 = tpu.memref_slice %arg5[%dma_wait3A_138, %dma_wait3A_139] : memref<60x128xi32, #tpu.memory_space<hbm>> -> memref<60x128xi32, #tpu.memory_space<hbm>>
        tpu.wait_dma2 semaphore(%run_scoped3A : memref<!tpu.dma_semaphore, #tpu.memory_space<semaphore_mem>>) src(%dma_wait3A_140 : memref<60x128xi32, #tpu.memory_space<hbm>>) dst(%dma_wait3A_137 : memref<60x128xi32, #tpu.memory_space<vmem>>)
        tpu.yield
      }) : () -> ()
    } else {
    }
    %mul3A_17 = arith.constant 80 : i32
    %mul3A_18 = arith.muli %add3A, %mul3A_17 : i32
    %add3A_19 = arith.constant 80 : i32
    %add3A_20 = arith.addi %mul3A_18, %add3A_19 : i32
    %le3A_21 = arith.constant 2500 : i32
    %le3A_22 = arith.cmpi sle, %add3A_20, %le3A_21 : i32
    %convert_element_type3A_23 = arith.extui %le3A_22 : i1 to i32
    %cond3A_24 = arith.constant 0 : i32
    %cond3A_25 = arith.cmpi ne, %convert_element_type3A_23, %cond3A_24 : i32
    scf.if %cond3A_25 {
      "tpu.region"() ({
        %run_scoped3A = tpu.sem_alloc : memref<!tpu.dma_semaphore, #tpu.memory_space<semaphore_mem>>
        %dma_start3A_117 = arith.constant 0 : i32
        %dma_start3A_118 = tpu.memref_slice %arg4[%mul3A_18, %dma_start3A_117] : memref<2500x128xi32, #tpu.memory_space<hbm>> -> memref<80x128xi32, #tpu.memory_space<hbm>>
        %dma_start3A_119 = arith.constant 0 : i32
        %dma_start3A_120 = tpu.memref_slice %arg4[%mul3A_18, %dma_start3A_119] : memref<2500x128xi32, #tpu.memory_space<hbm>> -> memref<80x128xi32, #tpu.memory_space<hbm>>
        tpu.enqueue_dma source(%dma_start3A_120 : memref<80x128xi32, #tpu.memory_space<hbm>>) target(%arg10 : memref<80x128xi32, #tpu.memory_space<vmem>>) target_semaphore(%run_scoped3A : memref<!tpu.dma_semaphore, #tpu.memory_space<semaphore_mem>>)
        %dma_wait3A_121 = arith.constant 0 : i32
        %dma_wait3A_122 = tpu.memref_slice %arg4[%mul3A_18, %dma_wait3A_121] : memref<2500x128xi32, #tpu.memory_space<hbm>> -> memref<80x128xi32, #tpu.memory_space<hbm>>
        %dma_wait3A_123 = arith.constant 0 : i32
        %dma_wait3A_124 = tpu.memref_slice %arg4[%mul3A_18, %dma_wait3A_123] : memref<2500x128xi32, #tpu.memory_space<hbm>> -> memref<80x128xi32, #tpu.memory_space<hbm>>
        tpu.wait_dma2 semaphore(%run_scoped3A : memref<!tpu.dma_semaphore, #tpu.memory_space<semaphore_mem>>) src(%dma_wait3A_124 : memref<80x128xi32, #tpu.memory_space<hbm>>) dst(%arg10 : memref<80x128xi32, #tpu.memory_space<vmem>>)
        tpu.yield
      }) : () -> ()
    } else {
    }
    %add3A_26 = arith.constant 80 : i32
    %add3A_27 = arith.addi %mul3A_18, %add3A_26 : i32
    %gt3A_28 = arith.constant 2500 : i32
    %gt3A_29 = arith.cmpi sgt, %add3A_27, %gt3A_28 : i32
    %convert_element_type3A_30 = arith.extui %gt3A_29 : i1 to i32
    %cond3A_31 = arith.constant 0 : i32
    %cond3A_32 = arith.cmpi ne, %convert_element_type3A_30, %cond3A_31 : i32
    scf.if %cond3A_32 {
      "tpu.region"() ({
        %run_scoped3A = tpu.sem_alloc : memref<!tpu.dma_semaphore, #tpu.memory_space<semaphore_mem>>
        %dma_start3A_117 = arith.constant 0 : i32
        %dma_start3A_118 = arith.constant 0 : i32
        %dma_start3A_119 = tpu.memref_slice %arg10[%dma_start3A_117, %dma_start3A_118] : memref<80x128xi32, #tpu.memory_space<vmem>> -> memref<20x128xi32, #tpu.memory_space<vmem>>
        %dma_start3A_120 = arith.constant 2480 : i32
        %dma_start3A_121 = arith.constant 0 : i32
        %dma_start3A_122 = tpu.memref_slice %arg4[%dma_start3A_120, %dma_start3A_121] : memref<2500x128xi32, #tpu.memory_space<hbm>> -> memref<20x128xi32, #tpu.memory_space<hbm>>
        %dma_start3A_123 = arith.constant 0 : i32
        %dma_start3A_124 = arith.constant 0 : i32
        %dma_start3A_125 = tpu.memref_slice %arg10[%dma_start3A_123, %dma_start3A_124] : memref<80x128xi32, #tpu.memory_space<vmem>> -> memref<20x128xi32, #tpu.memory_space<vmem>>
        %dma_start3A_126 = arith.constant 2480 : i32
        %dma_start3A_127 = arith.constant 0 : i32
        %dma_start3A_128 = tpu.memref_slice %arg4[%dma_start3A_126, %dma_start3A_127] : memref<2500x128xi32, #tpu.memory_space<hbm>> -> memref<20x128xi32, #tpu.memory_space<hbm>>
        tpu.enqueue_dma source(%dma_start3A_128 : memref<20x128xi32, #tpu.memory_space<hbm>>) target(%dma_start3A_125 : memref<20x128xi32, #tpu.memory_space<vmem>>) target_semaphore(%run_scoped3A : memref<!tpu.dma_semaphore, #tpu.memory_space<semaphore_mem>>)
        %dma_wait3A_129 = arith.constant 0 : i32
        %dma_wait3A_130 = arith.constant 0 : i32
        %dma_wait3A_131 = tpu.memref_slice %arg10[%dma_wait3A_129, %dma_wait3A_130] : memref<80x128xi32, #tpu.memory_space<vmem>> -> memref<20x128xi32, #tpu.memory_space<vmem>>
        %dma_wait3A_132 = arith.constant 2480 : i32
        %dma_wait3A_133 = arith.constant 0 : i32
        %dma_wait3A_134 = tpu.memref_slice %arg4[%dma_wait3A_132, %dma_wait3A_133] : memref<2500x128xi32, #tpu.memory_space<hbm>> -> memref<20x128xi32, #tpu.memory_space<hbm>>
        %dma_wait3A_135 = arith.constant 0 : i32
        %dma_wait3A_136 = arith.constant 0 : i32
        %dma_wait3A_137 = tpu.memref_slice %arg10[%dma_wait3A_135, %dma_wait3A_136] : memref<80x128xi32, #tpu.memory_space<vmem>> -> memref<20x128xi32, #tpu.memory_space<vmem>>
        %dma_wait3A_138 = arith.constant 2480 : i32
        %dma_wait3A_139 = arith.constant 0 : i32
        %dma_wait3A_140 = tpu.memref_slice %arg4[%dma_wait3A_138, %dma_wait3A_139] : memref<2500x128xi32, #tpu.memory_space<hbm>> -> memref<20x128xi32, #tpu.memory_space<hbm>>
        tpu.wait_dma2 semaphore(%run_scoped3A : memref<!tpu.dma_semaphore, #tpu.memory_space<semaphore_mem>>) src(%dma_wait3A_140 : memref<20x128xi32, #tpu.memory_space<hbm>>) dst(%dma_wait3A_137 : memref<20x128xi32, #tpu.memory_space<vmem>>)
        tpu.yield
      }) : () -> ()
      "tpu.region"() ({
        %run_scoped3A = tpu.sem_alloc : memref<!tpu.dma_semaphore, #tpu.memory_space<semaphore_mem>>
        %dma_start3A_117 = arith.constant 20 : i32
        %dma_start3A_118 = arith.constant 0 : i32
        %dma_start3A_119 = tpu.memref_slice %arg10[%dma_start3A_117, %dma_start3A_118] : memref<80x128xi32, #tpu.memory_space<vmem>> -> memref<60x128xi32, #tpu.memory_space<vmem>>
        %dma_start3A_120 = arith.constant 0 : i32
        %dma_start3A_121 = arith.constant 0 : i32
        %dma_start3A_122 = tpu.memref_slice %arg5[%dma_start3A_120, %dma_start3A_121] : memref<60x128xi32, #tpu.memory_space<hbm>> -> memref<60x128xi32, #tpu.memory_space<hbm>>
        %dma_start3A_123 = arith.constant 20 : i32
        %dma_start3A_124 = arith.constant 0 : i32
        %dma_start3A_125 = tpu.memref_slice %arg10[%dma_start3A_123, %dma_start3A_124] : memref<80x128xi32, #tpu.memory_space<vmem>> -> memref<60x128xi32, #tpu.memory_space<vmem>>
        %dma_start3A_126 = arith.constant 0 : i32
        %dma_start3A_127 = arith.constant 0 : i32
        %dma_start3A_128 = tpu.memref_slice %arg5[%dma_start3A_126, %dma_start3A_127] : memref<60x128xi32, #tpu.memory_space<hbm>> -> memref<60x128xi32, #tpu.memory_space<hbm>>
        tpu.enqueue_dma source(%dma_start3A_128 : memref<60x128xi32, #tpu.memory_space<hbm>>) target(%dma_start3A_125 : memref<60x128xi32, #tpu.memory_space<vmem>>) target_semaphore(%run_scoped3A : memref<!tpu.dma_semaphore, #tpu.memory_space<semaphore_mem>>)
        %dma_wait3A_129 = arith.constant 20 : i32
        %dma_wait3A_130 = arith.constant 0 : i32
        %dma_wait3A_131 = tpu.memref_slice %arg10[%dma_wait3A_129, %dma_wait3A_130] : memref<80x128xi32, #tpu.memory_space<vmem>> -> memref<60x128xi32, #tpu.memory_space<vmem>>
        %dma_wait3A_132 = arith.constant 0 : i32
        %dma_wait3A_133 = arith.constant 0 : i32
        %dma_wait3A_134 = tpu.memref_slice %arg5[%dma_wait3A_132, %dma_wait3A_133] : memref<60x128xi32, #tpu.memory_space<hbm>> -> memref<60x128xi32, #tpu.memory_space<hbm>>
        %dma_wait3A_135 = arith.constant 20 : i32
        %dma_wait3A_136 = arith.constant 0 : i32
        %dma_wait3A_137 = tpu.memref_slice %arg10[%dma_wait3A_135, %dma_wait3A_136] : memref<80x128xi32, #tpu.memory_space<vmem>> -> memref<60x128xi32, #tpu.memory_space<vmem>>
        %dma_wait3A_138 = arith.constant 0 : i32
        %dma_wait3A_139 = arith.constant 0 : i32
        %dma_wait3A_140 = tpu.memref_slice %arg5[%dma_wait3A_138, %dma_wait3A_139] : memref<60x128xi32, #tpu.memory_space<hbm>> -> memref<60x128xi32, #tpu.memory_space<hbm>>
        tpu.wait_dma2 semaphore(%run_scoped3A : memref<!tpu.dma_semaphore, #tpu.memory_space<semaphore_mem>>) src(%dma_wait3A_140 : memref<60x128xi32, #tpu.memory_space<hbm>>) dst(%dma_wait3A_137 : memref<60x128xi32, #tpu.memory_space<vmem>>)
        tpu.yield
      }) : () -> ()
    } else {
    }
    %barrier3A = arith.constant 0 : index
    tpu.barrier barrier_id(%barrier3A)
    %dma_start3A = arith.constant 0 : i32
    %dma_start3A_33 = arith.constant 0 : i32
    %dma_start3A_34 = tpu.memref_slice %arg9[%dma_start3A, %dma_start3A_33] : memref<80x128xi32, #tpu.memory_space<vmem>> -> memref<1x128xi32, #tpu.memory_space<vmem>>
    %dma_start3A_35 = tpu.memref_squeeze %dma_start3A_34 : memref<1x128xi32, #tpu.memory_space<vmem>> -> memref<128xi32, #tpu.memory_space<vmem>>
    %dma_start3A_36 = arith.constant 0 : i32
    %dma_start3A_37 = arith.constant 0 : i32
    %dma_start3A_38 = tpu.memref_slice %arg2[%dma_start3A_36, %dma_start3A_37] : memref<10240x32xf32, #tpu.memory_space<hbm>> -> memref<10240x32xf32, #tpu.memory_space<hbm>>
    tpu.enqueue_indirect_dma source(%dma_start3A_38 : memref<10240x32xf32, #tpu.memory_space<hbm>>) target(%arg11 : memref<128x32xf32, #tpu.memory_space<vmem>>) offsets(%dma_start3A_35 : memref<128xi32, #tpu.memory_space<vmem>>) semaphore(%arg19 : memref<!tpu.dma_semaphore, #tpu.memory_space<semaphore_mem>>)
    %dma_start3A_39 = arith.constant 1 : i32
    %dma_start3A_40 = arith.constant 0 : i32
    %dma_start3A_41 = tpu.memref_slice %arg9[%dma_start3A_39, %dma_start3A_40] : memref<80x128xi32, #tpu.memory_space<vmem>> -> memref<1x128xi32, #tpu.memory_space<vmem>>
    %dma_start3A_42 = tpu.memref_squeeze %dma_start3A_41 : memref<1x128xi32, #tpu.memory_space<vmem>> -> memref<128xi32, #tpu.memory_space<vmem>>
    %dma_start3A_43 = arith.constant 0 : i32
    %dma_start3A_44 = arith.constant 0 : i32
    %dma_start3A_45 = tpu.memref_slice %arg2[%dma_start3A_43, %dma_start3A_44] : memref<10240x32xf32, #tpu.memory_space<hbm>> -> memref<10240x32xf32, #tpu.memory_space<hbm>>
    tpu.enqueue_indirect_dma source(%dma_start3A_45 : memref<10240x32xf32, #tpu.memory_space<hbm>>) target(%arg12 : memref<128x32xf32, #tpu.memory_space<vmem>>) offsets(%dma_start3A_42 : memref<128xi32, #tpu.memory_space<vmem>>) semaphore(%arg20 : memref<!tpu.dma_semaphore, #tpu.memory_space<semaphore_mem>>)
    %dma_start3A_46 = arith.constant 2 : i32
    %dma_start3A_47 = arith.constant 0 : i32
    %dma_start3A_48 = tpu.memref_slice %arg9[%dma_start3A_46, %dma_start3A_47] : memref<80x128xi32, #tpu.memory_space<vmem>> -> memref<1x128xi32, #tpu.memory_space<vmem>>
    %dma_start3A_49 = tpu.memref_squeeze %dma_start3A_48 : memref<1x128xi32, #tpu.memory_space<vmem>> -> memref<128xi32, #tpu.memory_space<vmem>>
    %dma_start3A_50 = arith.constant 0 : i32
    %dma_start3A_51 = arith.constant 0 : i32
    %dma_start3A_52 = tpu.memref_slice %arg2[%dma_start3A_50, %dma_start3A_51] : memref<10240x32xf32, #tpu.memory_space<hbm>> -> memref<10240x32xf32, #tpu.memory_space<hbm>>
    tpu.enqueue_indirect_dma source(%dma_start3A_52 : memref<10240x32xf32, #tpu.memory_space<hbm>>) target(%arg13 : memref<128x32xf32, #tpu.memory_space<vmem>>) offsets(%dma_start3A_49 : memref<128xi32, #tpu.memory_space<vmem>>) semaphore(%arg21 : memref<!tpu.dma_semaphore, #tpu.memory_space<semaphore_mem>>)
    %dma_start3A_53 = arith.constant 3 : i32
    %dma_start3A_54 = arith.constant 0 : i32
    %dma_start3A_55 = tpu.memref_slice %arg9[%dma_start3A_53, %dma_start3A_54] : memref<80x128xi32, #tpu.memory_space<vmem>> -> memref<1x128xi32, #tpu.memory_space<vmem>>
    %dma_start3A_56 = tpu.memref_squeeze %dma_start3A_55 : memref<1x128xi32, #tpu.memory_space<vmem>> -> memref<128xi32, #tpu.memory_space<vmem>>
    %dma_start3A_57 = arith.constant 0 : i32
    %dma_start3A_58 = arith.constant 0 : i32
    %dma_start3A_59 = tpu.memref_slice %arg2[%dma_start3A_57, %dma_start3A_58] : memref<10240x32xf32, #tpu.memory_space<hbm>> -> memref<10240x32xf32, #tpu.memory_space<hbm>>
    tpu.enqueue_indirect_dma source(%dma_start3A_59 : memref<10240x32xf32, #tpu.memory_space<hbm>>) target(%arg14 : memref<128x32xf32, #tpu.memory_space<vmem>>) offsets(%dma_start3A_56 : memref<128xi32, #tpu.memory_space<vmem>>) semaphore(%arg22 : memref<!tpu.dma_semaphore, #tpu.memory_space<semaphore_mem>>)
    %scan3A = arith.constant 0 : i32
    %scan3A_60 = arith.constant 0 : i32
    %scan3A_61 = arith.constant 10 : i32
    %scan3A_62 = arith.addi %scan3A_60, %scan3A_61 : i32
    %scan3A_63 = arith.constant 1 : i32
    scf.for %scan3A_117 = %scan3A_60 to %scan3A_62 step %scan3A_63  : i32 {
      %mul3A_118 = arith.constant 8 : i32
      %mul3A_119 = arith.muli %scan3A_117, %mul3A_118 : i32
      %add3A_120 = arith.constant 0 : i32
      %add3A_121 = arith.addi %mul3A_119, %add3A_120 : i32
      %dma_wait3A_122 = arith.constant 0 : i32
      %dma_wait3A_123 = arith.constant 0 : i32
      %dma_wait3A_124 = tpu.memref_slice %arg2[%dma_wait3A_122, %dma_wait3A_123] : memref<10240x32xf32, #tpu.memory_space<hbm>> -> memref<128x32xf32, #tpu.memory_space<hbm>>
      %dma_wait3A_125 = arith.constant 0 : i32
      %dma_wait3A_126 = arith.constant 0 : i32
      %dma_wait3A_127 = tpu.memref_slice %arg2[%dma_wait3A_125, %dma_wait3A_126] : memref<10240x32xf32, #tpu.memory_space<hbm>> -> memref<128x32xf32, #tpu.memory_space<hbm>>
      tpu.wait_dma2 semaphore(%arg19 : memref<!tpu.dma_semaphore, #tpu.memory_space<semaphore_mem>>) src(%dma_wait3A_127 : memref<128x32xf32, #tpu.memory_space<hbm>>) dst(%arg11 : memref<128x32xf32, #tpu.memory_space<vmem>>)
      %dma_start3A_128 = arith.constant 0 : i32
      %dma_start3A_129 = tpu.memref_slice %arg10[%add3A_121, %dma_start3A_128] : memref<80x128xi32, #tpu.memory_space<vmem>> -> memref<1x128xi32, #tpu.memory_space<vmem>>
      %dma_start3A_130 = tpu.memref_squeeze %dma_start3A_129 : memref<1x128xi32, #tpu.memory_space<vmem>> -> memref<128xi32, #tpu.memory_space<vmem>>
      %dma_start3A_131 = arith.constant 0 : i32
      %dma_start3A_132 = arith.constant 0 : i32
      %dma_start3A_133 = tpu.memref_slice %arg8[%dma_start3A_131, %dma_start3A_132] : memref<10240x32xf32, #tpu.memory_space<vmem_shared>> -> memref<10240x32xf32, #tpu.memory_space<vmem_shared>>
      tpu.enqueue_indirect_dma source(%arg11 : memref<128x32xf32, #tpu.memory_space<vmem>>) target(%dma_start3A_133 : memref<10240x32xf32, #tpu.memory_space<vmem_shared>>) offsets(%dma_start3A_130 : memref<128xi32, #tpu.memory_space<vmem>>) semaphore(%arg27 : memref<!tpu.dma_semaphore, #tpu.memory_space<semaphore_mem>>) {add = true}
      %add3A_134 = arith.constant 4 : i32
      %add3A_135 = arith.addi %add3A_121, %add3A_134 : i32
      %lt3A = arith.constant 80 : i32
      %lt3A_136 = arith.cmpi slt, %add3A_135, %lt3A : i32
      %convert_element_type3A_137 = arith.extui %lt3A_136 : i1 to i32
      %cond3A_138 = arith.constant 0 : i32
      %cond3A_139 = arith.cmpi ne, %convert_element_type3A_137, %cond3A_138 : i32
      scf.if %cond3A_139 {
        %ge3A = arith.constant 4 : i32
        %ge3A_301 = arith.cmpi sge, %add3A_121, %ge3A : i32
        %convert_element_type3A_302 = arith.extui %ge3A_301 : i1 to i32
        %cond3A_303 = arith.constant 0 : i32
        %cond3A_304 = arith.cmpi ne, %convert_element_type3A_302, %cond3A_303 : i32
        scf.if %cond3A_304 {
          %dma_wait3A_313 = arith.constant 0 : i32
          %dma_wait3A_314 = arith.constant 0 : i32
          %dma_wait3A_315 = tpu.memref_slice %arg2[%dma_wait3A_313, %dma_wait3A_314] : memref<10240x32xf32, #tpu.memory_space<hbm>> -> memref<128x32xf32, #tpu.memory_space<hbm>>
          %dma_wait3A_316 = arith.constant 0 : i32
          %dma_wait3A_317 = arith.constant 0 : i32
          %dma_wait3A_318 = tpu.memref_slice %arg2[%dma_wait3A_316, %dma_wait3A_317] : memref<10240x32xf32, #tpu.memory_space<hbm>> -> memref<128x32xf32, #tpu.memory_space<hbm>>
          tpu.wait_dma2 semaphore(%arg31 : memref<!tpu.dma_semaphore, #tpu.memory_space<semaphore_mem>>) src(%dma_wait3A_318 : memref<128x32xf32, #tpu.memory_space<hbm>>) dst(%arg15 : memref<128x32xf32, #tpu.memory_space<vmem>>)
        } else {
        }
        %add3A_305 = arith.constant 4 : i32
        %add3A_306 = arith.addi %add3A_121, %add3A_305 : i32
        %dma_start3A_307 = arith.constant 0 : i32
        %dma_start3A_308 = tpu.memref_slice %arg9[%add3A_306, %dma_start3A_307] : memref<80x128xi32, #tpu.memory_space<vmem>> -> memref<1x128xi32, #tpu.memory_space<vmem>>
        %dma_start3A_309 = tpu.memref_squeeze %dma_start3A_308 : memref<1x128xi32, #tpu.memory_space<vmem>> -> memref<128xi32, #tpu.memory_space<vmem>>
        %dma_start3A_310 = arith.constant 0 : i32
        %dma_start3A_311 = arith.constant 0 : i32
        %dma_start3A_312 = tpu.memref_slice %arg2[%dma_start3A_310, %dma_start3A_311] : memref<10240x32xf32, #tpu.memory_space<hbm>> -> memref<10240x32xf32, #tpu.memory_space<hbm>>
        tpu.enqueue_indirect_dma source(%dma_start3A_312 : memref<10240x32xf32, #tpu.memory_space<hbm>>) target(%arg15 : memref<128x32xf32, #tpu.memory_space<vmem>>) offsets(%dma_start3A_309 : memref<128xi32, #tpu.memory_space<vmem>>) semaphore(%arg23 : memref<!tpu.dma_semaphore, #tpu.memory_space<semaphore_mem>>)
      } else {
      }
      %mul3A_140 = arith.constant 8 : i32
      %mul3A_141 = arith.muli %scan3A_117, %mul3A_140 : i32
      %add3A_142 = arith.constant 1 : i32
      %add3A_143 = arith.addi %mul3A_141, %add3A_142 : i32
      %dma_wait3A_144 = arith.constant 0 : i32
      %dma_wait3A_145 = arith.constant 0 : i32
      %dma_wait3A_146 = tpu.memref_slice %arg2[%dma_wait3A_144, %dma_wait3A_145] : memref<10240x32xf32, #tpu.memory_space<hbm>> -> memref<128x32xf32, #tpu.memory_space<hbm>>
      %dma_wait3A_147 = arith.constant 0 : i32
      %dma_wait3A_148 = arith.constant 0 : i32
      %dma_wait3A_149 = tpu.memref_slice %arg2[%dma_wait3A_147, %dma_wait3A_148] : memref<10240x32xf32, #tpu.memory_space<hbm>> -> memref<128x32xf32, #tpu.memory_space<hbm>>
      tpu.wait_dma2 semaphore(%arg20 : memref<!tpu.dma_semaphore, #tpu.memory_space<semaphore_mem>>) src(%dma_wait3A_149 : memref<128x32xf32, #tpu.memory_space<hbm>>) dst(%arg12 : memref<128x32xf32, #tpu.memory_space<vmem>>)
      %dma_start3A_150 = arith.constant 0 : i32
      %dma_start3A_151 = tpu.memref_slice %arg10[%add3A_143, %dma_start3A_150] : memref<80x128xi32, #tpu.memory_space<vmem>> -> memref<1x128xi32, #tpu.memory_space<vmem>>
      %dma_start3A_152 = tpu.memref_squeeze %dma_start3A_151 : memref<1x128xi32, #tpu.memory_space<vmem>> -> memref<128xi32, #tpu.memory_space<vmem>>
      %dma_start3A_153 = arith.constant 0 : i32
      %dma_start3A_154 = arith.constant 0 : i32
      %dma_start3A_155 = tpu.memref_slice %arg8[%dma_start3A_153, %dma_start3A_154] : memref<10240x32xf32, #tpu.memory_space<vmem_shared>> -> memref<10240x32xf32, #tpu.memory_space<vmem_shared>>
      tpu.enqueue_indirect_dma source(%arg12 : memref<128x32xf32, #tpu.memory_space<vmem>>) target(%dma_start3A_155 : memref<10240x32xf32, #tpu.memory_space<vmem_shared>>) offsets(%dma_start3A_152 : memref<128xi32, #tpu.memory_space<vmem>>) semaphore(%arg28 : memref<!tpu.dma_semaphore, #tpu.memory_space<semaphore_mem>>) {add = true}
      %add3A_156 = arith.constant 4 : i32
      %add3A_157 = arith.addi %add3A_143, %add3A_156 : i32
      %lt3A_158 = arith.constant 80 : i32
      %lt3A_159 = arith.cmpi slt, %add3A_157, %lt3A_158 : i32
      %convert_element_type3A_160 = arith.extui %lt3A_159 : i1 to i32
      %cond3A_161 = arith.constant 0 : i32
      %cond3A_162 = arith.cmpi ne, %convert_element_type3A_160, %cond3A_161 : i32
      scf.if %cond3A_162 {
        %ge3A = arith.constant 4 : i32
        %ge3A_301 = arith.cmpi sge, %add3A_143, %ge3A : i32
        %convert_element_type3A_302 = arith.extui %ge3A_301 : i1 to i32
        %cond3A_303 = arith.constant 0 : i32
        %cond3A_304 = arith.cmpi ne, %convert_element_type3A_302, %cond3A_303 : i32
        scf.if %cond3A_304 {
          %dma_wait3A_313 = arith.constant 0 : i32
          %dma_wait3A_314 = arith.constant 0 : i32
          %dma_wait3A_315 = tpu.memref_slice %arg2[%dma_wait3A_313, %dma_wait3A_314] : memref<10240x32xf32, #tpu.memory_space<hbm>> -> memref<128x32xf32, #tpu.memory_space<hbm>>
          %dma_wait3A_316 = arith.constant 0 : i32
          %dma_wait3A_317 = arith.constant 0 : i32
          %dma_wait3A_318 = tpu.memref_slice %arg2[%dma_wait3A_316, %dma_wait3A_317] : memref<10240x32xf32, #tpu.memory_space<hbm>> -> memref<128x32xf32, #tpu.memory_space<hbm>>
          tpu.wait_dma2 semaphore(%arg32 : memref<!tpu.dma_semaphore, #tpu.memory_space<semaphore_mem>>) src(%dma_wait3A_318 : memref<128x32xf32, #tpu.memory_space<hbm>>) dst(%arg16 : memref<128x32xf32, #tpu.memory_space<vmem>>)
        } else {
        }
        %add3A_305 = arith.constant 4 : i32
        %add3A_306 = arith.addi %add3A_143, %add3A_305 : i32
        %dma_start3A_307 = arith.constant 0 : i32
        %dma_start3A_308 = tpu.memref_slice %arg9[%add3A_306, %dma_start3A_307] : memref<80x128xi32, #tpu.memory_space<vmem>> -> memref<1x128xi32, #tpu.memory_space<vmem>>
        %dma_start3A_309 = tpu.memref_squeeze %dma_start3A_308 : memref<1x128xi32, #tpu.memory_space<vmem>> -> memref<128xi32, #tpu.memory_space<vmem>>
        %dma_start3A_310 = arith.constant 0 : i32
        %dma_start3A_311 = arith.constant 0 : i32
        %dma_start3A_312 = tpu.memref_slice %arg2[%dma_start3A_310, %dma_start3A_311] : memref<10240x32xf32, #tpu.memory_space<hbm>> -> memref<10240x32xf32, #tpu.memory_space<hbm>>
        tpu.enqueue_indirect_dma source(%dma_start3A_312 : memref<10240x32xf32, #tpu.memory_space<hbm>>) target(%arg16 : memref<128x32xf32, #tpu.memory_space<vmem>>) offsets(%dma_start3A_309 : memref<128xi32, #tpu.memory_space<vmem>>) semaphore(%arg24 : memref<!tpu.dma_semaphore, #tpu.memory_space<semaphore_mem>>)
      } else {
      }
      %mul3A_163 = arith.constant 8 : i32
      %mul3A_164 = arith.muli %scan3A_117, %mul3A_163 : i32
      %add3A_165 = arith.constant 2 : i32
      %add3A_166 = arith.addi %mul3A_164, %add3A_165 : i32
      %dma_wait3A_167 = arith.constant 0 : i32
      %dma_wait3A_168 = arith.constant 0 : i32
      %dma_wait3A_169 = tpu.memref_slice %arg2[%dma_wait3A_167, %dma_wait3A_168] : memref<10240x32xf32, #tpu.memory_space<hbm>> -> memref<128x32xf32, #tpu.memory_space<hbm>>
      %dma_wait3A_170 = arith.constant 0 : i32
      %dma_wait3A_171 = arith.constant 0 : i32
      %dma_wait3A_172 = tpu.memref_slice %arg2[%dma_wait3A_170, %dma_wait3A_171] : memref<10240x32xf32, #tpu.memory_space<hbm>> -> memref<128x32xf32, #tpu.memory_space<hbm>>
      tpu.wait_dma2 semaphore(%arg21 : memref<!tpu.dma_semaphore, #tpu.memory_space<semaphore_mem>>) src(%dma_wait3A_172 : memref<128x32xf32, #tpu.memory_space<hbm>>) dst(%arg13 : memref<128x32xf32, #tpu.memory_space<vmem>>)
      %dma_start3A_173 = arith.constant 0 : i32
      %dma_start3A_174 = tpu.memref_slice %arg10[%add3A_166, %dma_start3A_173] : memref<80x128xi32, #tpu.memory_space<vmem>> -> memref<1x128xi32, #tpu.memory_space<vmem>>
      %dma_start3A_175 = tpu.memref_squeeze %dma_start3A_174 : memref<1x128xi32, #tpu.memory_space<vmem>> -> memref<128xi32, #tpu.memory_space<vmem>>
      %dma_start3A_176 = arith.constant 0 : i32
      %dma_start3A_177 = arith.constant 0 : i32
      %dma_start3A_178 = tpu.memref_slice %arg8[%dma_start3A_176, %dma_start3A_177] : memref<10240x32xf32, #tpu.memory_space<vmem_shared>> -> memref<10240x32xf32, #tpu.memory_space<vmem_shared>>
      tpu.enqueue_indirect_dma source(%arg13 : memref<128x32xf32, #tpu.memory_space<vmem>>) target(%dma_start3A_178 : memref<10240x32xf32, #tpu.memory_space<vmem_shared>>) offsets(%dma_start3A_175 : memref<128xi32, #tpu.memory_space<vmem>>) semaphore(%arg29 : memref<!tpu.dma_semaphore, #tpu.memory_space<semaphore_mem>>) {add = true}
      %add3A_179 = arith.constant 4 : i32
      %add3A_180 = arith.addi %add3A_166, %add3A_179 : i32
      %lt3A_181 = arith.constant 80 : i32
      %lt3A_182 = arith.cmpi slt, %add3A_180, %lt3A_181 : i32
      %convert_element_type3A_183 = arith.extui %lt3A_182 : i1 to i32
      %cond3A_184 = arith.constant 0 : i32
      %cond3A_185 = arith.cmpi ne, %convert_element_type3A_183, %cond3A_184 : i32
      scf.if %cond3A_185 {
        %ge3A = arith.constant 4 : i32
        %ge3A_301 = arith.cmpi sge, %add3A_166, %ge3A : i32
        %convert_element_type3A_302 = arith.extui %ge3A_301 : i1 to i32
        %cond3A_303 = arith.constant 0 : i32
        %cond3A_304 = arith.cmpi ne, %convert_element_type3A_302, %cond3A_303 : i32
        scf.if %cond3A_304 {
          %dma_wait3A_313 = arith.constant 0 : i32
          %dma_wait3A_314 = arith.constant 0 : i32
          %dma_wait3A_315 = tpu.memref_slice %arg2[%dma_wait3A_313, %dma_wait3A_314] : memref<10240x32xf32, #tpu.memory_space<hbm>> -> memref<128x32xf32, #tpu.memory_space<hbm>>
          %dma_wait3A_316 = arith.constant 0 : i32
          %dma_wait3A_317 = arith.constant 0 : i32
          %dma_wait3A_318 = tpu.memref_slice %arg2[%dma_wait3A_316, %dma_wait3A_317] : memref<10240x32xf32, #tpu.memory_space<hbm>> -> memref<128x32xf32, #tpu.memory_space<hbm>>
          tpu.wait_dma2 semaphore(%arg33 : memref<!tpu.dma_semaphore, #tpu.memory_space<semaphore_mem>>) src(%dma_wait3A_318 : memref<128x32xf32, #tpu.memory_space<hbm>>) dst(%arg17 : memref<128x32xf32, #tpu.memory_space<vmem>>)
        } else {
        }
        %add3A_305 = arith.constant 4 : i32
        %add3A_306 = arith.addi %add3A_166, %add3A_305 : i32
        %dma_start3A_307 = arith.constant 0 : i32
        %dma_start3A_308 = tpu.memref_slice %arg9[%add3A_306, %dma_start3A_307] : memref<80x128xi32, #tpu.memory_space<vmem>> -> memref<1x128xi32, #tpu.memory_space<vmem>>
        %dma_start3A_309 = tpu.memref_squeeze %dma_start3A_308 : memref<1x128xi32, #tpu.memory_space<vmem>> -> memref<128xi32, #tpu.memory_space<vmem>>
        %dma_start3A_310 = arith.constant 0 : i32
        %dma_start3A_311 = arith.constant 0 : i32
        %dma_start3A_312 = tpu.memref_slice %arg2[%dma_start3A_310, %dma_start3A_311] : memref<10240x32xf32, #tpu.memory_space<hbm>> -> memref<10240x32xf32, #tpu.memory_space<hbm>>
        tpu.enqueue_indirect_dma source(%dma_start3A_312 : memref<10240x32xf32, #tpu.memory_space<hbm>>) target(%arg17 : memref<128x32xf32, #tpu.memory_space<vmem>>) offsets(%dma_start3A_309 : memref<128xi32, #tpu.memory_space<vmem>>) semaphore(%arg25 : memref<!tpu.dma_semaphore, #tpu.memory_space<semaphore_mem>>)
      } else {
      }
      %mul3A_186 = arith.constant 8 : i32
      %mul3A_187 = arith.muli %scan3A_117, %mul3A_186 : i32
      %add3A_188 = arith.constant 3 : i32
      %add3A_189 = arith.addi %mul3A_187, %add3A_188 : i32
      %dma_wait3A_190 = arith.constant 0 : i32
      %dma_wait3A_191 = arith.constant 0 : i32
      %dma_wait3A_192 = tpu.memref_slice %arg2[%dma_wait3A_190, %dma_wait3A_191] : memref<10240x32xf32, #tpu.memory_space<hbm>> -> memref<128x32xf32, #tpu.memory_space<hbm>>
      %dma_wait3A_193 = arith.constant 0 : i32
      %dma_wait3A_194 = arith.constant 0 : i32
      %dma_wait3A_195 = tpu.memref_slice %arg2[%dma_wait3A_193, %dma_wait3A_194] : memref<10240x32xf32, #tpu.memory_space<hbm>> -> memref<128x32xf32, #tpu.memory_space<hbm>>
      tpu.wait_dma2 semaphore(%arg22 : memref<!tpu.dma_semaphore, #tpu.memory_space<semaphore_mem>>) src(%dma_wait3A_195 : memref<128x32xf32, #tpu.memory_space<hbm>>) dst(%arg14 : memref<128x32xf32, #tpu.memory_space<vmem>>)
      %dma_start3A_196 = arith.constant 0 : i32
      %dma_start3A_197 = tpu.memref_slice %arg10[%add3A_189, %dma_start3A_196] : memref<80x128xi32, #tpu.memory_space<vmem>> -> memref<1x128xi32, #tpu.memory_space<vmem>>
      %dma_start3A_198 = tpu.memref_squeeze %dma_start3A_197 : memref<1x128xi32, #tpu.memory_space<vmem>> -> memref<128xi32, #tpu.memory_space<vmem>>
      %dma_start3A_199 = arith.constant 0 : i32
      %dma_start3A_200 = arith.constant 0 : i32
      %dma_start3A_201 = tpu.memref_slice %arg8[%dma_start3A_199, %dma_start3A_200] : memref<10240x32xf32, #tpu.memory_space<vmem_shared>> -> memref<10240x32xf32, #tpu.memory_space<vmem_shared>>
      tpu.enqueue_indirect_dma source(%arg14 : memref<128x32xf32, #tpu.memory_space<vmem>>) target(%dma_start3A_201 : memref<10240x32xf32, #tpu.memory_space<vmem_shared>>) offsets(%dma_start3A_198 : memref<128xi32, #tpu.memory_space<vmem>>) semaphore(%arg30 : memref<!tpu.dma_semaphore, #tpu.memory_space<semaphore_mem>>) {add = true}
      %add3A_202 = arith.constant 4 : i32
      %add3A_203 = arith.addi %add3A_189, %add3A_202 : i32
      %lt3A_204 = arith.constant 80 : i32
      %lt3A_205 = arith.cmpi slt, %add3A_203, %lt3A_204 : i32
      %convert_element_type3A_206 = arith.extui %lt3A_205 : i1 to i32
      %cond3A_207 = arith.constant 0 : i32
      %cond3A_208 = arith.cmpi ne, %convert_element_type3A_206, %cond3A_207 : i32
      scf.if %cond3A_208 {
        %ge3A = arith.constant 4 : i32
        %ge3A_301 = arith.cmpi sge, %add3A_189, %ge3A : i32
        %convert_element_type3A_302 = arith.extui %ge3A_301 : i1 to i32
        %cond3A_303 = arith.constant 0 : i32
        %cond3A_304 = arith.cmpi ne, %convert_element_type3A_302, %cond3A_303 : i32
        scf.if %cond3A_304 {
          %dma_wait3A_313 = arith.constant 0 : i32
          %dma_wait3A_314 = arith.constant 0 : i32
          %dma_wait3A_315 = tpu.memref_slice %arg2[%dma_wait3A_313, %dma_wait3A_314] : memref<10240x32xf32, #tpu.memory_space<hbm>> -> memref<128x32xf32, #tpu.memory_space<hbm>>
          %dma_wait3A_316 = arith.constant 0 : i32
          %dma_wait3A_317 = arith.constant 0 : i32
          %dma_wait3A_318 = tpu.memref_slice %arg2[%dma_wait3A_316, %dma_wait3A_317] : memref<10240x32xf32, #tpu.memory_space<hbm>> -> memref<128x32xf32, #tpu.memory_space<hbm>>
          tpu.wait_dma2 semaphore(%arg34 : memref<!tpu.dma_semaphore, #tpu.memory_space<semaphore_mem>>) src(%dma_wait3A_318 : memref<128x32xf32, #tpu.memory_space<hbm>>) dst(%arg18 : memref<128x32xf32, #tpu.memory_space<vmem>>)
        } else {
        }
        %add3A_305 = arith.constant 4 : i32
        %add3A_306 = arith.addi %add3A_189, %add3A_305 : i32
        %dma_start3A_307 = arith.constant 0 : i32
        %dma_start3A_308 = tpu.memref_slice %arg9[%add3A_306, %dma_start3A_307] : memref<80x128xi32, #tpu.memory_space<vmem>> -> memref<1x128xi32, #tpu.memory_space<vmem>>
        %dma_start3A_309 = tpu.memref_squeeze %dma_start3A_308 : memref<1x128xi32, #tpu.memory_space<vmem>> -> memref<128xi32, #tpu.memory_space<vmem>>
        %dma_start3A_310 = arith.constant 0 : i32
        %dma_start3A_311 = arith.constant 0 : i32
        %dma_start3A_312 = tpu.memref_slice %arg2[%dma_start3A_310, %dma_start3A_311] : memref<10240x32xf32, #tpu.memory_space<hbm>> -> memref<10240x32xf32, #tpu.memory_space<hbm>>
        tpu.enqueue_indirect_dma source(%dma_start3A_312 : memref<10240x32xf32, #tpu.memory_space<hbm>>) target(%arg18 : memref<128x32xf32, #tpu.memory_space<vmem>>) offsets(%dma_start3A_309 : memref<128xi32, #tpu.memory_space<vmem>>) semaphore(%arg26 : memref<!tpu.dma_semaphore, #tpu.memory_space<semaphore_mem>>)
      } else {
      }
      %mul3A_209 = arith.constant 8 : i32
      %mul3A_210 = arith.muli %scan3A_117, %mul3A_209 : i32
      %add3A_211 = arith.constant 4 : i32
      %add3A_212 = arith.addi %mul3A_210, %add3A_211 : i32
      %dma_wait3A_213 = arith.constant 0 : i32
      %dma_wait3A_214 = arith.constant 0 : i32
      %dma_wait3A_215 = tpu.memref_slice %arg2[%dma_wait3A_213, %dma_wait3A_214] : memref<10240x32xf32, #tpu.memory_space<hbm>> -> memref<128x32xf32, #tpu.memory_space<hbm>>
      %dma_wait3A_216 = arith.constant 0 : i32
      %dma_wait3A_217 = arith.constant 0 : i32
      %dma_wait3A_218 = tpu.memref_slice %arg2[%dma_wait3A_216, %dma_wait3A_217] : memref<10240x32xf32, #tpu.memory_space<hbm>> -> memref<128x32xf32, #tpu.memory_space<hbm>>
      tpu.wait_dma2 semaphore(%arg23 : memref<!tpu.dma_semaphore, #tpu.memory_space<semaphore_mem>>) src(%dma_wait3A_218 : memref<128x32xf32, #tpu.memory_space<hbm>>) dst(%arg15 : memref<128x32xf32, #tpu.memory_space<vmem>>)
      %dma_start3A_219 = arith.constant 0 : i32
      %dma_start3A_220 = tpu.memref_slice %arg10[%add3A_212, %dma_start3A_219] : memref<80x128xi32, #tpu.memory_space<vmem>> -> memref<1x128xi32, #tpu.memory_space<vmem>>
      %dma_start3A_221 = tpu.memref_squeeze %dma_start3A_220 : memref<1x128xi32, #tpu.memory_space<vmem>> -> memref<128xi32, #tpu.memory_space<vmem>>
      %dma_start3A_222 = arith.constant 0 : i32
      %dma_start3A_223 = arith.constant 0 : i32
      %dma_start3A_224 = tpu.memref_slice %arg8[%dma_start3A_222, %dma_start3A_223] : memref<10240x32xf32, #tpu.memory_space<vmem_shared>> -> memref<10240x32xf32, #tpu.memory_space<vmem_shared>>
      tpu.enqueue_indirect_dma source(%arg15 : memref<128x32xf32, #tpu.memory_space<vmem>>) target(%dma_start3A_224 : memref<10240x32xf32, #tpu.memory_space<vmem_shared>>) offsets(%dma_start3A_221 : memref<128xi32, #tpu.memory_space<vmem>>) semaphore(%arg31 : memref<!tpu.dma_semaphore, #tpu.memory_space<semaphore_mem>>) {add = true}
      %add3A_225 = arith.constant 4 : i32
      %add3A_226 = arith.addi %add3A_212, %add3A_225 : i32
      %lt3A_227 = arith.constant 80 : i32
      %lt3A_228 = arith.cmpi slt, %add3A_226, %lt3A_227 : i32
      %convert_element_type3A_229 = arith.extui %lt3A_228 : i1 to i32
      %cond3A_230 = arith.constant 0 : i32
      %cond3A_231 = arith.cmpi ne, %convert_element_type3A_229, %cond3A_230 : i32
      scf.if %cond3A_231 {
        %ge3A = arith.constant 4 : i32
        %ge3A_301 = arith.cmpi sge, %add3A_212, %ge3A : i32
        %convert_element_type3A_302 = arith.extui %ge3A_301 : i1 to i32
        %cond3A_303 = arith.constant 0 : i32
        %cond3A_304 = arith.cmpi ne, %convert_element_type3A_302, %cond3A_303 : i32
        scf.if %cond3A_304 {
          %dma_wait3A_313 = arith.constant 0 : i32
          %dma_wait3A_314 = arith.constant 0 : i32
          %dma_wait3A_315 = tpu.memref_slice %arg2[%dma_wait3A_313, %dma_wait3A_314] : memref<10240x32xf32, #tpu.memory_space<hbm>> -> memref<128x32xf32, #tpu.memory_space<hbm>>
          %dma_wait3A_316 = arith.constant 0 : i32
          %dma_wait3A_317 = arith.constant 0 : i32
          %dma_wait3A_318 = tpu.memref_slice %arg2[%dma_wait3A_316, %dma_wait3A_317] : memref<10240x32xf32, #tpu.memory_space<hbm>> -> memref<128x32xf32, #tpu.memory_space<hbm>>
          tpu.wait_dma2 semaphore(%arg27 : memref<!tpu.dma_semaphore, #tpu.memory_space<semaphore_mem>>) src(%dma_wait3A_318 : memref<128x32xf32, #tpu.memory_space<hbm>>) dst(%arg11 : memref<128x32xf32, #tpu.memory_space<vmem>>)
        } else {
        }
        %add3A_305 = arith.constant 4 : i32
        %add3A_306 = arith.addi %add3A_212, %add3A_305 : i32
        %dma_start3A_307 = arith.constant 0 : i32
        %dma_start3A_308 = tpu.memref_slice %arg9[%add3A_306, %dma_start3A_307] : memref<80x128xi32, #tpu.memory_space<vmem>> -> memref<1x128xi32, #tpu.memory_space<vmem>>
        %dma_start3A_309 = tpu.memref_squeeze %dma_start3A_308 : memref<1x128xi32, #tpu.memory_space<vmem>> -> memref<128xi32, #tpu.memory_space<vmem>>
        %dma_start3A_310 = arith.constant 0 : i32
        %dma_start3A_311 = arith.constant 0 : i32
        %dma_start3A_312 = tpu.memref_slice %arg2[%dma_start3A_310, %dma_start3A_311] : memref<10240x32xf32, #tpu.memory_space<hbm>> -> memref<10240x32xf32, #tpu.memory_space<hbm>>
        tpu.enqueue_indirect_dma source(%dma_start3A_312 : memref<10240x32xf32, #tpu.memory_space<hbm>>) target(%arg11 : memref<128x32xf32, #tpu.memory_space<vmem>>) offsets(%dma_start3A_309 : memref<128xi32, #tpu.memory_space<vmem>>) semaphore(%arg19 : memref<!tpu.dma_semaphore, #tpu.memory_space<semaphore_mem>>)
      } else {
      }
      %mul3A_232 = arith.constant 8 : i32
      %mul3A_233 = arith.muli %scan3A_117, %mul3A_232 : i32
      %add3A_234 = arith.constant 5 : i32
      %add3A_235 = arith.addi %mul3A_233, %add3A_234 : i32
      %dma_wait3A_236 = arith.constant 0 : i32
      %dma_wait3A_237 = arith.constant 0 : i32
      %dma_wait3A_238 = tpu.memref_slice %arg2[%dma_wait3A_236, %dma_wait3A_237] : memref<10240x32xf32, #tpu.memory_space<hbm>> -> memref<128x32xf32, #tpu.memory_space<hbm>>
      %dma_wait3A_239 = arith.constant 0 : i32
      %dma_wait3A_240 = arith.constant 0 : i32
      %dma_wait3A_241 = tpu.memref_slice %arg2[%dma_wait3A_239, %dma_wait3A_240] : memref<10240x32xf32, #tpu.memory_space<hbm>> -> memref<128x32xf32, #tpu.memory_space<hbm>>
      tpu.wait_dma2 semaphore(%arg24 : memref<!tpu.dma_semaphore, #tpu.memory_space<semaphore_mem>>) src(%dma_wait3A_241 : memref<128x32xf32, #tpu.memory_space<hbm>>) dst(%arg16 : memref<128x32xf32, #tpu.memory_space<vmem>>)
      %dma_start3A_242 = arith.constant 0 : i32
      %dma_start3A_243 = tpu.memref_slice %arg10[%add3A_235, %dma_start3A_242] : memref<80x128xi32, #tpu.memory_space<vmem>> -> memref<1x128xi32, #tpu.memory_space<vmem>>
      %dma_start3A_244 = tpu.memref_squeeze %dma_start3A_243 : memref<1x128xi32, #tpu.memory_space<vmem>> -> memref<128xi32, #tpu.memory_space<vmem>>
      %dma_start3A_245 = arith.constant 0 : i32
      %dma_start3A_246 = arith.constant 0 : i32
      %dma_start3A_247 = tpu.memref_slice %arg8[%dma_start3A_245, %dma_start3A_246] : memref<10240x32xf32, #tpu.memory_space<vmem_shared>> -> memref<10240x32xf32, #tpu.memory_space<vmem_shared>>
      tpu.enqueue_indirect_dma source(%arg16 : memref<128x32xf32, #tpu.memory_space<vmem>>) target(%dma_start3A_247 : memref<10240x32xf32, #tpu.memory_space<vmem_shared>>) offsets(%dma_start3A_244 : memref<128xi32, #tpu.memory_space<vmem>>) semaphore(%arg32 : memref<!tpu.dma_semaphore, #tpu.memory_space<semaphore_mem>>) {add = true}
      %add3A_248 = arith.constant 4 : i32
      %add3A_249 = arith.addi %add3A_235, %add3A_248 : i32
      %lt3A_250 = arith.constant 80 : i32
      %lt3A_251 = arith.cmpi slt, %add3A_249, %lt3A_250 : i32
      %convert_element_type3A_252 = arith.extui %lt3A_251 : i1 to i32
      %cond3A_253 = arith.constant 0 : i32
      %cond3A_254 = arith.cmpi ne, %convert_element_type3A_252, %cond3A_253 : i32
      scf.if %cond3A_254 {
        %ge3A = arith.constant 4 : i32
        %ge3A_301 = arith.cmpi sge, %add3A_235, %ge3A : i32
        %convert_element_type3A_302 = arith.extui %ge3A_301 : i1 to i32
        %cond3A_303 = arith.constant 0 : i32
        %cond3A_304 = arith.cmpi ne, %convert_element_type3A_302, %cond3A_303 : i32
        scf.if %cond3A_304 {
          %dma_wait3A_313 = arith.constant 0 : i32
          %dma_wait3A_314 = arith.constant 0 : i32
          %dma_wait3A_315 = tpu.memref_slice %arg2[%dma_wait3A_313, %dma_wait3A_314] : memref<10240x32xf32, #tpu.memory_space<hbm>> -> memref<128x32xf32, #tpu.memory_space<hbm>>
          %dma_wait3A_316 = arith.constant 0 : i32
          %dma_wait3A_317 = arith.constant 0 : i32
          %dma_wait3A_318 = tpu.memref_slice %arg2[%dma_wait3A_316, %dma_wait3A_317] : memref<10240x32xf32, #tpu.memory_space<hbm>> -> memref<128x32xf32, #tpu.memory_space<hbm>>
          tpu.wait_dma2 semaphore(%arg28 : memref<!tpu.dma_semaphore, #tpu.memory_space<semaphore_mem>>) src(%dma_wait3A_318 : memref<128x32xf32, #tpu.memory_space<hbm>>) dst(%arg12 : memref<128x32xf32, #tpu.memory_space<vmem>>)
        } else {
        }
        %add3A_305 = arith.constant 4 : i32
        %add3A_306 = arith.addi %add3A_235, %add3A_305 : i32
        %dma_start3A_307 = arith.constant 0 : i32
        %dma_start3A_308 = tpu.memref_slice %arg9[%add3A_306, %dma_start3A_307] : memref<80x128xi32, #tpu.memory_space<vmem>> -> memref<1x128xi32, #tpu.memory_space<vmem>>
        %dma_start3A_309 = tpu.memref_squeeze %dma_start3A_308 : memref<1x128xi32, #tpu.memory_space<vmem>> -> memref<128xi32, #tpu.memory_space<vmem>>
        %dma_start3A_310 = arith.constant 0 : i32
        %dma_start3A_311 = arith.constant 0 : i32
        %dma_start3A_312 = tpu.memref_slice %arg2[%dma_start3A_310, %dma_start3A_311] : memref<10240x32xf32, #tpu.memory_space<hbm>> -> memref<10240x32xf32, #tpu.memory_space<hbm>>
        tpu.enqueue_indirect_dma source(%dma_start3A_312 : memref<10240x32xf32, #tpu.memory_space<hbm>>) target(%arg12 : memref<128x32xf32, #tpu.memory_space<vmem>>) offsets(%dma_start3A_309 : memref<128xi32, #tpu.memory_space<vmem>>) semaphore(%arg20 : memref<!tpu.dma_semaphore, #tpu.memory_space<semaphore_mem>>)
      } else {
      }
      %mul3A_255 = arith.constant 8 : i32
      %mul3A_256 = arith.muli %scan3A_117, %mul3A_255 : i32
      %add3A_257 = arith.constant 6 : i32
      %add3A_258 = arith.addi %mul3A_256, %add3A_257 : i32
      %dma_wait3A_259 = arith.constant 0 : i32
      %dma_wait3A_260 = arith.constant 0 : i32
      %dma_wait3A_261 = tpu.memref_slice %arg2[%dma_wait3A_259, %dma_wait3A_260] : memref<10240x32xf32, #tpu.memory_space<hbm>> -> memref<128x32xf32, #tpu.memory_space<hbm>>
      %dma_wait3A_262 = arith.constant 0 : i32
      %dma_wait3A_263 = arith.constant 0 : i32
      %dma_wait3A_264 = tpu.memref_slice %arg2[%dma_wait3A_262, %dma_wait3A_263] : memref<10240x32xf32, #tpu.memory_space<hbm>> -> memref<128x32xf32, #tpu.memory_space<hbm>>
      tpu.wait_dma2 semaphore(%arg25 : memref<!tpu.dma_semaphore, #tpu.memory_space<semaphore_mem>>) src(%dma_wait3A_264 : memref<128x32xf32, #tpu.memory_space<hbm>>) dst(%arg17 : memref<128x32xf32, #tpu.memory_space<vmem>>)
      %dma_start3A_265 = arith.constant 0 : i32
      %dma_start3A_266 = tpu.memref_slice %arg10[%add3A_258, %dma_start3A_265] : memref<80x128xi32, #tpu.memory_space<vmem>> -> memref<1x128xi32, #tpu.memory_space<vmem>>
      %dma_start3A_267 = tpu.memref_squeeze %dma_start3A_266 : memref<1x128xi32, #tpu.memory_space<vmem>> -> memref<128xi32, #tpu.memory_space<vmem>>
      %dma_start3A_268 = arith.constant 0 : i32
      %dma_start3A_269 = arith.constant 0 : i32
      %dma_start3A_270 = tpu.memref_slice %arg8[%dma_start3A_268, %dma_start3A_269] : memref<10240x32xf32, #tpu.memory_space<vmem_shared>> -> memref<10240x32xf32, #tpu.memory_space<vmem_shared>>
      tpu.enqueue_indirect_dma source(%arg17 : memref<128x32xf32, #tpu.memory_space<vmem>>) target(%dma_start3A_270 : memref<10240x32xf32, #tpu.memory_space<vmem_shared>>) offsets(%dma_start3A_267 : memref<128xi32, #tpu.memory_space<vmem>>) semaphore(%arg33 : memref<!tpu.dma_semaphore, #tpu.memory_space<semaphore_mem>>) {add = true}
      %add3A_271 = arith.constant 4 : i32
      %add3A_272 = arith.addi %add3A_258, %add3A_271 : i32
      %lt3A_273 = arith.constant 80 : i32
      %lt3A_274 = arith.cmpi slt, %add3A_272, %lt3A_273 : i32
      %convert_element_type3A_275 = arith.extui %lt3A_274 : i1 to i32
      %cond3A_276 = arith.constant 0 : i32
      %cond3A_277 = arith.cmpi ne, %convert_element_type3A_275, %cond3A_276 : i32
      scf.if %cond3A_277 {
        %ge3A = arith.constant 4 : i32
        %ge3A_301 = arith.cmpi sge, %add3A_258, %ge3A : i32
        %convert_element_type3A_302 = arith.extui %ge3A_301 : i1 to i32
        %cond3A_303 = arith.constant 0 : i32
        %cond3A_304 = arith.cmpi ne, %convert_element_type3A_302, %cond3A_303 : i32
        scf.if %cond3A_304 {
          %dma_wait3A_313 = arith.constant 0 : i32
          %dma_wait3A_314 = arith.constant 0 : i32
          %dma_wait3A_315 = tpu.memref_slice %arg2[%dma_wait3A_313, %dma_wait3A_314] : memref<10240x32xf32, #tpu.memory_space<hbm>> -> memref<128x32xf32, #tpu.memory_space<hbm>>
          %dma_wait3A_316 = arith.constant 0 : i32
          %dma_wait3A_317 = arith.constant 0 : i32
          %dma_wait3A_318 = tpu.memref_slice %arg2[%dma_wait3A_316, %dma_wait3A_317] : memref<10240x32xf32, #tpu.memory_space<hbm>> -> memref<128x32xf32, #tpu.memory_space<hbm>>
          tpu.wait_dma2 semaphore(%arg29 : memref<!tpu.dma_semaphore, #tpu.memory_space<semaphore_mem>>) src(%dma_wait3A_318 : memref<128x32xf32, #tpu.memory_space<hbm>>) dst(%arg13 : memref<128x32xf32, #tpu.memory_space<vmem>>)
        } else {
        }
        %add3A_305 = arith.constant 4 : i32
        %add3A_306 = arith.addi %add3A_258, %add3A_305 : i32
        %dma_start3A_307 = arith.constant 0 : i32
        %dma_start3A_308 = tpu.memref_slice %arg9[%add3A_306, %dma_start3A_307] : memref<80x128xi32, #tpu.memory_space<vmem>> -> memref<1x128xi32, #tpu.memory_space<vmem>>
        %dma_start3A_309 = tpu.memref_squeeze %dma_start3A_308 : memref<1x128xi32, #tpu.memory_space<vmem>> -> memref<128xi32, #tpu.memory_space<vmem>>
        %dma_start3A_310 = arith.constant 0 : i32
        %dma_start3A_311 = arith.constant 0 : i32
        %dma_start3A_312 = tpu.memref_slice %arg2[%dma_start3A_310, %dma_start3A_311] : memref<10240x32xf32, #tpu.memory_space<hbm>> -> memref<10240x32xf32, #tpu.memory_space<hbm>>
        tpu.enqueue_indirect_dma source(%dma_start3A_312 : memref<10240x32xf32, #tpu.memory_space<hbm>>) target(%arg13 : memref<128x32xf32, #tpu.memory_space<vmem>>) offsets(%dma_start3A_309 : memref<128xi32, #tpu.memory_space<vmem>>) semaphore(%arg21 : memref<!tpu.dma_semaphore, #tpu.memory_space<semaphore_mem>>)
      } else {
      }
      %mul3A_278 = arith.constant 8 : i32
      %mul3A_279 = arith.muli %scan3A_117, %mul3A_278 : i32
      %add3A_280 = arith.constant 7 : i32
      %add3A_281 = arith.addi %mul3A_279, %add3A_280 : i32
      %dma_wait3A_282 = arith.constant 0 : i32
      %dma_wait3A_283 = arith.constant 0 : i32
      %dma_wait3A_284 = tpu.memref_slice %arg2[%dma_wait3A_282, %dma_wait3A_283] : memref<10240x32xf32, #tpu.memory_space<hbm>> -> memref<128x32xf32, #tpu.memory_space<hbm>>
      %dma_wait3A_285 = arith.constant 0 : i32
      %dma_wait3A_286 = arith.constant 0 : i32
      %dma_wait3A_287 = tpu.memref_slice %arg2[%dma_wait3A_285, %dma_wait3A_286] : memref<10240x32xf32, #tpu.memory_space<hbm>> -> memref<128x32xf32, #tpu.memory_space<hbm>>
      tpu.wait_dma2 semaphore(%arg26 : memref<!tpu.dma_semaphore, #tpu.memory_space<semaphore_mem>>) src(%dma_wait3A_287 : memref<128x32xf32, #tpu.memory_space<hbm>>) dst(%arg18 : memref<128x32xf32, #tpu.memory_space<vmem>>)
      %dma_start3A_288 = arith.constant 0 : i32
      %dma_start3A_289 = tpu.memref_slice %arg10[%add3A_281, %dma_start3A_288] : memref<80x128xi32, #tpu.memory_space<vmem>> -> memref<1x128xi32, #tpu.memory_space<vmem>>
      %dma_start3A_290 = tpu.memref_squeeze %dma_start3A_289 : memref<1x128xi32, #tpu.memory_space<vmem>> -> memref<128xi32, #tpu.memory_space<vmem>>
      %dma_start3A_291 = arith.constant 0 : i32
      %dma_start3A_292 = arith.constant 0 : i32
      %dma_start3A_293 = tpu.memref_slice %arg8[%dma_start3A_291, %dma_start3A_292] : memref<10240x32xf32, #tpu.memory_space<vmem_shared>> -> memref<10240x32xf32, #tpu.memory_space<vmem_shared>>
      tpu.enqueue_indirect_dma source(%arg18 : memref<128x32xf32, #tpu.memory_space<vmem>>) target(%dma_start3A_293 : memref<10240x32xf32, #tpu.memory_space<vmem_shared>>) offsets(%dma_start3A_290 : memref<128xi32, #tpu.memory_space<vmem>>) semaphore(%arg34 : memref<!tpu.dma_semaphore, #tpu.memory_space<semaphore_mem>>) {add = true}
      %add3A_294 = arith.constant 4 : i32
      %add3A_295 = arith.addi %add3A_281, %add3A_294 : i32
      %lt3A_296 = arith.constant 80 : i32
      %lt3A_297 = arith.cmpi slt, %add3A_295, %lt3A_296 : i32
      %convert_element_type3A_298 = arith.extui %lt3A_297 : i1 to i32
      %cond3A_299 = arith.constant 0 : i32
      %cond3A_300 = arith.cmpi ne, %convert_element_type3A_298, %cond3A_299 : i32
      scf.if %cond3A_300 {
        %ge3A = arith.constant 4 : i32
        %ge3A_301 = arith.cmpi sge, %add3A_281, %ge3A : i32
        %convert_element_type3A_302 = arith.extui %ge3A_301 : i1 to i32
        %cond3A_303 = arith.constant 0 : i32
        %cond3A_304 = arith.cmpi ne, %convert_element_type3A_302, %cond3A_303 : i32
        scf.if %cond3A_304 {
          %dma_wait3A_313 = arith.constant 0 : i32
          %dma_wait3A_314 = arith.constant 0 : i32
          %dma_wait3A_315 = tpu.memref_slice %arg2[%dma_wait3A_313, %dma_wait3A_314] : memref<10240x32xf32, #tpu.memory_space<hbm>> -> memref<128x32xf32, #tpu.memory_space<hbm>>
          %dma_wait3A_316 = arith.constant 0 : i32
          %dma_wait3A_317 = arith.constant 0 : i32
          %dma_wait3A_318 = tpu.memref_slice %arg2[%dma_wait3A_316, %dma_wait3A_317] : memref<10240x32xf32, #tpu.memory_space<hbm>> -> memref<128x32xf32, #tpu.memory_space<hbm>>
          tpu.wait_dma2 semaphore(%arg30 : memref<!tpu.dma_semaphore, #tpu.memory_space<semaphore_mem>>) src(%dma_wait3A_318 : memref<128x32xf32, #tpu.memory_space<hbm>>) dst(%arg14 : memref<128x32xf32, #tpu.memory_space<vmem>>)
        } else {
        }
        %add3A_305 = arith.constant 4 : i32
        %add3A_306 = arith.addi %add3A_281, %add3A_305 : i32
        %dma_start3A_307 = arith.constant 0 : i32
        %dma_start3A_308 = tpu.memref_slice %arg9[%add3A_306, %dma_start3A_307] : memref<80x128xi32, #tpu.memory_space<vmem>> -> memref<1x128xi32, #tpu.memory_space<vmem>>
        %dma_start3A_309 = tpu.memref_squeeze %dma_start3A_308 : memref<1x128xi32, #tpu.memory_space<vmem>> -> memref<128xi32, #tpu.memory_space<vmem>>
        %dma_start3A_310 = arith.constant 0 : i32
        %dma_start3A_311 = arith.constant 0 : i32
        %dma_start3A_312 = tpu.memref_slice %arg2[%dma_start3A_310, %dma_start3A_311] : memref<10240x32xf32, #tpu.memory_space<hbm>> -> memref<10240x32xf32, #tpu.memory_space<hbm>>
        tpu.enqueue_indirect_dma source(%dma_start3A_312 : memref<10240x32xf32, #tpu.memory_space<hbm>>) target(%arg14 : memref<128x32xf32, #tpu.memory_space<vmem>>) offsets(%dma_start3A_309 : memref<128xi32, #tpu.memory_space<vmem>>) semaphore(%arg22 : memref<!tpu.dma_semaphore, #tpu.memory_space<semaphore_mem>>)
      } else {
      }
    }
    %scan3A_64 = arith.constant 10 : i32
    %dma_wait3A = arith.constant 0 : i32
    %dma_wait3A_65 = arith.constant 0 : i32
    %dma_wait3A_66 = tpu.memref_slice %arg2[%dma_wait3A, %dma_wait3A_65] : memref<10240x32xf32, #tpu.memory_space<hbm>> -> memref<128x32xf32, #tpu.memory_space<hbm>>
    %dma_wait3A_67 = arith.constant 0 : i32
    %dma_wait3A_68 = arith.constant 0 : i32
    %dma_wait3A_69 = tpu.memref_slice %arg2[%dma_wait3A_67, %dma_wait3A_68] : memref<10240x32xf32, #tpu.memory_space<hbm>> -> memref<128x32xf32, #tpu.memory_space<hbm>>
    tpu.wait_dma2 semaphore(%arg27 : memref<!tpu.dma_semaphore, #tpu.memory_space<semaphore_mem>>) src(%dma_wait3A_69 : memref<128x32xf32, #tpu.memory_space<hbm>>) dst(%arg11 : memref<128x32xf32, #tpu.memory_space<vmem>>)
    %dma_wait3A_70 = arith.constant 0 : i32
    %dma_wait3A_71 = arith.constant 0 : i32
    %dma_wait3A_72 = tpu.memref_slice %arg2[%dma_wait3A_70, %dma_wait3A_71] : memref<10240x32xf32, #tpu.memory_space<hbm>> -> memref<128x32xf32, #tpu.memory_space<hbm>>
    %dma_wait3A_73 = arith.constant 0 : i32
    %dma_wait3A_74 = arith.constant 0 : i32
    %dma_wait3A_75 = tpu.memref_slice %arg2[%dma_wait3A_73, %dma_wait3A_74] : memref<10240x32xf32, #tpu.memory_space<hbm>> -> memref<128x32xf32, #tpu.memory_space<hbm>>
    tpu.wait_dma2 semaphore(%arg28 : memref<!tpu.dma_semaphore, #tpu.memory_space<semaphore_mem>>) src(%dma_wait3A_75 : memref<128x32xf32, #tpu.memory_space<hbm>>) dst(%arg12 : memref<128x32xf32, #tpu.memory_space<vmem>>)
    %dma_wait3A_76 = arith.constant 0 : i32
    %dma_wait3A_77 = arith.constant 0 : i32
    %dma_wait3A_78 = tpu.memref_slice %arg2[%dma_wait3A_76, %dma_wait3A_77] : memref<10240x32xf32, #tpu.memory_space<hbm>> -> memref<128x32xf32, #tpu.memory_space<hbm>>
    %dma_wait3A_79 = arith.constant 0 : i32
    %dma_wait3A_80 = arith.constant 0 : i32
    %dma_wait3A_81 = tpu.memref_slice %arg2[%dma_wait3A_79, %dma_wait3A_80] : memref<10240x32xf32, #tpu.memory_space<hbm>> -> memref<128x32xf32, #tpu.memory_space<hbm>>
    tpu.wait_dma2 semaphore(%arg29 : memref<!tpu.dma_semaphore, #tpu.memory_space<semaphore_mem>>) src(%dma_wait3A_81 : memref<128x32xf32, #tpu.memory_space<hbm>>) dst(%arg13 : memref<128x32xf32, #tpu.memory_space<vmem>>)
    %dma_wait3A_82 = arith.constant 0 : i32
    %dma_wait3A_83 = arith.constant 0 : i32
    %dma_wait3A_84 = tpu.memref_slice %arg2[%dma_wait3A_82, %dma_wait3A_83] : memref<10240x32xf32, #tpu.memory_space<hbm>> -> memref<128x32xf32, #tpu.memory_space<hbm>>
    %dma_wait3A_85 = arith.constant 0 : i32
    %dma_wait3A_86 = arith.constant 0 : i32
    %dma_wait3A_87 = tpu.memref_slice %arg2[%dma_wait3A_85, %dma_wait3A_86] : memref<10240x32xf32, #tpu.memory_space<hbm>> -> memref<128x32xf32, #tpu.memory_space<hbm>>
    tpu.wait_dma2 semaphore(%arg30 : memref<!tpu.dma_semaphore, #tpu.memory_space<semaphore_mem>>) src(%dma_wait3A_87 : memref<128x32xf32, #tpu.memory_space<hbm>>) dst(%arg14 : memref<128x32xf32, #tpu.memory_space<vmem>>)
    %dma_wait3A_88 = arith.constant 0 : i32
    %dma_wait3A_89 = arith.constant 0 : i32
    %dma_wait3A_90 = tpu.memref_slice %arg2[%dma_wait3A_88, %dma_wait3A_89] : memref<10240x32xf32, #tpu.memory_space<hbm>> -> memref<128x32xf32, #tpu.memory_space<hbm>>
    %dma_wait3A_91 = arith.constant 0 : i32
    %dma_wait3A_92 = arith.constant 0 : i32
    %dma_wait3A_93 = tpu.memref_slice %arg2[%dma_wait3A_91, %dma_wait3A_92] : memref<10240x32xf32, #tpu.memory_space<hbm>> -> memref<128x32xf32, #tpu.memory_space<hbm>>
    tpu.wait_dma2 semaphore(%arg31 : memref<!tpu.dma_semaphore, #tpu.memory_space<semaphore_mem>>) src(%dma_wait3A_93 : memref<128x32xf32, #tpu.memory_space<hbm>>) dst(%arg15 : memref<128x32xf32, #tpu.memory_space<vmem>>)
    %dma_wait3A_94 = arith.constant 0 : i32
    %dma_wait3A_95 = arith.constant 0 : i32
    %dma_wait3A_96 = tpu.memref_slice %arg2[%dma_wait3A_94, %dma_wait3A_95] : memref<10240x32xf32, #tpu.memory_space<hbm>> -> memref<128x32xf32, #tpu.memory_space<hbm>>
    %dma_wait3A_97 = arith.constant 0 : i32
    %dma_wait3A_98 = arith.constant 0 : i32
    %dma_wait3A_99 = tpu.memref_slice %arg2[%dma_wait3A_97, %dma_wait3A_98] : memref<10240x32xf32, #tpu.memory_space<hbm>> -> memref<128x32xf32, #tpu.memory_space<hbm>>
    tpu.wait_dma2 semaphore(%arg32 : memref<!tpu.dma_semaphore, #tpu.memory_space<semaphore_mem>>) src(%dma_wait3A_99 : memref<128x32xf32, #tpu.memory_space<hbm>>) dst(%arg16 : memref<128x32xf32, #tpu.memory_space<vmem>>)
    %dma_wait3A_100 = arith.constant 0 : i32
    %dma_wait3A_101 = arith.constant 0 : i32
    %dma_wait3A_102 = tpu.memref_slice %arg2[%dma_wait3A_100, %dma_wait3A_101] : memref<10240x32xf32, #tpu.memory_space<hbm>> -> memref<128x32xf32, #tpu.memory_space<hbm>>
    %dma_wait3A_103 = arith.constant 0 : i32
    %dma_wait3A_104 = arith.constant 0 : i32
    %dma_wait3A_105 = tpu.memref_slice %arg2[%dma_wait3A_103, %dma_wait3A_104] : memref<10240x32xf32, #tpu.memory_space<hbm>> -> memref<128x32xf32, #tpu.memory_space<hbm>>
    tpu.wait_dma2 semaphore(%arg33 : memref<!tpu.dma_semaphore, #tpu.memory_space<semaphore_mem>>) src(%dma_wait3A_105 : memref<128x32xf32, #tpu.memory_space<hbm>>) dst(%arg17 : memref<128x32xf32, #tpu.memory_space<vmem>>)
    %dma_wait3A_106 = arith.constant 0 : i32
    %dma_wait3A_107 = arith.constant 0 : i32
    %dma_wait3A_108 = tpu.memref_slice %arg2[%dma_wait3A_106, %dma_wait3A_107] : memref<10240x32xf32, #tpu.memory_space<hbm>> -> memref<128x32xf32, #tpu.memory_space<hbm>>
    %dma_wait3A_109 = arith.constant 0 : i32
    %dma_wait3A_110 = arith.constant 0 : i32
    %dma_wait3A_111 = tpu.memref_slice %arg2[%dma_wait3A_109, %dma_wait3A_110] : memref<10240x32xf32, #tpu.memory_space<hbm>> -> memref<128x32xf32, #tpu.memory_space<hbm>>
    tpu.wait_dma2 semaphore(%arg34 : memref<!tpu.dma_semaphore, #tpu.memory_space<semaphore_mem>>) src(%dma_wait3A_111 : memref<128x32xf32, #tpu.memory_space<hbm>>) dst(%arg18 : memref<128x32xf32, #tpu.memory_space<vmem>>)
    %barrier3A_112 = arith.constant 0 : index
    tpu.barrier barrier_id(%barrier3A_112)
    %mul3A_113 = arith.constant 640 : i32
    %mul3A_114 = arith.muli %arg1, %mul3A_113 : i32
    %mul3A_115 = arith.constant 640 : i32
    %mul3A_116 = arith.muli %arg1, %mul3A_115 : i32
    "tpu.region"() ({
      %run_scoped3A = tpu.sem_alloc : memref<!tpu.dma_semaphore, #tpu.memory_space<semaphore_mem>>
      %dma_start3A_117 = arith.constant 0 : i32
      %dma_start3A_118 = tpu.memref_slice %arg7[%arg0, %mul3A_116, %dma_start3A_117] : memref<2x10240x32xf32, #tpu.memory_space<hbm>> -> memref<1x640x32xf32, #tpu.memory_space<hbm>>
      %dma_start3A_119 = tpu.memref_squeeze %dma_start3A_118 : memref<1x640x32xf32, #tpu.memory_space<hbm>> -> memref<640x32xf32, #tpu.memory_space<hbm>>
      %dma_start3A_120 = arith.constant 0 : i32
      %dma_start3A_121 = tpu.memref_slice %arg8[%mul3A_114, %dma_start3A_120] : memref<10240x32xf32, #tpu.memory_space<vmem_shared>> -> memref<640x32xf32, #tpu.memory_space<vmem_shared>>
      tpu.enqueue_dma source(%dma_start3A_121 : memref<640x32xf32, #tpu.memory_space<vmem_shared>>) target(%dma_start3A_119 : memref<640x32xf32, #tpu.memory_space<hbm>>) target_semaphore(%run_scoped3A : memref<!tpu.dma_semaphore, #tpu.memory_space<semaphore_mem>>)
      %dma_wait3A_122 = arith.constant 0 : i32
      %dma_wait3A_123 = tpu.memref_slice %arg7[%arg0, %mul3A_116, %dma_wait3A_122] : memref<2x10240x32xf32, #tpu.memory_space<hbm>> -> memref<1x640x32xf32, #tpu.memory_space<hbm>>
      %dma_wait3A_124 = tpu.memref_squeeze %dma_wait3A_123 : memref<1x640x32xf32, #tpu.memory_space<hbm>> -> memref<640x32xf32, #tpu.memory_space<hbm>>
      %dma_wait3A_125 = arith.constant 0 : i32
      %dma_wait3A_126 = tpu.memref_slice %arg8[%mul3A_114, %dma_wait3A_125] : memref<10240x32xf32, #tpu.memory_space<vmem_shared>> -> memref<640x32xf32, #tpu.memory_space<vmem_shared>>
      tpu.wait_dma2 semaphore(%run_scoped3A : memref<!tpu.dma_semaphore, #tpu.memory_space<semaphore_mem>>) src(%dma_wait3A_126 : memref<640x32xf32, #tpu.memory_space<vmem_shared>>) dst(%dma_wait3A_124 : memref<640x32xf32, #tpu.memory_space<hbm>>)
      tpu.yield
    }) : () -> ()
    return
  }
}

#map = affine_map<(d0, d1) -> (0, 0)>
#map1 = affine_map<(d0, d1) -> (0, 0, 0)>
module attributes {stable_mosaic.version = 14 : i64} {
  func.func @mp_kernel(%arg0: i32, %arg1: i32, %arg2: memref<10240x32xf32, #tpu.memory_space<hbm>>, %arg3: memref<2500x128xi32, #tpu.memory_space<hbm>>, %arg4: memref<2500x128xi32, #tpu.memory_space<hbm>>, %arg5: memref<60x128xi32, #tpu.memory_space<hbm>>, %arg6: memref<10240x32xf32, #tpu.memory_space<hbm>>, %arg7: memref<2x10240x32xf32, #tpu.memory_space<hbm>>, %arg8: memref<10240x32xf32, #tpu.memory_space<vmem_shared>>, %arg9: memref<80x128xi32, #tpu.memory_space<vmem>>, %arg10: memref<80x128xi32, #tpu.memory_space<vmem>>, %arg11: memref<128x32xf32, #tpu.memory_space<vmem>>, %arg12: memref<128x32xf32, #tpu.memory_space<vmem>>, %arg13: memref<128x32xf32, #tpu.memory_space<vmem>>, %arg14: memref<128x32xf32, #tpu.memory_space<vmem>>, %arg15: memref<128x32xf32, #tpu.memory_space<vmem>>, %arg16: memref<128x32xf32, #tpu.memory_space<vmem>>, %arg17: memref<128x32xf32, #tpu.memory_space<vmem>>, %arg18: memref<128x32xf32, #tpu.memory_space<vmem>>, %arg19: memref<!tpu.dma_semaphore, #tpu.memory_space<semaphore_mem>>, %arg20: memref<!tpu.dma_semaphore, #tpu.memory_space<semaphore_mem>>, %arg21: memref<!tpu.dma_semaphore, #tpu.memory_space<semaphore_mem>>, %arg22: memref<!tpu.dma_semaphore, #tpu.memory_space<semaphore_mem>>, %arg23: memref<!tpu.dma_semaphore, #tpu.memory_space<semaphore_mem>>, %arg24: memref<!tpu.dma_semaphore, #tpu.memory_space<semaphore_mem>>, %arg25: memref<!tpu.dma_semaphore, #tpu.memory_space<semaphore_mem>>, %arg26: memref<!tpu.dma_semaphore, #tpu.memory_space<semaphore_mem>>, %arg27: memref<!tpu.dma_semaphore, #tpu.memory_space<semaphore_mem>>, %arg28: memref<!tpu.dma_semaphore, #tpu.memory_space<semaphore_mem>>, %arg29: memref<!tpu.dma_semaphore, #tpu.memory_space<semaphore_mem>>, %arg30: memref<!tpu.dma_semaphore, #tpu.memory_space<semaphore_mem>>, %arg31: memref<!tpu.dma_semaphore, #tpu.memory_space<semaphore_mem>>, %arg32: memref<!tpu.dma_semaphore, #tpu.memory_space<semaphore_mem>>, %arg33: memref<!tpu.dma_semaphore, #tpu.memory_space<semaphore_mem>>, %arg34: memref<!tpu.dma_semaphore, #tpu.memory_space<semaphore_mem>>) attributes {dimension_semantics = [#tpu.dimension_semantics<core_parallel>, #tpu.dimension_semantics<subcore_parallel>], iteration_bounds = array<i64: 2, 16>, scalar_prefetch = 0 : i64, scratch_operands = 27 : i64, tpu.core_type = #tpu.core_type<sc_vector_subcore>, window_params = [{transform_indices = #map}, {transform_indices = #map}, {transform_indices = #map}, {transform_indices = #map}, {transform_indices = #map}, {transform_indices = #map1}]} {
    %mul3A = arith.constant 16 : i32
    %mul3A_0 = arith.muli %arg0, %mul3A : i32
    %add3A = arith.addi %mul3A_0, %arg1 : i32
    %mul3A_1 = arith.constant 640 : i32
    %mul3A_2 = arith.muli %arg1, %mul3A_1 : i32
    %mul3A_3 = arith.constant 640 : i32
    %mul3A_4 = arith.muli %arg1, %mul3A_3 : i32
    "tpu.region"() ({
      %run_scoped3A = tpu.sem_alloc : memref<!tpu.dma_semaphore, #tpu.memory_space<semaphore_mem>>
      %dma_start3A_117 = arith.constant 0 : i32
      %dma_start3A_118 = tpu.memref_slice %arg8[%mul3A_4, %dma_start3A_117] : memref<10240x32xf32, #tpu.memory_space<vmem_shared>> -> memref<640x32xf32, #tpu.memory_space<vmem_shared>>
      %dma_start3A_119 = arith.constant 0 : i32
      %dma_start3A_120 = tpu.memref_slice %arg6[%mul3A_2, %dma_start3A_119] : memref<10240x32xf32, #tpu.memory_space<hbm>> -> memref<640x32xf32, #tpu.memory_space<hbm>>
      tpu.enqueue_dma source(%dma_start3A_120 : memref<640x32xf32, #tpu.memory_space<hbm>>) target(%dma_start3A_118 : memref<640x32xf32, #tpu.memory_space<vmem_shared>>) target_semaphore(%run_scoped3A : memref<!tpu.dma_semaphore, #tpu.memory_space<semaphore_mem>>)
      %dma_wait3A_121 = arith.constant 0 : i32
      %dma_wait3A_122 = tpu.memref_slice %arg8[%mul3A_4, %dma_wait3A_121] : memref<10240x32xf32, #tpu.memory_space<vmem_shared>> -> memref<640x32xf32, #tpu.memory_space<vmem_shared>>
      %dma_wait3A_123 = arith.constant 0 : i32
      %dma_wait3A_124 = tpu.memref_slice %arg6[%mul3A_2, %dma_wait3A_123] : memref<10240x32xf32, #tpu.memory_space<hbm>> -> memref<640x32xf32, #tpu.memory_space<hbm>>
      tpu.wait_dma2 semaphore(%run_scoped3A : memref<!tpu.dma_semaphore, #tpu.memory_space<semaphore_mem>>) src(%dma_wait3A_124 : memref<640x32xf32, #tpu.memory_space<hbm>>) dst(%dma_wait3A_122 : memref<640x32xf32, #tpu.memory_space<vmem_shared>>)
      tpu.yield
    }) : () -> ()
    %mul3A_5 = arith.constant 80 : i32
    %mul3A_6 = arith.muli %add3A, %mul3A_5 : i32
    %add3A_7 = arith.constant 80 : i32
    %add3A_8 = arith.addi %mul3A_6, %add3A_7 : i32
    %le3A = arith.constant 2500 : i32
    %le3A_9 = arith.cmpi sle, %add3A_8, %le3A : i32
    %convert_element_type3A = arith.extui %le3A_9 : i1 to i32
    %cond3A = arith.constant 0 : i32
    %cond3A_10 = arith.cmpi ne, %convert_element_type3A, %cond3A : i32
    scf.if %cond3A_10 {
      "tpu.region"() ({
        %run_scoped3A = tpu.sem_alloc : memref<!tpu.dma_semaphore, #tpu.memory_space<semaphore_mem>>
        %dma_start3A_117 = arith.constant 0 : i32
        %dma_start3A_118 = tpu.memref_slice %arg3[%mul3A_6, %dma_start3A_117] : memref<2500x128xi32, #tpu.memory_space<hbm>> -> memref<80x128xi32, #tpu.memory_space<hbm>>
        %dma_start3A_119 = arith.constant 0 : i32
        %dma_start3A_120 = tpu.memref_slice %arg3[%mul3A_6, %dma_start3A_119] : memref<2500x128xi32, #tpu.memory_space<hbm>> -> memref<80x128xi32, #tpu.memory_space<hbm>>
        tpu.enqueue_dma source(%dma_start3A_120 : memref<80x128xi32, #tpu.memory_space<hbm>>) target(%arg9 : memref<80x128xi32, #tpu.memory_space<vmem>>) target_semaphore(%run_scoped3A : memref<!tpu.dma_semaphore, #tpu.memory_space<semaphore_mem>>)
        %dma_wait3A_121 = arith.constant 0 : i32
        %dma_wait3A_122 = tpu.memref_slice %arg3[%mul3A_6, %dma_wait3A_121] : memref<2500x128xi32, #tpu.memory_space<hbm>> -> memref<80x128xi32, #tpu.memory_space<hbm>>
        %dma_wait3A_123 = arith.constant 0 : i32
        %dma_wait3A_124 = tpu.memref_slice %arg3[%mul3A_6, %dma_wait3A_123] : memref<2500x128xi32, #tpu.memory_space<hbm>> -> memref<80x128xi32, #tpu.memory_space<hbm>>
        tpu.wait_dma2 semaphore(%run_scoped3A : memref<!tpu.dma_semaphore, #tpu.memory_space<semaphore_mem>>) src(%dma_wait3A_124 : memref<80x128xi32, #tpu.memory_space<hbm>>) dst(%arg9 : memref<80x128xi32, #tpu.memory_space<vmem>>)
        tpu.yield
      }) : () -> ()
    } else {
    }
    %add3A_11 = arith.constant 80 : i32
    %add3A_12 = arith.addi %mul3A_6, %add3A_11 : i32
    %gt3A = arith.constant 2500 : i32
    %gt3A_13 = arith.cmpi sgt, %add3A_12, %gt3A : i32
    %convert_element_type3A_14 = arith.extui %gt3A_13 : i1 to i32
    %cond3A_15 = arith.constant 0 : i32
    %cond3A_16 = arith.cmpi ne, %convert_element_type3A_14, %cond3A_15 : i32
    scf.if %cond3A_16 {
      "tpu.region"() ({
        %run_scoped3A = tpu.sem_alloc : memref<!tpu.dma_semaphore, #tpu.memory_space<semaphore_mem>>
        %dma_start3A_117 = arith.constant 0 : i32
        %dma_start3A_118 = arith.constant 0 : i32
        %dma_start3A_119 = tpu.memref_slice %arg9[%dma_start3A_117, %dma_start3A_118] : memref<80x128xi32, #tpu.memory_space<vmem>> -> memref<20x128xi32, #tpu.memory_space<vmem>>
        %dma_start3A_120 = arith.constant 2480 : i32
        %dma_start3A_121 = arith.constant 0 : i32
        %dma_start3A_122 = tpu.memref_slice %arg3[%dma_start3A_120, %dma_start3A_121] : memref<2500x128xi32, #tpu.memory_space<hbm>> -> memref<20x128xi32, #tpu.memory_space<hbm>>
        %dma_start3A_123 = arith.constant 0 : i32
        %dma_start3A_124 = arith.constant 0 : i32
        %dma_start3A_125 = tpu.memref_slice %arg9[%dma_start3A_123, %dma_start3A_124] : memref<80x128xi32, #tpu.memory_space<vmem>> -> memref<20x128xi32, #tpu.memory_space<vmem>>
        %dma_start3A_126 = arith.constant 2480 : i32
        %dma_start3A_127 = arith.constant 0 : i32
        %dma_start3A_128 = tpu.memref_slice %arg3[%dma_start3A_126, %dma_start3A_127] : memref<2500x128xi32, #tpu.memory_space<hbm>> -> memref<20x128xi32, #tpu.memory_space<hbm>>
        tpu.enqueue_dma source(%dma_start3A_128 : memref<20x128xi32, #tpu.memory_space<hbm>>) target(%dma_start3A_125 : memref<20x128xi32, #tpu.memory_space<vmem>>) target_semaphore(%run_scoped3A : memref<!tpu.dma_semaphore, #tpu.memory_space<semaphore_mem>>)
        %dma_wait3A_129 = arith.constant 0 : i32
        %dma_wait3A_130 = arith.constant 0 : i32
        %dma_wait3A_131 = tpu.memref_slice %arg9[%dma_wait3A_129, %dma_wait3A_130] : memref<80x128xi32, #tpu.memory_space<vmem>> -> memref<20x128xi32, #tpu.memory_space<vmem>>
        %dma_wait3A_132 = arith.constant 2480 : i32
        %dma_wait3A_133 = arith.constant 0 : i32
        %dma_wait3A_134 = tpu.memref_slice %arg3[%dma_wait3A_132, %dma_wait3A_133] : memref<2500x128xi32, #tpu.memory_space<hbm>> -> memref<20x128xi32, #tpu.memory_space<hbm>>
        %dma_wait3A_135 = arith.constant 0 : i32
        %dma_wait3A_136 = arith.constant 0 : i32
        %dma_wait3A_137 = tpu.memref_slice %arg9[%dma_wait3A_135, %dma_wait3A_136] : memref<80x128xi32, #tpu.memory_space<vmem>> -> memref<20x128xi32, #tpu.memory_space<vmem>>
        %dma_wait3A_138 = arith.constant 2480 : i32
        %dma_wait3A_139 = arith.constant 0 : i32
        %dma_wait3A_140 = tpu.memref_slice %arg3[%dma_wait3A_138, %dma_wait3A_139] : memref<2500x128xi32, #tpu.memory_space<hbm>> -> memref<20x128xi32, #tpu.memory_space<hbm>>
        tpu.wait_dma2 semaphore(%run_scoped3A : memref<!tpu.dma_semaphore, #tpu.memory_space<semaphore_mem>>) src(%dma_wait3A_140 : memref<20x128xi32, #tpu.memory_space<hbm>>) dst(%dma_wait3A_137 : memref<20x128xi32, #tpu.memory_space<vmem>>)
        tpu.yield
      }) : () -> ()
      "tpu.region"() ({
        %run_scoped3A = tpu.sem_alloc : memref<!tpu.dma_semaphore, #tpu.memory_space<semaphore_mem>>
        %dma_start3A_117 = arith.constant 20 : i32
        %dma_start3A_118 = arith.constant 0 : i32
        %dma_start3A_119 = tpu.memref_slice %arg9[%dma_start3A_117, %dma_start3A_118] : memref<80x128xi32, #tpu.memory_space<vmem>> -> memref<60x128xi32, #tpu.memory_space<vmem>>
        %dma_start3A_120 = arith.constant 0 : i32
        %dma_start3A_121 = arith.constant 0 : i32
        %dma_start3A_122 = tpu.memref_slice %arg5[%dma_start3A_120, %dma_start3A_121] : memref<60x128xi32, #tpu.memory_space<hbm>> -> memref<60x128xi32, #tpu.memory_space<hbm>>
        %dma_start3A_123 = arith.constant 20 : i32
        %dma_start3A_124 = arith.constant 0 : i32
        %dma_start3A_125 = tpu.memref_slice %arg9[%dma_start3A_123, %dma_start3A_124] : memref<80x128xi32, #tpu.memory_space<vmem>> -> memref<60x128xi32, #tpu.memory_space<vmem>>
        %dma_start3A_126 = arith.constant 0 : i32
        %dma_start3A_127 = arith.constant 0 : i32
        %dma_start3A_128 = tpu.memref_slice %arg5[%dma_start3A_126, %dma_start3A_127] : memref<60x128xi32, #tpu.memory_space<hbm>> -> memref<60x128xi32, #tpu.memory_space<hbm>>
        tpu.enqueue_dma source(%dma_start3A_128 : memref<60x128xi32, #tpu.memory_space<hbm>>) target(%dma_start3A_125 : memref<60x128xi32, #tpu.memory_space<vmem>>) target_semaphore(%run_scoped3A : memref<!tpu.dma_semaphore, #tpu.memory_space<semaphore_mem>>)
        %dma_wait3A_129 = arith.constant 20 : i32
        %dma_wait3A_130 = arith.constant 0 : i32
        %dma_wait3A_131 = tpu.memref_slice %arg9[%dma_wait3A_129, %dma_wait3A_130] : memref<80x128xi32, #tpu.memory_space<vmem>> -> memref<60x128xi32, #tpu.memory_space<vmem>>
        %dma_wait3A_132 = arith.constant 0 : i32
        %dma_wait3A_133 = arith.constant 0 : i32
        %dma_wait3A_134 = tpu.memref_slice %arg5[%dma_wait3A_132, %dma_wait3A_133] : memref<60x128xi32, #tpu.memory_space<hbm>> -> memref<60x128xi32, #tpu.memory_space<hbm>>
        %dma_wait3A_135 = arith.constant 20 : i32
        %dma_wait3A_136 = arith.constant 0 : i32
        %dma_wait3A_137 = tpu.memref_slice %arg9[%dma_wait3A_135, %dma_wait3A_136] : memref<80x128xi32, #tpu.memory_space<vmem>> -> memref<60x128xi32, #tpu.memory_space<vmem>>
        %dma_wait3A_138 = arith.constant 0 : i32
        %dma_wait3A_139 = arith.constant 0 : i32
        %dma_wait3A_140 = tpu.memref_slice %arg5[%dma_wait3A_138, %dma_wait3A_139] : memref<60x128xi32, #tpu.memory_space<hbm>> -> memref<60x128xi32, #tpu.memory_space<hbm>>
        tpu.wait_dma2 semaphore(%run_scoped3A : memref<!tpu.dma_semaphore, #tpu.memory_space<semaphore_mem>>) src(%dma_wait3A_140 : memref<60x128xi32, #tpu.memory_space<hbm>>) dst(%dma_wait3A_137 : memref<60x128xi32, #tpu.memory_space<vmem>>)
        tpu.yield
      }) : () -> ()
    } else {
    }
    %mul3A_17 = arith.constant 80 : i32
    %mul3A_18 = arith.muli %add3A, %mul3A_17 : i32
    %add3A_19 = arith.constant 80 : i32
    %add3A_20 = arith.addi %mul3A_18, %add3A_19 : i32
    %le3A_21 = arith.constant 2500 : i32
    %le3A_22 = arith.cmpi sle, %add3A_20, %le3A_21 : i32
    %convert_element_type3A_23 = arith.extui %le3A_22 : i1 to i32
    %cond3A_24 = arith.constant 0 : i32
    %cond3A_25 = arith.cmpi ne, %convert_element_type3A_23, %cond3A_24 : i32
    scf.if %cond3A_25 {
      "tpu.region"() ({
        %run_scoped3A = tpu.sem_alloc : memref<!tpu.dma_semaphore, #tpu.memory_space<semaphore_mem>>
        %dma_start3A_117 = arith.constant 0 : i32
        %dma_start3A_118 = tpu.memref_slice %arg4[%mul3A_18, %dma_start3A_117] : memref<2500x128xi32, #tpu.memory_space<hbm>> -> memref<80x128xi32, #tpu.memory_space<hbm>>
        %dma_start3A_119 = arith.constant 0 : i32
        %dma_start3A_120 = tpu.memref_slice %arg4[%mul3A_18, %dma_start3A_119] : memref<2500x128xi32, #tpu.memory_space<hbm>> -> memref<80x128xi32, #tpu.memory_space<hbm>>
        tpu.enqueue_dma source(%dma_start3A_120 : memref<80x128xi32, #tpu.memory_space<hbm>>) target(%arg10 : memref<80x128xi32, #tpu.memory_space<vmem>>) target_semaphore(%run_scoped3A : memref<!tpu.dma_semaphore, #tpu.memory_space<semaphore_mem>>)
        %dma_wait3A_121 = arith.constant 0 : i32
        %dma_wait3A_122 = tpu.memref_slice %arg4[%mul3A_18, %dma_wait3A_121] : memref<2500x128xi32, #tpu.memory_space<hbm>> -> memref<80x128xi32, #tpu.memory_space<hbm>>
        %dma_wait3A_123 = arith.constant 0 : i32
        %dma_wait3A_124 = tpu.memref_slice %arg4[%mul3A_18, %dma_wait3A_123] : memref<2500x128xi32, #tpu.memory_space<hbm>> -> memref<80x128xi32, #tpu.memory_space<hbm>>
        tpu.wait_dma2 semaphore(%run_scoped3A : memref<!tpu.dma_semaphore, #tpu.memory_space<semaphore_mem>>) src(%dma_wait3A_124 : memref<80x128xi32, #tpu.memory_space<hbm>>) dst(%arg10 : memref<80x128xi32, #tpu.memory_space<vmem>>)
        tpu.yield
      }) : () -> ()
    } else {
    }
    %add3A_26 = arith.constant 80 : i32
    %add3A_27 = arith.addi %mul3A_18, %add3A_26 : i32
    %gt3A_28 = arith.constant 2500 : i32
    %gt3A_29 = arith.cmpi sgt, %add3A_27, %gt3A_28 : i32
    %convert_element_type3A_30 = arith.extui %gt3A_29 : i1 to i32
    %cond3A_31 = arith.constant 0 : i32
    %cond3A_32 = arith.cmpi ne, %convert_element_type3A_30, %cond3A_31 : i32
    scf.if %cond3A_32 {
      "tpu.region"() ({
        %run_scoped3A = tpu.sem_alloc : memref<!tpu.dma_semaphore, #tpu.memory_space<semaphore_mem>>
        %dma_start3A_117 = arith.constant 0 : i32
        %dma_start3A_118 = arith.constant 0 : i32
        %dma_start3A_119 = tpu.memref_slice %arg10[%dma_start3A_117, %dma_start3A_118] : memref<80x128xi32, #tpu.memory_space<vmem>> -> memref<20x128xi32, #tpu.memory_space<vmem>>
        %dma_start3A_120 = arith.constant 2480 : i32
        %dma_start3A_121 = arith.constant 0 : i32
        %dma_start3A_122 = tpu.memref_slice %arg4[%dma_start3A_120, %dma_start3A_121] : memref<2500x128xi32, #tpu.memory_space<hbm>> -> memref<20x128xi32, #tpu.memory_space<hbm>>
        %dma_start3A_123 = arith.constant 0 : i32
        %dma_start3A_124 = arith.constant 0 : i32
        %dma_start3A_125 = tpu.memref_slice %arg10[%dma_start3A_123, %dma_start3A_124] : memref<80x128xi32, #tpu.memory_space<vmem>> -> memref<20x128xi32, #tpu.memory_space<vmem>>
        %dma_start3A_126 = arith.constant 2480 : i32
        %dma_start3A_127 = arith.constant 0 : i32
        %dma_start3A_128 = tpu.memref_slice %arg4[%dma_start3A_126, %dma_start3A_127] : memref<2500x128xi32, #tpu.memory_space<hbm>> -> memref<20x128xi32, #tpu.memory_space<hbm>>
        tpu.enqueue_dma source(%dma_start3A_128 : memref<20x128xi32, #tpu.memory_space<hbm>>) target(%dma_start3A_125 : memref<20x128xi32, #tpu.memory_space<vmem>>) target_semaphore(%run_scoped3A : memref<!tpu.dma_semaphore, #tpu.memory_space<semaphore_mem>>)
        %dma_wait3A_129 = arith.constant 0 : i32
        %dma_wait3A_130 = arith.constant 0 : i32
        %dma_wait3A_131 = tpu.memref_slice %arg10[%dma_wait3A_129, %dma_wait3A_130] : memref<80x128xi32, #tpu.memory_space<vmem>> -> memref<20x128xi32, #tpu.memory_space<vmem>>
        %dma_wait3A_132 = arith.constant 2480 : i32
        %dma_wait3A_133 = arith.constant 0 : i32
        %dma_wait3A_134 = tpu.memref_slice %arg4[%dma_wait3A_132, %dma_wait3A_133] : memref<2500x128xi32, #tpu.memory_space<hbm>> -> memref<20x128xi32, #tpu.memory_space<hbm>>
        %dma_wait3A_135 = arith.constant 0 : i32
        %dma_wait3A_136 = arith.constant 0 : i32
        %dma_wait3A_137 = tpu.memref_slice %arg10[%dma_wait3A_135, %dma_wait3A_136] : memref<80x128xi32, #tpu.memory_space<vmem>> -> memref<20x128xi32, #tpu.memory_space<vmem>>
        %dma_wait3A_138 = arith.constant 2480 : i32
        %dma_wait3A_139 = arith.constant 0 : i32
        %dma_wait3A_140 = tpu.memref_slice %arg4[%dma_wait3A_138, %dma_wait3A_139] : memref<2500x128xi32, #tpu.memory_space<hbm>> -> memref<20x128xi32, #tpu.memory_space<hbm>>
        tpu.wait_dma2 semaphore(%run_scoped3A : memref<!tpu.dma_semaphore, #tpu.memory_space<semaphore_mem>>) src(%dma_wait3A_140 : memref<20x128xi32, #tpu.memory_space<hbm>>) dst(%dma_wait3A_137 : memref<20x128xi32, #tpu.memory_space<vmem>>)
        tpu.yield
      }) : () -> ()
      "tpu.region"() ({
        %run_scoped3A = tpu.sem_alloc : memref<!tpu.dma_semaphore, #tpu.memory_space<semaphore_mem>>
        %dma_start3A_117 = arith.constant 20 : i32
        %dma_start3A_118 = arith.constant 0 : i32
        %dma_start3A_119 = tpu.memref_slice %arg10[%dma_start3A_117, %dma_start3A_118] : memref<80x128xi32, #tpu.memory_space<vmem>> -> memref<60x128xi32, #tpu.memory_space<vmem>>
        %dma_start3A_120 = arith.constant 0 : i32
        %dma_start3A_121 = arith.constant 0 : i32
        %dma_start3A_122 = tpu.memref_slice %arg5[%dma_start3A_120, %dma_start3A_121] : memref<60x128xi32, #tpu.memory_space<hbm>> -> memref<60x128xi32, #tpu.memory_space<hbm>>
        %dma_start3A_123 = arith.constant 20 : i32
        %dma_start3A_124 = arith.constant 0 : i32
        %dma_start3A_125 = tpu.memref_slice %arg10[%dma_start3A_123, %dma_start3A_124] : memref<80x128xi32, #tpu.memory_space<vmem>> -> memref<60x128xi32, #tpu.memory_space<vmem>>
        %dma_start3A_126 = arith.constant 0 : i32
        %dma_start3A_127 = arith.constant 0 : i32
        %dma_start3A_128 = tpu.memref_slice %arg5[%dma_start3A_126, %dma_start3A_127] : memref<60x128xi32, #tpu.memory_space<hbm>> -> memref<60x128xi32, #tpu.memory_space<hbm>>
        tpu.enqueue_dma source(%dma_start3A_128 : memref<60x128xi32, #tpu.memory_space<hbm>>) target(%dma_start3A_125 : memref<60x128xi32, #tpu.memory_space<vmem>>) target_semaphore(%run_scoped3A : memref<!tpu.dma_semaphore, #tpu.memory_space<semaphore_mem>>)
        %dma_wait3A_129 = arith.constant 20 : i32
        %dma_wait3A_130 = arith.constant 0 : i32
        %dma_wait3A_131 = tpu.memref_slice %arg10[%dma_wait3A_129, %dma_wait3A_130] : memref<80x128xi32, #tpu.memory_space<vmem>> -> memref<60x128xi32, #tpu.memory_space<vmem>>
        %dma_wait3A_132 = arith.constant 0 : i32
        %dma_wait3A_133 = arith.constant 0 : i32
        %dma_wait3A_134 = tpu.memref_slice %arg5[%dma_wait3A_132, %dma_wait3A_133] : memref<60x128xi32, #tpu.memory_space<hbm>> -> memref<60x128xi32, #tpu.memory_space<hbm>>
        %dma_wait3A_135 = arith.constant 20 : i32
        %dma_wait3A_136 = arith.constant 0 : i32
        %dma_wait3A_137 = tpu.memref_slice %arg10[%dma_wait3A_135, %dma_wait3A_136] : memref<80x128xi32, #tpu.memory_space<vmem>> -> memref<60x128xi32, #tpu.memory_space<vmem>>
        %dma_wait3A_138 = arith.constant 0 : i32
        %dma_wait3A_139 = arith.constant 0 : i32
        %dma_wait3A_140 = tpu.memref_slice %arg5[%dma_wait3A_138, %dma_wait3A_139] : memref<60x128xi32, #tpu.memory_space<hbm>> -> memref<60x128xi32, #tpu.memory_space<hbm>>
        tpu.wait_dma2 semaphore(%run_scoped3A : memref<!tpu.dma_semaphore, #tpu.memory_space<semaphore_mem>>) src(%dma_wait3A_140 : memref<60x128xi32, #tpu.memory_space<hbm>>) dst(%dma_wait3A_137 : memref<60x128xi32, #tpu.memory_space<vmem>>)
        tpu.yield
      }) : () -> ()
    } else {
    }
    %barrier3A = arith.constant 0 : index
    tpu.barrier barrier_id(%barrier3A)
    %dma_start3A = arith.constant 0 : i32
    %dma_start3A_33 = arith.constant 0 : i32
    %dma_start3A_34 = tpu.memref_slice %arg9[%dma_start3A, %dma_start3A_33] : memref<80x128xi32, #tpu.memory_space<vmem>> -> memref<1x128xi32, #tpu.memory_space<vmem>>
    %dma_start3A_35 = tpu.memref_squeeze %dma_start3A_34 : memref<1x128xi32, #tpu.memory_space<vmem>> -> memref<128xi32, #tpu.memory_space<vmem>>
    %dma_start3A_36 = arith.constant 0 : i32
    %dma_start3A_37 = arith.constant 0 : i32
    %dma_start3A_38 = tpu.memref_slice %arg2[%dma_start3A_36, %dma_start3A_37] : memref<10240x32xf32, #tpu.memory_space<hbm>> -> memref<10240x32xf32, #tpu.memory_space<hbm>>
    tpu.enqueue_indirect_dma source(%dma_start3A_38 : memref<10240x32xf32, #tpu.memory_space<hbm>>) target(%arg11 : memref<128x32xf32, #tpu.memory_space<vmem>>) offsets(%dma_start3A_35 : memref<128xi32, #tpu.memory_space<vmem>>) semaphore(%arg19 : memref<!tpu.dma_semaphore, #tpu.memory_space<semaphore_mem>>)
    %dma_start3A_39 = arith.constant 1 : i32
    %dma_start3A_40 = arith.constant 0 : i32
    %dma_start3A_41 = tpu.memref_slice %arg9[%dma_start3A_39, %dma_start3A_40] : memref<80x128xi32, #tpu.memory_space<vmem>> -> memref<1x128xi32, #tpu.memory_space<vmem>>
    %dma_start3A_42 = tpu.memref_squeeze %dma_start3A_41 : memref<1x128xi32, #tpu.memory_space<vmem>> -> memref<128xi32, #tpu.memory_space<vmem>>
    %dma_start3A_43 = arith.constant 0 : i32
    %dma_start3A_44 = arith.constant 0 : i32
    %dma_start3A_45 = tpu.memref_slice %arg2[%dma_start3A_43, %dma_start3A_44] : memref<10240x32xf32, #tpu.memory_space<hbm>> -> memref<10240x32xf32, #tpu.memory_space<hbm>>
    tpu.enqueue_indirect_dma source(%dma_start3A_45 : memref<10240x32xf32, #tpu.memory_space<hbm>>) target(%arg12 : memref<128x32xf32, #tpu.memory_space<vmem>>) offsets(%dma_start3A_42 : memref<128xi32, #tpu.memory_space<vmem>>) semaphore(%arg20 : memref<!tpu.dma_semaphore, #tpu.memory_space<semaphore_mem>>)
    %dma_start3A_46 = arith.constant 2 : i32
    %dma_start3A_47 = arith.constant 0 : i32
    %dma_start3A_48 = tpu.memref_slice %arg9[%dma_start3A_46, %dma_start3A_47] : memref<80x128xi32, #tpu.memory_space<vmem>> -> memref<1x128xi32, #tpu.memory_space<vmem>>
    %dma_start3A_49 = tpu.memref_squeeze %dma_start3A_48 : memref<1x128xi32, #tpu.memory_space<vmem>> -> memref<128xi32, #tpu.memory_space<vmem>>
    %dma_start3A_50 = arith.constant 0 : i32
    %dma_start3A_51 = arith.constant 0 : i32
    %dma_start3A_52 = tpu.memref_slice %arg2[%dma_start3A_50, %dma_start3A_51] : memref<10240x32xf32, #tpu.memory_space<hbm>> -> memref<10240x32xf32, #tpu.memory_space<hbm>>
    tpu.enqueue_indirect_dma source(%dma_start3A_52 : memref<10240x32xf32, #tpu.memory_space<hbm>>) target(%arg13 : memref<128x32xf32, #tpu.memory_space<vmem>>) offsets(%dma_start3A_49 : memref<128xi32, #tpu.memory_space<vmem>>) semaphore(%arg21 : memref<!tpu.dma_semaphore, #tpu.memory_space<semaphore_mem>>)
    %dma_start3A_53 = arith.constant 3 : i32
    %dma_start3A_54 = arith.constant 0 : i32
    %dma_start3A_55 = tpu.memref_slice %arg9[%dma_start3A_53, %dma_start3A_54] : memref<80x128xi32, #tpu.memory_space<vmem>> -> memref<1x128xi32, #tpu.memory_space<vmem>>
    %dma_start3A_56 = tpu.memref_squeeze %dma_start3A_55 : memref<1x128xi32, #tpu.memory_space<vmem>> -> memref<128xi32, #tpu.memory_space<vmem>>
    %dma_start3A_57 = arith.constant 0 : i32
    %dma_start3A_58 = arith.constant 0 : i32
    %dma_start3A_59 = tpu.memref_slice %arg2[%dma_start3A_57, %dma_start3A_58] : memref<10240x32xf32, #tpu.memory_space<hbm>> -> memref<10240x32xf32, #tpu.memory_space<hbm>>
    tpu.enqueue_indirect_dma source(%dma_start3A_59 : memref<10240x32xf32, #tpu.memory_space<hbm>>) target(%arg14 : memref<128x32xf32, #tpu.memory_space<vmem>>) offsets(%dma_start3A_56 : memref<128xi32, #tpu.memory_space<vmem>>) semaphore(%arg22 : memref<!tpu.dma_semaphore, #tpu.memory_space<semaphore_mem>>)
    %scan3A = arith.constant 0 : i32
    %scan3A_60 = arith.constant 0 : i32
    %scan3A_61 = arith.constant 10 : i32
    %scan3A_62 = arith.addi %scan3A_60, %scan3A_61 : i32
    %scan3A_63 = arith.constant 1 : i32
    scf.for %scan3A_117 = %scan3A_60 to %scan3A_62 step %scan3A_63  : i32 {
      %mul3A_118 = arith.constant 8 : i32
      %mul3A_119 = arith.muli %scan3A_117, %mul3A_118 : i32
      %add3A_120 = arith.constant 0 : i32
      %add3A_121 = arith.addi %mul3A_119, %add3A_120 : i32
      %dma_wait3A_122 = arith.constant 0 : i32
      %dma_wait3A_123 = arith.constant 0 : i32
      %dma_wait3A_124 = tpu.memref_slice %arg2[%dma_wait3A_122, %dma_wait3A_123] : memref<10240x32xf32, #tpu.memory_space<hbm>> -> memref<128x32xf32, #tpu.memory_space<hbm>>
      %dma_wait3A_125 = arith.constant 0 : i32
      %dma_wait3A_126 = arith.constant 0 : i32
      %dma_wait3A_127 = tpu.memref_slice %arg2[%dma_wait3A_125, %dma_wait3A_126] : memref<10240x32xf32, #tpu.memory_space<hbm>> -> memref<128x32xf32, #tpu.memory_space<hbm>>
      tpu.wait_dma2 semaphore(%arg19 : memref<!tpu.dma_semaphore, #tpu.memory_space<semaphore_mem>>) src(%dma_wait3A_127 : memref<128x32xf32, #tpu.memory_space<hbm>>) dst(%arg11 : memref<128x32xf32, #tpu.memory_space<vmem>>)
      %dma_start3A_128 = arith.constant 0 : i32
      %dma_start3A_129 = tpu.memref_slice %arg10[%add3A_121, %dma_start3A_128] : memref<80x128xi32, #tpu.memory_space<vmem>> -> memref<1x128xi32, #tpu.memory_space<vmem>>
      %dma_start3A_130 = tpu.memref_squeeze %dma_start3A_129 : memref<1x128xi32, #tpu.memory_space<vmem>> -> memref<128xi32, #tpu.memory_space<vmem>>
      %dma_start3A_131 = arith.constant 0 : i32
      %dma_start3A_132 = arith.constant 0 : i32
      %dma_start3A_133 = tpu.memref_slice %arg8[%dma_start3A_131, %dma_start3A_132] : memref<10240x32xf32, #tpu.memory_space<vmem_shared>> -> memref<10240x32xf32, #tpu.memory_space<vmem_shared>>
      tpu.enqueue_indirect_dma source(%arg11 : memref<128x32xf32, #tpu.memory_space<vmem>>) target(%dma_start3A_133 : memref<10240x32xf32, #tpu.memory_space<vmem_shared>>) offsets(%dma_start3A_130 : memref<128xi32, #tpu.memory_space<vmem>>) semaphore(%arg27 : memref<!tpu.dma_semaphore, #tpu.memory_space<semaphore_mem>>) {add = true}
      %add3A_134 = arith.constant 4 : i32
      %add3A_135 = arith.addi %add3A_121, %add3A_134 : i32
      %lt3A = arith.constant 80 : i32
      %lt3A_136 = arith.cmpi slt, %add3A_135, %lt3A : i32
      %convert_element_type3A_137 = arith.extui %lt3A_136 : i1 to i32
      %cond3A_138 = arith.constant 0 : i32
      %cond3A_139 = arith.cmpi ne, %convert_element_type3A_137, %cond3A_138 : i32
      scf.if %cond3A_139 {
        %ge3A = arith.constant 4 : i32
        %ge3A_301 = arith.cmpi sge, %add3A_121, %ge3A : i32
        %convert_element_type3A_302 = arith.extui %ge3A_301 : i1 to i32
        %cond3A_303 = arith.constant 0 : i32
        %cond3A_304 = arith.cmpi ne, %convert_element_type3A_302, %cond3A_303 : i32
        scf.if %cond3A_304 {
          %dma_wait3A_313 = arith.constant 0 : i32
          %dma_wait3A_314 = arith.constant 0 : i32
          %dma_wait3A_315 = tpu.memref_slice %arg2[%dma_wait3A_313, %dma_wait3A_314] : memref<10240x32xf32, #tpu.memory_space<hbm>> -> memref<128x32xf32, #tpu.memory_space<hbm>>
          %dma_wait3A_316 = arith.constant 0 : i32
          %dma_wait3A_317 = arith.constant 0 : i32
          %dma_wait3A_318 = tpu.memref_slice %arg2[%dma_wait3A_316, %dma_wait3A_317] : memref<10240x32xf32, #tpu.memory_space<hbm>> -> memref<128x32xf32, #tpu.memory_space<hbm>>
          tpu.wait_dma2 semaphore(%arg31 : memref<!tpu.dma_semaphore, #tpu.memory_space<semaphore_mem>>) src(%dma_wait3A_318 : memref<128x32xf32, #tpu.memory_space<hbm>>) dst(%arg15 : memref<128x32xf32, #tpu.memory_space<vmem>>)
        } else {
        }
        %add3A_305 = arith.constant 4 : i32
        %add3A_306 = arith.addi %add3A_121, %add3A_305 : i32
        %dma_start3A_307 = arith.constant 0 : i32
        %dma_start3A_308 = tpu.memref_slice %arg9[%add3A_306, %dma_start3A_307] : memref<80x128xi32, #tpu.memory_space<vmem>> -> memref<1x128xi32, #tpu.memory_space<vmem>>
        %dma_start3A_309 = tpu.memref_squeeze %dma_start3A_308 : memref<1x128xi32, #tpu.memory_space<vmem>> -> memref<128xi32, #tpu.memory_space<vmem>>
        %dma_start3A_310 = arith.constant 0 : i32
        %dma_start3A_311 = arith.constant 0 : i32
        %dma_start3A_312 = tpu.memref_slice %arg2[%dma_start3A_310, %dma_start3A_311] : memref<10240x32xf32, #tpu.memory_space<hbm>> -> memref<10240x32xf32, #tpu.memory_space<hbm>>
        tpu.enqueue_indirect_dma source(%dma_start3A_312 : memref<10240x32xf32, #tpu.memory_space<hbm>>) target(%arg15 : memref<128x32xf32, #tpu.memory_space<vmem>>) offsets(%dma_start3A_309 : memref<128xi32, #tpu.memory_space<vmem>>) semaphore(%arg23 : memref<!tpu.dma_semaphore, #tpu.memory_space<semaphore_mem>>)
      } else {
      }
      %mul3A_140 = arith.constant 8 : i32
      %mul3A_141 = arith.muli %scan3A_117, %mul3A_140 : i32
      %add3A_142 = arith.constant 1 : i32
      %add3A_143 = arith.addi %mul3A_141, %add3A_142 : i32
      %dma_wait3A_144 = arith.constant 0 : i32
      %dma_wait3A_145 = arith.constant 0 : i32
      %dma_wait3A_146 = tpu.memref_slice %arg2[%dma_wait3A_144, %dma_wait3A_145] : memref<10240x32xf32, #tpu.memory_space<hbm>> -> memref<128x32xf32, #tpu.memory_space<hbm>>
      %dma_wait3A_147 = arith.constant 0 : i32
      %dma_wait3A_148 = arith.constant 0 : i32
      %dma_wait3A_149 = tpu.memref_slice %arg2[%dma_wait3A_147, %dma_wait3A_148] : memref<10240x32xf32, #tpu.memory_space<hbm>> -> memref<128x32xf32, #tpu.memory_space<hbm>>
      tpu.wait_dma2 semaphore(%arg20 : memref<!tpu.dma_semaphore, #tpu.memory_space<semaphore_mem>>) src(%dma_wait3A_149 : memref<128x32xf32, #tpu.memory_space<hbm>>) dst(%arg12 : memref<128x32xf32, #tpu.memory_space<vmem>>)
      %dma_start3A_150 = arith.constant 0 : i32
      %dma_start3A_151 = tpu.memref_slice %arg10[%add3A_143, %dma_start3A_150] : memref<80x128xi32, #tpu.memory_space<vmem>> -> memref<1x128xi32, #tpu.memory_space<vmem>>
      %dma_start3A_152 = tpu.memref_squeeze %dma_start3A_151 : memref<1x128xi32, #tpu.memory_space<vmem>> -> memref<128xi32, #tpu.memory_space<vmem>>
      %dma_start3A_153 = arith.constant 0 : i32
      %dma_start3A_154 = arith.constant 0 : i32
      %dma_start3A_155 = tpu.memref_slice %arg8[%dma_start3A_153, %dma_start3A_154] : memref<10240x32xf32, #tpu.memory_space<vmem_shared>> -> memref<10240x32xf32, #tpu.memory_space<vmem_shared>>
      tpu.enqueue_indirect_dma source(%arg12 : memref<128x32xf32, #tpu.memory_space<vmem>>) target(%dma_start3A_155 : memref<10240x32xf32, #tpu.memory_space<vmem_shared>>) offsets(%dma_start3A_152 : memref<128xi32, #tpu.memory_space<vmem>>) semaphore(%arg28 : memref<!tpu.dma_semaphore, #tpu.memory_space<semaphore_mem>>) {add = true}
      %add3A_156 = arith.constant 4 : i32
      %add3A_157 = arith.addi %add3A_143, %add3A_156 : i32
      %lt3A_158 = arith.constant 80 : i32
      %lt3A_159 = arith.cmpi slt, %add3A_157, %lt3A_158 : i32
      %convert_element_type3A_160 = arith.extui %lt3A_159 : i1 to i32
      %cond3A_161 = arith.constant 0 : i32
      %cond3A_162 = arith.cmpi ne, %convert_element_type3A_160, %cond3A_161 : i32
      scf.if %cond3A_162 {
        %ge3A = arith.constant 4 : i32
        %ge3A_301 = arith.cmpi sge, %add3A_143, %ge3A : i32
        %convert_element_type3A_302 = arith.extui %ge3A_301 : i1 to i32
        %cond3A_303 = arith.constant 0 : i32
        %cond3A_304 = arith.cmpi ne, %convert_element_type3A_302, %cond3A_303 : i32
        scf.if %cond3A_304 {
          %dma_wait3A_313 = arith.constant 0 : i32
          %dma_wait3A_314 = arith.constant 0 : i32
          %dma_wait3A_315 = tpu.memref_slice %arg2[%dma_wait3A_313, %dma_wait3A_314] : memref<10240x32xf32, #tpu.memory_space<hbm>> -> memref<128x32xf32, #tpu.memory_space<hbm>>
          %dma_wait3A_316 = arith.constant 0 : i32
          %dma_wait3A_317 = arith.constant 0 : i32
          %dma_wait3A_318 = tpu.memref_slice %arg2[%dma_wait3A_316, %dma_wait3A_317] : memref<10240x32xf32, #tpu.memory_space<hbm>> -> memref<128x32xf32, #tpu.memory_space<hbm>>
          tpu.wait_dma2 semaphore(%arg32 : memref<!tpu.dma_semaphore, #tpu.memory_space<semaphore_mem>>) src(%dma_wait3A_318 : memref<128x32xf32, #tpu.memory_space<hbm>>) dst(%arg16 : memref<128x32xf32, #tpu.memory_space<vmem>>)
        } else {
        }
        %add3A_305 = arith.constant 4 : i32
        %add3A_306 = arith.addi %add3A_143, %add3A_305 : i32
        %dma_start3A_307 = arith.constant 0 : i32
        %dma_start3A_308 = tpu.memref_slice %arg9[%add3A_306, %dma_start3A_307] : memref<80x128xi32, #tpu.memory_space<vmem>> -> memref<1x128xi32, #tpu.memory_space<vmem>>
        %dma_start3A_309 = tpu.memref_squeeze %dma_start3A_308 : memref<1x128xi32, #tpu.memory_space<vmem>> -> memref<128xi32, #tpu.memory_space<vmem>>
        %dma_start3A_310 = arith.constant 0 : i32
        %dma_start3A_311 = arith.constant 0 : i32
        %dma_start3A_312 = tpu.memref_slice %arg2[%dma_start3A_310, %dma_start3A_311] : memref<10240x32xf32, #tpu.memory_space<hbm>> -> memref<10240x32xf32, #tpu.memory_space<hbm>>
        tpu.enqueue_indirect_dma source(%dma_start3A_312 : memref<10240x32xf32, #tpu.memory_space<hbm>>) target(%arg16 : memref<128x32xf32, #tpu.memory_space<vmem>>) offsets(%dma_start3A_309 : memref<128xi32, #tpu.memory_space<vmem>>) semaphore(%arg24 : memref<!tpu.dma_semaphore, #tpu.memory_space<semaphore_mem>>)
      } else {
      }
      %mul3A_163 = arith.constant 8 : i32
      %mul3A_164 = arith.muli %scan3A_117, %mul3A_163 : i32
      %add3A_165 = arith.constant 2 : i32
      %add3A_166 = arith.addi %mul3A_164, %add3A_165 : i32
      %dma_wait3A_167 = arith.constant 0 : i32
      %dma_wait3A_168 = arith.constant 0 : i32
      %dma_wait3A_169 = tpu.memref_slice %arg2[%dma_wait3A_167, %dma_wait3A_168] : memref<10240x32xf32, #tpu.memory_space<hbm>> -> memref<128x32xf32, #tpu.memory_space<hbm>>
      %dma_wait3A_170 = arith.constant 0 : i32
      %dma_wait3A_171 = arith.constant 0 : i32
      %dma_wait3A_172 = tpu.memref_slice %arg2[%dma_wait3A_170, %dma_wait3A_171] : memref<10240x32xf32, #tpu.memory_space<hbm>> -> memref<128x32xf32, #tpu.memory_space<hbm>>
      tpu.wait_dma2 semaphore(%arg21 : memref<!tpu.dma_semaphore, #tpu.memory_space<semaphore_mem>>) src(%dma_wait3A_172 : memref<128x32xf32, #tpu.memory_space<hbm>>) dst(%arg13 : memref<128x32xf32, #tpu.memory_space<vmem>>)
      %dma_start3A_173 = arith.constant 0 : i32
      %dma_start3A_174 = tpu.memref_slice %arg10[%add3A_166, %dma_start3A_173] : memref<80x128xi32, #tpu.memory_space<vmem>> -> memref<1x128xi32, #tpu.memory_space<vmem>>
      %dma_start3A_175 = tpu.memref_squeeze %dma_start3A_174 : memref<1x128xi32, #tpu.memory_space<vmem>> -> memref<128xi32, #tpu.memory_space<vmem>>
      %dma_start3A_176 = arith.constant 0 : i32
      %dma_start3A_177 = arith.constant 0 : i32
      %dma_start3A_178 = tpu.memref_slice %arg8[%dma_start3A_176, %dma_start3A_177] : memref<10240x32xf32, #tpu.memory_space<vmem_shared>> -> memref<10240x32xf32, #tpu.memory_space<vmem_shared>>
      tpu.enqueue_indirect_dma source(%arg13 : memref<128x32xf32, #tpu.memory_space<vmem>>) target(%dma_start3A_178 : memref<10240x32xf32, #tpu.memory_space<vmem_shared>>) offsets(%dma_start3A_175 : memref<128xi32, #tpu.memory_space<vmem>>) semaphore(%arg29 : memref<!tpu.dma_semaphore, #tpu.memory_space<semaphore_mem>>) {add = true}
      %add3A_179 = arith.constant 4 : i32
      %add3A_180 = arith.addi %add3A_166, %add3A_179 : i32
      %lt3A_181 = arith.constant 80 : i32
      %lt3A_182 = arith.cmpi slt, %add3A_180, %lt3A_181 : i32
      %convert_element_type3A_183 = arith.extui %lt3A_182 : i1 to i32
      %cond3A_184 = arith.constant 0 : i32
      %cond3A_185 = arith.cmpi ne, %convert_element_type3A_183, %cond3A_184 : i32
      scf.if %cond3A_185 {
        %ge3A = arith.constant 4 : i32
        %ge3A_301 = arith.cmpi sge, %add3A_166, %ge3A : i32
        %convert_element_type3A_302 = arith.extui %ge3A_301 : i1 to i32
        %cond3A_303 = arith.constant 0 : i32
        %cond3A_304 = arith.cmpi ne, %convert_element_type3A_302, %cond3A_303 : i32
        scf.if %cond3A_304 {
          %dma_wait3A_313 = arith.constant 0 : i32
          %dma_wait3A_314 = arith.constant 0 : i32
          %dma_wait3A_315 = tpu.memref_slice %arg2[%dma_wait3A_313, %dma_wait3A_314] : memref<10240x32xf32, #tpu.memory_space<hbm>> -> memref<128x32xf32, #tpu.memory_space<hbm>>
          %dma_wait3A_316 = arith.constant 0 : i32
          %dma_wait3A_317 = arith.constant 0 : i32
          %dma_wait3A_318 = tpu.memref_slice %arg2[%dma_wait3A_316, %dma_wait3A_317] : memref<10240x32xf32, #tpu.memory_space<hbm>> -> memref<128x32xf32, #tpu.memory_space<hbm>>
          tpu.wait_dma2 semaphore(%arg33 : memref<!tpu.dma_semaphore, #tpu.memory_space<semaphore_mem>>) src(%dma_wait3A_318 : memref<128x32xf32, #tpu.memory_space<hbm>>) dst(%arg17 : memref<128x32xf32, #tpu.memory_space<vmem>>)
        } else {
        }
        %add3A_305 = arith.constant 4 : i32
        %add3A_306 = arith.addi %add3A_166, %add3A_305 : i32
        %dma_start3A_307 = arith.constant 0 : i32
        %dma_start3A_308 = tpu.memref_slice %arg9[%add3A_306, %dma_start3A_307] : memref<80x128xi32, #tpu.memory_space<vmem>> -> memref<1x128xi32, #tpu.memory_space<vmem>>
        %dma_start3A_309 = tpu.memref_squeeze %dma_start3A_308 : memref<1x128xi32, #tpu.memory_space<vmem>> -> memref<128xi32, #tpu.memory_space<vmem>>
        %dma_start3A_310 = arith.constant 0 : i32
        %dma_start3A_311 = arith.constant 0 : i32
        %dma_start3A_312 = tpu.memref_slice %arg2[%dma_start3A_310, %dma_start3A_311] : memref<10240x32xf32, #tpu.memory_space<hbm>> -> memref<10240x32xf32, #tpu.memory_space<hbm>>
        tpu.enqueue_indirect_dma source(%dma_start3A_312 : memref<10240x32xf32, #tpu.memory_space<hbm>>) target(%arg17 : memref<128x32xf32, #tpu.memory_space<vmem>>) offsets(%dma_start3A_309 : memref<128xi32, #tpu.memory_space<vmem>>) semaphore(%arg25 : memref<!tpu.dma_semaphore, #tpu.memory_space<semaphore_mem>>)
      } else {
      }
      %mul3A_186 = arith.constant 8 : i32
      %mul3A_187 = arith.muli %scan3A_117, %mul3A_186 : i32
      %add3A_188 = arith.constant 3 : i32
      %add3A_189 = arith.addi %mul3A_187, %add3A_188 : i32
      %dma_wait3A_190 = arith.constant 0 : i32
      %dma_wait3A_191 = arith.constant 0 : i32
      %dma_wait3A_192 = tpu.memref_slice %arg2[%dma_wait3A_190, %dma_wait3A_191] : memref<10240x32xf32, #tpu.memory_space<hbm>> -> memref<128x32xf32, #tpu.memory_space<hbm>>
      %dma_wait3A_193 = arith.constant 0 : i32
      %dma_wait3A_194 = arith.constant 0 : i32
      %dma_wait3A_195 = tpu.memref_slice %arg2[%dma_wait3A_193, %dma_wait3A_194] : memref<10240x32xf32, #tpu.memory_space<hbm>> -> memref<128x32xf32, #tpu.memory_space<hbm>>
      tpu.wait_dma2 semaphore(%arg22 : memref<!tpu.dma_semaphore, #tpu.memory_space<semaphore_mem>>) src(%dma_wait3A_195 : memref<128x32xf32, #tpu.memory_space<hbm>>) dst(%arg14 : memref<128x32xf32, #tpu.memory_space<vmem>>)
      %dma_start3A_196 = arith.constant 0 : i32
      %dma_start3A_197 = tpu.memref_slice %arg10[%add3A_189, %dma_start3A_196] : memref<80x128xi32, #tpu.memory_space<vmem>> -> memref<1x128xi32, #tpu.memory_space<vmem>>
      %dma_start3A_198 = tpu.memref_squeeze %dma_start3A_197 : memref<1x128xi32, #tpu.memory_space<vmem>> -> memref<128xi32, #tpu.memory_space<vmem>>
      %dma_start3A_199 = arith.constant 0 : i32
      %dma_start3A_200 = arith.constant 0 : i32
      %dma_start3A_201 = tpu.memref_slice %arg8[%dma_start3A_199, %dma_start3A_200] : memref<10240x32xf32, #tpu.memory_space<vmem_shared>> -> memref<10240x32xf32, #tpu.memory_space<vmem_shared>>
      tpu.enqueue_indirect_dma source(%arg14 : memref<128x32xf32, #tpu.memory_space<vmem>>) target(%dma_start3A_201 : memref<10240x32xf32, #tpu.memory_space<vmem_shared>>) offsets(%dma_start3A_198 : memref<128xi32, #tpu.memory_space<vmem>>) semaphore(%arg30 : memref<!tpu.dma_semaphore, #tpu.memory_space<semaphore_mem>>) {add = true}
      %add3A_202 = arith.constant 4 : i32
      %add3A_203 = arith.addi %add3A_189, %add3A_202 : i32
      %lt3A_204 = arith.constant 80 : i32
      %lt3A_205 = arith.cmpi slt, %add3A_203, %lt3A_204 : i32
      %convert_element_type3A_206 = arith.extui %lt3A_205 : i1 to i32
      %cond3A_207 = arith.constant 0 : i32
      %cond3A_208 = arith.cmpi ne, %convert_element_type3A_206, %cond3A_207 : i32
      scf.if %cond3A_208 {
        %ge3A = arith.constant 4 : i32
        %ge3A_301 = arith.cmpi sge, %add3A_189, %ge3A : i32
        %convert_element_type3A_302 = arith.extui %ge3A_301 : i1 to i32
        %cond3A_303 = arith.constant 0 : i32
        %cond3A_304 = arith.cmpi ne, %convert_element_type3A_302, %cond3A_303 : i32
        scf.if %cond3A_304 {
          %dma_wait3A_313 = arith.constant 0 : i32
          %dma_wait3A_314 = arith.constant 0 : i32
          %dma_wait3A_315 = tpu.memref_slice %arg2[%dma_wait3A_313, %dma_wait3A_314] : memref<10240x32xf32, #tpu.memory_space<hbm>> -> memref<128x32xf32, #tpu.memory_space<hbm>>
          %dma_wait3A_316 = arith.constant 0 : i32
          %dma_wait3A_317 = arith.constant 0 : i32
          %dma_wait3A_318 = tpu.memref_slice %arg2[%dma_wait3A_316, %dma_wait3A_317] : memref<10240x32xf32, #tpu.memory_space<hbm>> -> memref<128x32xf32, #tpu.memory_space<hbm>>
          tpu.wait_dma2 semaphore(%arg34 : memref<!tpu.dma_semaphore, #tpu.memory_space<semaphore_mem>>) src(%dma_wait3A_318 : memref<128x32xf32, #tpu.memory_space<hbm>>) dst(%arg18 : memref<128x32xf32, #tpu.memory_space<vmem>>)
        } else {
        }
        %add3A_305 = arith.constant 4 : i32
        %add3A_306 = arith.addi %add3A_189, %add3A_305 : i32
        %dma_start3A_307 = arith.constant 0 : i32
        %dma_start3A_308 = tpu.memref_slice %arg9[%add3A_306, %dma_start3A_307] : memref<80x128xi32, #tpu.memory_space<vmem>> -> memref<1x128xi32, #tpu.memory_space<vmem>>
        %dma_start3A_309 = tpu.memref_squeeze %dma_start3A_308 : memref<1x128xi32, #tpu.memory_space<vmem>> -> memref<128xi32, #tpu.memory_space<vmem>>
        %dma_start3A_310 = arith.constant 0 : i32
        %dma_start3A_311 = arith.constant 0 : i32
        %dma_start3A_312 = tpu.memref_slice %arg2[%dma_start3A_310, %dma_start3A_311] : memref<10240x32xf32, #tpu.memory_space<hbm>> -> memref<10240x32xf32, #tpu.memory_space<hbm>>
        tpu.enqueue_indirect_dma source(%dma_start3A_312 : memref<10240x32xf32, #tpu.memory_space<hbm>>) target(%arg18 : memref<128x32xf32, #tpu.memory_space<vmem>>) offsets(%dma_start3A_309 : memref<128xi32, #tpu.memory_space<vmem>>) semaphore(%arg26 : memref<!tpu.dma_semaphore, #tpu.memory_space<semaphore_mem>>)
      } else {
      }
      %mul3A_209 = arith.constant 8 : i32
      %mul3A_210 = arith.muli %scan3A_117, %mul3A_209 : i32
      %add3A_211 = arith.constant 4 : i32
      %add3A_212 = arith.addi %mul3A_210, %add3A_211 : i32
      %dma_wait3A_213 = arith.constant 0 : i32
      %dma_wait3A_214 = arith.constant 0 : i32
      %dma_wait3A_215 = tpu.memref_slice %arg2[%dma_wait3A_213, %dma_wait3A_214] : memref<10240x32xf32, #tpu.memory_space<hbm>> -> memref<128x32xf32, #tpu.memory_space<hbm>>
      %dma_wait3A_216 = arith.constant 0 : i32
      %dma_wait3A_217 = arith.constant 0 : i32
      %dma_wait3A_218 = tpu.memref_slice %arg2[%dma_wait3A_216, %dma_wait3A_217] : memref<10240x32xf32, #tpu.memory_space<hbm>> -> memref<128x32xf32, #tpu.memory_space<hbm>>
      tpu.wait_dma2 semaphore(%arg23 : memref<!tpu.dma_semaphore, #tpu.memory_space<semaphore_mem>>) src(%dma_wait3A_218 : memref<128x32xf32, #tpu.memory_space<hbm>>) dst(%arg15 : memref<128x32xf32, #tpu.memory_space<vmem>>)
      %dma_start3A_219 = arith.constant 0 : i32
      %dma_start3A_220 = tpu.memref_slice %arg10[%add3A_212, %dma_start3A_219] : memref<80x128xi32, #tpu.memory_space<vmem>> -> memref<1x128xi32, #tpu.memory_space<vmem>>
      %dma_start3A_221 = tpu.memref_squeeze %dma_start3A_220 : memref<1x128xi32, #tpu.memory_space<vmem>> -> memref<128xi32, #tpu.memory_space<vmem>>
      %dma_start3A_222 = arith.constant 0 : i32
      %dma_start3A_223 = arith.constant 0 : i32
      %dma_start3A_224 = tpu.memref_slice %arg8[%dma_start3A_222, %dma_start3A_223] : memref<10240x32xf32, #tpu.memory_space<vmem_shared>> -> memref<10240x32xf32, #tpu.memory_space<vmem_shared>>
      tpu.enqueue_indirect_dma source(%arg15 : memref<128x32xf32, #tpu.memory_space<vmem>>) target(%dma_start3A_224 : memref<10240x32xf32, #tpu.memory_space<vmem_shared>>) offsets(%dma_start3A_221 : memref<128xi32, #tpu.memory_space<vmem>>) semaphore(%arg31 : memref<!tpu.dma_semaphore, #tpu.memory_space<semaphore_mem>>) {add = true}
      %add3A_225 = arith.constant 4 : i32
      %add3A_226 = arith.addi %add3A_212, %add3A_225 : i32
      %lt3A_227 = arith.constant 80 : i32
      %lt3A_228 = arith.cmpi slt, %add3A_226, %lt3A_227 : i32
      %convert_element_type3A_229 = arith.extui %lt3A_228 : i1 to i32
      %cond3A_230 = arith.constant 0 : i32
      %cond3A_231 = arith.cmpi ne, %convert_element_type3A_229, %cond3A_230 : i32
      scf.if %cond3A_231 {
        %ge3A = arith.constant 4 : i32
        %ge3A_301 = arith.cmpi sge, %add3A_212, %ge3A : i32
        %convert_element_type3A_302 = arith.extui %ge3A_301 : i1 to i32
        %cond3A_303 = arith.constant 0 : i32
        %cond3A_304 = arith.cmpi ne, %convert_element_type3A_302, %cond3A_303 : i32
        scf.if %cond3A_304 {
          %dma_wait3A_313 = arith.constant 0 : i32
          %dma_wait3A_314 = arith.constant 0 : i32
          %dma_wait3A_315 = tpu.memref_slice %arg2[%dma_wait3A_313, %dma_wait3A_314] : memref<10240x32xf32, #tpu.memory_space<hbm>> -> memref<128x32xf32, #tpu.memory_space<hbm>>
          %dma_wait3A_316 = arith.constant 0 : i32
          %dma_wait3A_317 = arith.constant 0 : i32
          %dma_wait3A_318 = tpu.memref_slice %arg2[%dma_wait3A_316, %dma_wait3A_317] : memref<10240x32xf32, #tpu.memory_space<hbm>> -> memref<128x32xf32, #tpu.memory_space<hbm>>
          tpu.wait_dma2 semaphore(%arg27 : memref<!tpu.dma_semaphore, #tpu.memory_space<semaphore_mem>>) src(%dma_wait3A_318 : memref<128x32xf32, #tpu.memory_space<hbm>>) dst(%arg11 : memref<128x32xf32, #tpu.memory_space<vmem>>)
        } else {
        }
        %add3A_305 = arith.constant 4 : i32
        %add3A_306 = arith.addi %add3A_212, %add3A_305 : i32
        %dma_start3A_307 = arith.constant 0 : i32
        %dma_start3A_308 = tpu.memref_slice %arg9[%add3A_306, %dma_start3A_307] : memref<80x128xi32, #tpu.memory_space<vmem>> -> memref<1x128xi32, #tpu.memory_space<vmem>>
        %dma_start3A_309 = tpu.memref_squeeze %dma_start3A_308 : memref<1x128xi32, #tpu.memory_space<vmem>> -> memref<128xi32, #tpu.memory_space<vmem>>
        %dma_start3A_310 = arith.constant 0 : i32
        %dma_start3A_311 = arith.constant 0 : i32
        %dma_start3A_312 = tpu.memref_slice %arg2[%dma_start3A_310, %dma_start3A_311] : memref<10240x32xf32, #tpu.memory_space<hbm>> -> memref<10240x32xf32, #tpu.memory_space<hbm>>
        tpu.enqueue_indirect_dma source(%dma_start3A_312 : memref<10240x32xf32, #tpu.memory_space<hbm>>) target(%arg11 : memref<128x32xf32, #tpu.memory_space<vmem>>) offsets(%dma_start3A_309 : memref<128xi32, #tpu.memory_space<vmem>>) semaphore(%arg19 : memref<!tpu.dma_semaphore, #tpu.memory_space<semaphore_mem>>)
      } else {
      }
      %mul3A_232 = arith.constant 8 : i32
      %mul3A_233 = arith.muli %scan3A_117, %mul3A_232 : i32
      %add3A_234 = arith.constant 5 : i32
      %add3A_235 = arith.addi %mul3A_233, %add3A_234 : i32
      %dma_wait3A_236 = arith.constant 0 : i32
      %dma_wait3A_237 = arith.constant 0 : i32
      %dma_wait3A_238 = tpu.memref_slice %arg2[%dma_wait3A_236, %dma_wait3A_237] : memref<10240x32xf32, #tpu.memory_space<hbm>> -> memref<128x32xf32, #tpu.memory_space<hbm>>
      %dma_wait3A_239 = arith.constant 0 : i32
      %dma_wait3A_240 = arith.constant 0 : i32
      %dma_wait3A_241 = tpu.memref_slice %arg2[%dma_wait3A_239, %dma_wait3A_240] : memref<10240x32xf32, #tpu.memory_space<hbm>> -> memref<128x32xf32, #tpu.memory_space<hbm>>
      tpu.wait_dma2 semaphore(%arg24 : memref<!tpu.dma_semaphore, #tpu.memory_space<semaphore_mem>>) src(%dma_wait3A_241 : memref<128x32xf32, #tpu.memory_space<hbm>>) dst(%arg16 : memref<128x32xf32, #tpu.memory_space<vmem>>)
      %dma_start3A_242 = arith.constant 0 : i32
      %dma_start3A_243 = tpu.memref_slice %arg10[%add3A_235, %dma_start3A_242] : memref<80x128xi32, #tpu.memory_space<vmem>> -> memref<1x128xi32, #tpu.memory_space<vmem>>
      %dma_start3A_244 = tpu.memref_squeeze %dma_start3A_243 : memref<1x128xi32, #tpu.memory_space<vmem>> -> memref<128xi32, #tpu.memory_space<vmem>>
      %dma_start3A_245 = arith.constant 0 : i32
      %dma_start3A_246 = arith.constant 0 : i32
      %dma_start3A_247 = tpu.memref_slice %arg8[%dma_start3A_245, %dma_start3A_246] : memref<10240x32xf32, #tpu.memory_space<vmem_shared>> -> memref<10240x32xf32, #tpu.memory_space<vmem_shared>>
      tpu.enqueue_indirect_dma source(%arg16 : memref<128x32xf32, #tpu.memory_space<vmem>>) target(%dma_start3A_247 : memref<10240x32xf32, #tpu.memory_space<vmem_shared>>) offsets(%dma_start3A_244 : memref<128xi32, #tpu.memory_space<vmem>>) semaphore(%arg32 : memref<!tpu.dma_semaphore, #tpu.memory_space<semaphore_mem>>) {add = true}
      %add3A_248 = arith.constant 4 : i32
      %add3A_249 = arith.addi %add3A_235, %add3A_248 : i32
      %lt3A_250 = arith.constant 80 : i32
      %lt3A_251 = arith.cmpi slt, %add3A_249, %lt3A_250 : i32
      %convert_element_type3A_252 = arith.extui %lt3A_251 : i1 to i32
      %cond3A_253 = arith.constant 0 : i32
      %cond3A_254 = arith.cmpi ne, %convert_element_type3A_252, %cond3A_253 : i32
      scf.if %cond3A_254 {
        %ge3A = arith.constant 4 : i32
        %ge3A_301 = arith.cmpi sge, %add3A_235, %ge3A : i32
        %convert_element_type3A_302 = arith.extui %ge3A_301 : i1 to i32
        %cond3A_303 = arith.constant 0 : i32
        %cond3A_304 = arith.cmpi ne, %convert_element_type3A_302, %cond3A_303 : i32
        scf.if %cond3A_304 {
          %dma_wait3A_313 = arith.constant 0 : i32
          %dma_wait3A_314 = arith.constant 0 : i32
          %dma_wait3A_315 = tpu.memref_slice %arg2[%dma_wait3A_313, %dma_wait3A_314] : memref<10240x32xf32, #tpu.memory_space<hbm>> -> memref<128x32xf32, #tpu.memory_space<hbm>>
          %dma_wait3A_316 = arith.constant 0 : i32
          %dma_wait3A_317 = arith.constant 0 : i32
          %dma_wait3A_318 = tpu.memref_slice %arg2[%dma_wait3A_316, %dma_wait3A_317] : memref<10240x32xf32, #tpu.memory_space<hbm>> -> memref<128x32xf32, #tpu.memory_space<hbm>>
          tpu.wait_dma2 semaphore(%arg28 : memref<!tpu.dma_semaphore, #tpu.memory_space<semaphore_mem>>) src(%dma_wait3A_318 : memref<128x32xf32, #tpu.memory_space<hbm>>) dst(%arg12 : memref<128x32xf32, #tpu.memory_space<vmem>>)
        } else {
        }
        %add3A_305 = arith.constant 4 : i32
        %add3A_306 = arith.addi %add3A_235, %add3A_305 : i32
        %dma_start3A_307 = arith.constant 0 : i32
        %dma_start3A_308 = tpu.memref_slice %arg9[%add3A_306, %dma_start3A_307] : memref<80x128xi32, #tpu.memory_space<vmem>> -> memref<1x128xi32, #tpu.memory_space<vmem>>
        %dma_start3A_309 = tpu.memref_squeeze %dma_start3A_308 : memref<1x128xi32, #tpu.memory_space<vmem>> -> memref<128xi32, #tpu.memory_space<vmem>>
        %dma_start3A_310 = arith.constant 0 : i32
        %dma_start3A_311 = arith.constant 0 : i32
        %dma_start3A_312 = tpu.memref_slice %arg2[%dma_start3A_310, %dma_start3A_311] : memref<10240x32xf32, #tpu.memory_space<hbm>> -> memref<10240x32xf32, #tpu.memory_space<hbm>>
        tpu.enqueue_indirect_dma source(%dma_start3A_312 : memref<10240x32xf32, #tpu.memory_space<hbm>>) target(%arg12 : memref<128x32xf32, #tpu.memory_space<vmem>>) offsets(%dma_start3A_309 : memref<128xi32, #tpu.memory_space<vmem>>) semaphore(%arg20 : memref<!tpu.dma_semaphore, #tpu.memory_space<semaphore_mem>>)
      } else {
      }
      %mul3A_255 = arith.constant 8 : i32
      %mul3A_256 = arith.muli %scan3A_117, %mul3A_255 : i32
      %add3A_257 = arith.constant 6 : i32
      %add3A_258 = arith.addi %mul3A_256, %add3A_257 : i32
      %dma_wait3A_259 = arith.constant 0 : i32
      %dma_wait3A_260 = arith.constant 0 : i32
      %dma_wait3A_261 = tpu.memref_slice %arg2[%dma_wait3A_259, %dma_wait3A_260] : memref<10240x32xf32, #tpu.memory_space<hbm>> -> memref<128x32xf32, #tpu.memory_space<hbm>>
      %dma_wait3A_262 = arith.constant 0 : i32
      %dma_wait3A_263 = arith.constant 0 : i32
      %dma_wait3A_264 = tpu.memref_slice %arg2[%dma_wait3A_262, %dma_wait3A_263] : memref<10240x32xf32, #tpu.memory_space<hbm>> -> memref<128x32xf32, #tpu.memory_space<hbm>>
      tpu.wait_dma2 semaphore(%arg25 : memref<!tpu.dma_semaphore, #tpu.memory_space<semaphore_mem>>) src(%dma_wait3A_264 : memref<128x32xf32, #tpu.memory_space<hbm>>) dst(%arg17 : memref<128x32xf32, #tpu.memory_space<vmem>>)
      %dma_start3A_265 = arith.constant 0 : i32
      %dma_start3A_266 = tpu.memref_slice %arg10[%add3A_258, %dma_start3A_265] : memref<80x128xi32, #tpu.memory_space<vmem>> -> memref<1x128xi32, #tpu.memory_space<vmem>>
      %dma_start3A_267 = tpu.memref_squeeze %dma_start3A_266 : memref<1x128xi32, #tpu.memory_space<vmem>> -> memref<128xi32, #tpu.memory_space<vmem>>
      %dma_start3A_268 = arith.constant 0 : i32
      %dma_start3A_269 = arith.constant 0 : i32
      %dma_start3A_270 = tpu.memref_slice %arg8[%dma_start3A_268, %dma_start3A_269] : memref<10240x32xf32, #tpu.memory_space<vmem_shared>> -> memref<10240x32xf32, #tpu.memory_space<vmem_shared>>
      tpu.enqueue_indirect_dma source(%arg17 : memref<128x32xf32, #tpu.memory_space<vmem>>) target(%dma_start3A_270 : memref<10240x32xf32, #tpu.memory_space<vmem_shared>>) offsets(%dma_start3A_267 : memref<128xi32, #tpu.memory_space<vmem>>) semaphore(%arg33 : memref<!tpu.dma_semaphore, #tpu.memory_space<semaphore_mem>>) {add = true}
      %add3A_271 = arith.constant 4 : i32
      %add3A_272 = arith.addi %add3A_258, %add3A_271 : i32
      %lt3A_273 = arith.constant 80 : i32
      %lt3A_274 = arith.cmpi slt, %add3A_272, %lt3A_273 : i32
      %convert_element_type3A_275 = arith.extui %lt3A_274 : i1 to i32
      %cond3A_276 = arith.constant 0 : i32
      %cond3A_277 = arith.cmpi ne, %convert_element_type3A_275, %cond3A_276 : i32
      scf.if %cond3A_277 {
        %ge3A = arith.constant 4 : i32
        %ge3A_301 = arith.cmpi sge, %add3A_258, %ge3A : i32
        %convert_element_type3A_302 = arith.extui %ge3A_301 : i1 to i32
        %cond3A_303 = arith.constant 0 : i32
        %cond3A_304 = arith.cmpi ne, %convert_element_type3A_302, %cond3A_303 : i32
        scf.if %cond3A_304 {
          %dma_wait3A_313 = arith.constant 0 : i32
          %dma_wait3A_314 = arith.constant 0 : i32
          %dma_wait3A_315 = tpu.memref_slice %arg2[%dma_wait3A_313, %dma_wait3A_314] : memref<10240x32xf32, #tpu.memory_space<hbm>> -> memref<128x32xf32, #tpu.memory_space<hbm>>
          %dma_wait3A_316 = arith.constant 0 : i32
          %dma_wait3A_317 = arith.constant 0 : i32
          %dma_wait3A_318 = tpu.memref_slice %arg2[%dma_wait3A_316, %dma_wait3A_317] : memref<10240x32xf32, #tpu.memory_space<hbm>> -> memref<128x32xf32, #tpu.memory_space<hbm>>
          tpu.wait_dma2 semaphore(%arg29 : memref<!tpu.dma_semaphore, #tpu.memory_space<semaphore_mem>>) src(%dma_wait3A_318 : memref<128x32xf32, #tpu.memory_space<hbm>>) dst(%arg13 : memref<128x32xf32, #tpu.memory_space<vmem>>)
        } else {
        }
        %add3A_305 = arith.constant 4 : i32
        %add3A_306 = arith.addi %add3A_258, %add3A_305 : i32
        %dma_start3A_307 = arith.constant 0 : i32
        %dma_start3A_308 = tpu.memref_slice %arg9[%add3A_306, %dma_start3A_307] : memref<80x128xi32, #tpu.memory_space<vmem>> -> memref<1x128xi32, #tpu.memory_space<vmem>>
        %dma_start3A_309 = tpu.memref_squeeze %dma_start3A_308 : memref<1x128xi32, #tpu.memory_space<vmem>> -> memref<128xi32, #tpu.memory_space<vmem>>
        %dma_start3A_310 = arith.constant 0 : i32
        %dma_start3A_311 = arith.constant 0 : i32
        %dma_start3A_312 = tpu.memref_slice %arg2[%dma_start3A_310, %dma_start3A_311] : memref<10240x32xf32, #tpu.memory_space<hbm>> -> memref<10240x32xf32, #tpu.memory_space<hbm>>
        tpu.enqueue_indirect_dma source(%dma_start3A_312 : memref<10240x32xf32, #tpu.memory_space<hbm>>) target(%arg13 : memref<128x32xf32, #tpu.memory_space<vmem>>) offsets(%dma_start3A_309 : memref<128xi32, #tpu.memory_space<vmem>>) semaphore(%arg21 : memref<!tpu.dma_semaphore, #tpu.memory_space<semaphore_mem>>)
      } else {
      }
      %mul3A_278 = arith.constant 8 : i32
      %mul3A_279 = arith.muli %scan3A_117, %mul3A_278 : i32
      %add3A_280 = arith.constant 7 : i32
      %add3A_281 = arith.addi %mul3A_279, %add3A_280 : i32
      %dma_wait3A_282 = arith.constant 0 : i32
      %dma_wait3A_283 = arith.constant 0 : i32
      %dma_wait3A_284 = tpu.memref_slice %arg2[%dma_wait3A_282, %dma_wait3A_283] : memref<10240x32xf32, #tpu.memory_space<hbm>> -> memref<128x32xf32, #tpu.memory_space<hbm>>
      %dma_wait3A_285 = arith.constant 0 : i32
      %dma_wait3A_286 = arith.constant 0 : i32
      %dma_wait3A_287 = tpu.memref_slice %arg2[%dma_wait3A_285, %dma_wait3A_286] : memref<10240x32xf32, #tpu.memory_space<hbm>> -> memref<128x32xf32, #tpu.memory_space<hbm>>
      tpu.wait_dma2 semaphore(%arg26 : memref<!tpu.dma_semaphore, #tpu.memory_space<semaphore_mem>>) src(%dma_wait3A_287 : memref<128x32xf32, #tpu.memory_space<hbm>>) dst(%arg18 : memref<128x32xf32, #tpu.memory_space<vmem>>)
      %dma_start3A_288 = arith.constant 0 : i32
      %dma_start3A_289 = tpu.memref_slice %arg10[%add3A_281, %dma_start3A_288] : memref<80x128xi32, #tpu.memory_space<vmem>> -> memref<1x128xi32, #tpu.memory_space<vmem>>
      %dma_start3A_290 = tpu.memref_squeeze %dma_start3A_289 : memref<1x128xi32, #tpu.memory_space<vmem>> -> memref<128xi32, #tpu.memory_space<vmem>>
      %dma_start3A_291 = arith.constant 0 : i32
      %dma_start3A_292 = arith.constant 0 : i32
      %dma_start3A_293 = tpu.memref_slice %arg8[%dma_start3A_291, %dma_start3A_292] : memref<10240x32xf32, #tpu.memory_space<vmem_shared>> -> memref<10240x32xf32, #tpu.memory_space<vmem_shared>>
      tpu.enqueue_indirect_dma source(%arg18 : memref<128x32xf32, #tpu.memory_space<vmem>>) target(%dma_start3A_293 : memref<10240x32xf32, #tpu.memory_space<vmem_shared>>) offsets(%dma_start3A_290 : memref<128xi32, #tpu.memory_space<vmem>>) semaphore(%arg34 : memref<!tpu.dma_semaphore, #tpu.memory_space<semaphore_mem>>) {add = true}
      %add3A_294 = arith.constant 4 : i32
      %add3A_295 = arith.addi %add3A_281, %add3A_294 : i32
      %lt3A_296 = arith.constant 80 : i32
      %lt3A_297 = arith.cmpi slt, %add3A_295, %lt3A_296 : i32
      %convert_element_type3A_298 = arith.extui %lt3A_297 : i1 to i32
      %cond3A_299 = arith.constant 0 : i32
      %cond3A_300 = arith.cmpi ne, %convert_element_type3A_298, %cond3A_299 : i32
      scf.if %cond3A_300 {
        %ge3A = arith.constant 4 : i32
        %ge3A_301 = arith.cmpi sge, %add3A_281, %ge3A : i32
        %convert_element_type3A_302 = arith.extui %ge3A_301 : i1 to i32
        %cond3A_303 = arith.constant 0 : i32
        %cond3A_304 = arith.cmpi ne, %convert_element_type3A_302, %cond3A_303 : i32
        scf.if %cond3A_304 {
          %dma_wait3A_313 = arith.constant 0 : i32
          %dma_wait3A_314 = arith.constant 0 : i32
          %dma_wait3A_315 = tpu.memref_slice %arg2[%dma_wait3A_313, %dma_wait3A_314] : memref<10240x32xf32, #tpu.memory_space<hbm>> -> memref<128x32xf32, #tpu.memory_space<hbm>>
          %dma_wait3A_316 = arith.constant 0 : i32
          %dma_wait3A_317 = arith.constant 0 : i32
          %dma_wait3A_318 = tpu.memref_slice %arg2[%dma_wait3A_316, %dma_wait3A_317] : memref<10240x32xf32, #tpu.memory_space<hbm>> -> memref<128x32xf32, #tpu.memory_space<hbm>>
          tpu.wait_dma2 semaphore(%arg30 : memref<!tpu.dma_semaphore, #tpu.memory_space<semaphore_mem>>) src(%dma_wait3A_318 : memref<128x32xf32, #tpu.memory_space<hbm>>) dst(%arg14 : memref<128x32xf32, #tpu.memory_space<vmem>>)
        } else {
        }
        %add3A_305 = arith.constant 4 : i32
        %add3A_306 = arith.addi %add3A_281, %add3A_305 : i32
        %dma_start3A_307 = arith.constant 0 : i32
        %dma_start3A_308 = tpu.memref_slice %arg9[%add3A_306, %dma_start3A_307] : memref<80x128xi32, #tpu.memory_space<vmem>> -> memref<1x128xi32, #tpu.memory_space<vmem>>
        %dma_start3A_309 = tpu.memref_squeeze %dma_start3A_308 : memref<1x128xi32, #tpu.memory_space<vmem>> -> memref<128xi32, #tpu.memory_space<vmem>>
        %dma_start3A_310 = arith.constant 0 : i32
        %dma_start3A_311 = arith.constant 0 : i32
        %dma_start3A_312 = tpu.memref_slice %arg2[%dma_start3A_310, %dma_start3A_311] : memref<10240x32xf32, #tpu.memory_space<hbm>> -> memref<10240x32xf32, #tpu.memory_space<hbm>>
        tpu.enqueue_indirect_dma source(%dma_start3A_312 : memref<10240x32xf32, #tpu.memory_space<hbm>>) target(%arg14 : memref<128x32xf32, #tpu.memory_space<vmem>>) offsets(%dma_start3A_309 : memref<128xi32, #tpu.memory_space<vmem>>) semaphore(%arg22 : memref<!tpu.dma_semaphore, #tpu.memory_space<semaphore_mem>>)
      } else {
      }
    }
    %scan3A_64 = arith.constant 10 : i32
    %dma_wait3A = arith.constant 0 : i32
    %dma_wait3A_65 = arith.constant 0 : i32
    %dma_wait3A_66 = tpu.memref_slice %arg2[%dma_wait3A, %dma_wait3A_65] : memref<10240x32xf32, #tpu.memory_space<hbm>> -> memref<128x32xf32, #tpu.memory_space<hbm>>
    %dma_wait3A_67 = arith.constant 0 : i32
    %dma_wait3A_68 = arith.constant 0 : i32
    %dma_wait3A_69 = tpu.memref_slice %arg2[%dma_wait3A_67, %dma_wait3A_68] : memref<10240x32xf32, #tpu.memory_space<hbm>> -> memref<128x32xf32, #tpu.memory_space<hbm>>
    tpu.wait_dma2 semaphore(%arg27 : memref<!tpu.dma_semaphore, #tpu.memory_space<semaphore_mem>>) src(%dma_wait3A_69 : memref<128x32xf32, #tpu.memory_space<hbm>>) dst(%arg11 : memref<128x32xf32, #tpu.memory_space<vmem>>)
    %dma_wait3A_70 = arith.constant 0 : i32
    %dma_wait3A_71 = arith.constant 0 : i32
    %dma_wait3A_72 = tpu.memref_slice %arg2[%dma_wait3A_70, %dma_wait3A_71] : memref<10240x32xf32, #tpu.memory_space<hbm>> -> memref<128x32xf32, #tpu.memory_space<hbm>>
    %dma_wait3A_73 = arith.constant 0 : i32
    %dma_wait3A_74 = arith.constant 0 : i32
    %dma_wait3A_75 = tpu.memref_slice %arg2[%dma_wait3A_73, %dma_wait3A_74] : memref<10240x32xf32, #tpu.memory_space<hbm>> -> memref<128x32xf32, #tpu.memory_space<hbm>>
    tpu.wait_dma2 semaphore(%arg28 : memref<!tpu.dma_semaphore, #tpu.memory_space<semaphore_mem>>) src(%dma_wait3A_75 : memref<128x32xf32, #tpu.memory_space<hbm>>) dst(%arg12 : memref<128x32xf32, #tpu.memory_space<vmem>>)
    %dma_wait3A_76 = arith.constant 0 : i32
    %dma_wait3A_77 = arith.constant 0 : i32
    %dma_wait3A_78 = tpu.memref_slice %arg2[%dma_wait3A_76, %dma_wait3A_77] : memref<10240x32xf32, #tpu.memory_space<hbm>> -> memref<128x32xf32, #tpu.memory_space<hbm>>
    %dma_wait3A_79 = arith.constant 0 : i32
    %dma_wait3A_80 = arith.constant 0 : i32
    %dma_wait3A_81 = tpu.memref_slice %arg2[%dma_wait3A_79, %dma_wait3A_80] : memref<10240x32xf32, #tpu.memory_space<hbm>> -> memref<128x32xf32, #tpu.memory_space<hbm>>
    tpu.wait_dma2 semaphore(%arg29 : memref<!tpu.dma_semaphore, #tpu.memory_space<semaphore_mem>>) src(%dma_wait3A_81 : memref<128x32xf32, #tpu.memory_space<hbm>>) dst(%arg13 : memref<128x32xf32, #tpu.memory_space<vmem>>)
    %dma_wait3A_82 = arith.constant 0 : i32
    %dma_wait3A_83 = arith.constant 0 : i32
    %dma_wait3A_84 = tpu.memref_slice %arg2[%dma_wait3A_82, %dma_wait3A_83] : memref<10240x32xf32, #tpu.memory_space<hbm>> -> memref<128x32xf32, #tpu.memory_space<hbm>>
    %dma_wait3A_85 = arith.constant 0 : i32
    %dma_wait3A_86 = arith.constant 0 : i32
    %dma_wait3A_87 = tpu.memref_slice %arg2[%dma_wait3A_85, %dma_wait3A_86] : memref<10240x32xf32, #tpu.memory_space<hbm>> -> memref<128x32xf32, #tpu.memory_space<hbm>>
    tpu.wait_dma2 semaphore(%arg30 : memref<!tpu.dma_semaphore, #tpu.memory_space<semaphore_mem>>) src(%dma_wait3A_87 : memref<128x32xf32, #tpu.memory_space<hbm>>) dst(%arg14 : memref<128x32xf32, #tpu.memory_space<vmem>>)
    %dma_wait3A_88 = arith.constant 0 : i32
    %dma_wait3A_89 = arith.constant 0 : i32
    %dma_wait3A_90 = tpu.memref_slice %arg2[%dma_wait3A_88, %dma_wait3A_89] : memref<10240x32xf32, #tpu.memory_space<hbm>> -> memref<128x32xf32, #tpu.memory_space<hbm>>
    %dma_wait3A_91 = arith.constant 0 : i32
    %dma_wait3A_92 = arith.constant 0 : i32
    %dma_wait3A_93 = tpu.memref_slice %arg2[%dma_wait3A_91, %dma_wait3A_92] : memref<10240x32xf32, #tpu.memory_space<hbm>> -> memref<128x32xf32, #tpu.memory_space<hbm>>
    tpu.wait_dma2 semaphore(%arg31 : memref<!tpu.dma_semaphore, #tpu.memory_space<semaphore_mem>>) src(%dma_wait3A_93 : memref<128x32xf32, #tpu.memory_space<hbm>>) dst(%arg15 : memref<128x32xf32, #tpu.memory_space<vmem>>)
    %dma_wait3A_94 = arith.constant 0 : i32
    %dma_wait3A_95 = arith.constant 0 : i32
    %dma_wait3A_96 = tpu.memref_slice %arg2[%dma_wait3A_94, %dma_wait3A_95] : memref<10240x32xf32, #tpu.memory_space<hbm>> -> memref<128x32xf32, #tpu.memory_space<hbm>>
    %dma_wait3A_97 = arith.constant 0 : i32
    %dma_wait3A_98 = arith.constant 0 : i32
    %dma_wait3A_99 = tpu.memref_slice %arg2[%dma_wait3A_97, %dma_wait3A_98] : memref<10240x32xf32, #tpu.memory_space<hbm>> -> memref<128x32xf32, #tpu.memory_space<hbm>>
    tpu.wait_dma2 semaphore(%arg32 : memref<!tpu.dma_semaphore, #tpu.memory_space<semaphore_mem>>) src(%dma_wait3A_99 : memref<128x32xf32, #tpu.memory_space<hbm>>) dst(%arg16 : memref<128x32xf32, #tpu.memory_space<vmem>>)
    %dma_wait3A_100 = arith.constant 0 : i32
    %dma_wait3A_101 = arith.constant 0 : i32
    %dma_wait3A_102 = tpu.memref_slice %arg2[%dma_wait3A_100, %dma_wait3A_101] : memref<10240x32xf32, #tpu.memory_space<hbm>> -> memref<128x32xf32, #tpu.memory_space<hbm>>
    %dma_wait3A_103 = arith.constant 0 : i32
    %dma_wait3A_104 = arith.constant 0 : i32
    %dma_wait3A_105 = tpu.memref_slice %arg2[%dma_wait3A_103, %dma_wait3A_104] : memref<10240x32xf32, #tpu.memory_space<hbm>> -> memref<128x32xf32, #tpu.memory_space<hbm>>
    tpu.wait_dma2 semaphore(%arg33 : memref<!tpu.dma_semaphore, #tpu.memory_space<semaphore_mem>>) src(%dma_wait3A_105 : memref<128x32xf32, #tpu.memory_space<hbm>>) dst(%arg17 : memref<128x32xf32, #tpu.memory_space<vmem>>)
    %dma_wait3A_106 = arith.constant 0 : i32
    %dma_wait3A_107 = arith.constant 0 : i32
    %dma_wait3A_108 = tpu.memref_slice %arg2[%dma_wait3A_106, %dma_wait3A_107] : memref<10240x32xf32, #tpu.memory_space<hbm>> -> memref<128x32xf32, #tpu.memory_space<hbm>>
    %dma_wait3A_109 = arith.constant 0 : i32
    %dma_wait3A_110 = arith.constant 0 : i32
    %dma_wait3A_111 = tpu.memref_slice %arg2[%dma_wait3A_109, %dma_wait3A_110] : memref<10240x32xf32, #tpu.memory_space<hbm>> -> memref<128x32xf32, #tpu.memory_space<hbm>>
    tpu.wait_dma2 semaphore(%arg34 : memref<!tpu.dma_semaphore, #tpu.memory_space<semaphore_mem>>) src(%dma_wait3A_111 : memref<128x32xf32, #tpu.memory_space<hbm>>) dst(%arg18 : memref<128x32xf32, #tpu.memory_space<vmem>>)
    %barrier3A_112 = arith.constant 0 : index
    tpu.barrier barrier_id(%barrier3A_112)
    %mul3A_113 = arith.constant 640 : i32
    %mul3A_114 = arith.muli %arg1, %mul3A_113 : i32
    %mul3A_115 = arith.constant 640 : i32
    %mul3A_116 = arith.muli %arg1, %mul3A_115 : i32
    "tpu.region"() ({
      %run_scoped3A = tpu.sem_alloc : memref<!tpu.dma_semaphore, #tpu.memory_space<semaphore_mem>>
      %dma_start3A_117 = arith.constant 0 : i32
      %dma_start3A_118 = tpu.memref_slice %arg7[%arg0, %mul3A_116, %dma_start3A_117] : memref<2x10240x32xf32, #tpu.memory_space<hbm>> -> memref<1x640x32xf32, #tpu.memory_space<hbm>>
      %dma_start3A_119 = tpu.memref_squeeze %dma_start3A_118 : memref<1x640x32xf32, #tpu.memory_space<hbm>> -> memref<640x32xf32, #tpu.memory_space<hbm>>
      %dma_start3A_120 = arith.constant 0 : i32
      %dma_start3A_121 = tpu.memref_slice %arg8[%mul3A_114, %dma_start3A_120] : memref<10240x32xf32, #tpu.memory_space<vmem_shared>> -> memref<640x32xf32, #tpu.memory_space<vmem_shared>>
      tpu.enqueue_dma source(%dma_start3A_121 : memref<640x32xf32, #tpu.memory_space<vmem_shared>>) target(%dma_start3A_119 : memref<640x32xf32, #tpu.memory_space<hbm>>) target_semaphore(%run_scoped3A : memref<!tpu.dma_semaphore, #tpu.memory_space<semaphore_mem>>)
      %dma_wait3A_122 = arith.constant 0 : i32
      %dma_wait3A_123 = tpu.memref_slice %arg7[%arg0, %mul3A_116, %dma_wait3A_122] : memref<2x10240x32xf32, #tpu.memory_space<hbm>> -> memref<1x640x32xf32, #tpu.memory_space<hbm>>
      %dma_wait3A_124 = tpu.memref_squeeze %dma_wait3A_123 : memref<1x640x32xf32, #tpu.memory_space<hbm>> -> memref<640x32xf32, #tpu.memory_space<hbm>>
      %dma_wait3A_125 = arith.constant 0 : i32
      %dma_wait3A_126 = tpu.memref_slice %arg8[%mul3A_114, %dma_wait3A_125] : memref<10240x32xf32, #tpu.memory_space<vmem_shared>> -> memref<640x32xf32, #tpu.memory_space<vmem_shared>>
      tpu.wait_dma2 semaphore(%run_scoped3A : memref<!tpu.dma_semaphore, #tpu.memory_space<semaphore_mem>>) src(%dma_wait3A_126 : memref<640x32xf32, #tpu.memory_space<vmem_shared>>) dst(%dma_wait3A_124 : memref<640x32xf32, #tpu.memory_space<hbm>>)
      tpu.yield
    }) : () -> ()
    return
  }
}

module attributes {stable_mosaic.version = 14 : i64} {
  func.func @body(%arg0: i32, %arg1: memref<2048x128xf32, #tpu.memory_space<vmem>>, %arg2: memref<128x32xf32, #tpu.memory_space<vmem>>, %arg3: memref<2x2048xf32, #tpu.memory_space<vmem>>, %arg4: memref<2048x32xf32, #tpu.memory_space<vmem>>, %arg5: memref<2048x1xf32, #tpu.memory_space<vmem>>) attributes {dimension_semantics = [#tpu.dimension_semantics<arbitrary>], iteration_bounds = array<i64: 5>, scalar_prefetch = 0 : i64, scratch_operands = 0 : i64, tpu.core_type = #tpu.core_type<tc>, window_params = [{transform_indices = @transform_0, window_bounds = array<i64: 2048, 128>}, {pipeline_mode = #tpu.pipeline_mode<synchronous>, transform_indices = @transform_1, window_bounds = array<i64: 128, 32>}, {transform_indices = @transform_2, window_bounds = array<i64: 2, 2048>}, {transform_indices = @transform_3, window_bounds = array<i64: 2048, 32>}, {transform_indices = @transform_4, window_bounds = array<i64: 2048, 1>}]} {
    %get3A = arith.constant 0 : index
    %get3A_0 = arith.constant 0 : index
    %get3A_1 = vector.load %arg1[%get3A, %get3A_0] : memref<2048x128xf32, #tpu.memory_space<vmem>>, vector<2048x128xf32>
    %get3A_2 = arith.constant 0 : index
    %get3A_3 = arith.constant 0 : index
    %get3A_4 = vector.load %arg2[%get3A_2, %get3A_3] : memref<128x32xf32, #tpu.memory_space<vmem>>, vector<128x32xf32>
    %dot_general3A = arith.constant dense<0.000000e+00> : vector<2048x32xf32>
    %dot_general3A_5 = tpu.matmul %get3A_1, %get3A_4, %dot_general3A {dimension_numbers = #tpu.dot_dimension_numbers<[1], [0], [0], [1], [0, 0, 1, 1], [], []>, transpose_lhs_hint = false} : vector<2048x128xf32>, vector<128x32xf32>, vector<2048x32xf32> -> vector<2048x32xf32>
    %get3A_6 = arith.constant 0 : index
    %get3A_7 = arith.constant 0 : index
    %get3A_8 = vector.load %arg3[%get3A_6, %get3A_7] : memref<2x2048xf32, #tpu.memory_space<vmem>>, vector<1x2048xf32>
    %get3A_9 = vector.shape_cast %get3A_8 : vector<1x2048xf32> to vector<2048xf32>
    %get3A_10 = arith.constant 1 : index
    %get3A_11 = arith.constant 0 : index
    %get3A_12 = vector.load %arg3[%get3A_10, %get3A_11] : memref<2x2048xf32, #tpu.memory_space<vmem>>, vector<1x2048xf32>
    %get3A_13 = vector.shape_cast %get3A_12 : vector<1x2048xf32> to vector<2048xf32>
    %add3A = arith.addf %get3A_9, %get3A_13 : vector<2048xf32>
    %add3A_14 = arith.constant 1.000000e+00 : f32
    %add3A_15 = vector.broadcast %add3A_14 : f32 to vector<2048xf32>
    %add3A_16 = arith.addf %add3A, %add3A_15 : vector<2048xf32>
    %rsqrt3A = math.rsqrt %add3A_16 : vector<2048xf32>
    %broadcast_in_dim3A = vector.shape_cast %rsqrt3A : vector<2048xf32> to vector<2048x1xf32>
    %mul3A = arith.constant 2048 : i32
    %mul3A_17 = arith.muli %arg0, %mul3A : i32
    %iota3A = tpu.iota {dimensions = array<i32: 0>} : vector<2048x1xi32>
    %add3A_18 = vector.broadcast %mul3A_17 : i32 to vector<2048x1xi32>
    %add3A_19 = arith.addi %add3A_18, %iota3A : vector<2048x1xi32>
    %swap3A = arith.constant 0 : index
    %swap3A_20 = arith.constant 0 : index
    %swap3A_21 = vector.load %arg5[%swap3A, %swap3A_20] : memref<2048x1xf32, #tpu.memory_space<vmem>>, vector<2048x1xf32>
    tpu.vector_store %arg5[%swap3A, %swap3A_20], %broadcast_in_dim3A {strides = array<i32>} : memref<2048x1xf32, #tpu.memory_space<vmem>>, vector<2048x1xf32>,
    %lt3A = arith.constant 10000 : i32
    %lt3A_22 = vector.broadcast %lt3A : i32 to vector<2048x1xi32>
    %lt3A_23 = arith.cmpi slt, %add3A_19, %lt3A_22 : vector<2048x1xi32>
    %mul3A_24 = vector.broadcast %broadcast_in_dim3A : vector<2048x1xf32> to vector<2048x32xf32>
    %mul3A_25 = arith.mulf %mul3A_24, %dot_general3A_5 : vector<2048x32xf32>
    %jit3A = arith.constant 0.000000e+00 : f32
    %broadcast_in_dim3A_26 = vector.shape_cast %lt3A_23 : vector<2048x1xi1> to vector<2048x1xi1>
    %broadcast_in_dim3A_27 = vector.broadcast %broadcast_in_dim3A_26 : vector<2048x1xi1> to vector<2048x32xi1>
    %broadcast_in_dim3A_28 = vector.broadcast %jit3A : f32 to vector<2048x32xf32>
    %select_n3A = arith.select %broadcast_in_dim3A_27, %mul3A_25, %broadcast_in_dim3A_28 : vector<2048x32xi1>, vector<2048x32xf32>
    %swap3A_29 = arith.constant 0 : index
    %swap3A_30 = arith.constant 0 : index
    %swap3A_31 = vector.load %arg4[%swap3A_29, %swap3A_30] : memref<2048x32xf32, #tpu.memory_space<vmem>>, vector<2048x32xf32>
    tpu.vector_store %arg4[%swap3A_29, %swap3A_30], %select_n3A {strides = array<i32>} : memref<2048x32xf32, #tpu.memory_space<vmem>>, vector<2048x32xf32>,
    return
  }
  func.func @transform_0(%arg0: i32) -> (i32, i32) {
    %c0_i32 = arith.constant 0 : i32
    %c0_i32_0 = arith.constant 0 : i32
    return %arg0, %c0_i32 : i32, i32
  }
  func.func @transform_1(%arg0: i32) -> (i32, i32) {
    %c0_i32 = arith.constant 0 : i32
    %c0_i32_0 = arith.constant 0 : i32
    %c0_i32_1 = arith.constant 0 : i32
    return %c0_i32, %c0_i32_0 : i32, i32
  }
  func.func @transform_2(%arg0: i32) -> (i32, i32) {
    %c0_i32 = arith.constant 0 : i32
    %c0_i32_0 = arith.constant 0 : i32
    return %c0_i32, %arg0 : i32, i32
  }
  func.func @transform_3(%arg0: i32) -> (i32, i32) {
    %c0_i32 = arith.constant 0 : i32
    %c0_i32_0 = arith.constant 0 : i32
    return %arg0, %c0_i32 : i32, i32
  }
  func.func @transform_4(%arg0: i32) -> (i32, i32) {
    %c0_i32 = arith.constant 0 : i32
    %c0_i32_0 = arith.constant 0 : i32
    return %arg0, %c0_i32 : i32, i32
  }
}

module attributes {stable_mosaic.version = 14 : i64} {
  func.func @body(%arg0: i32, %arg1: memref<2x2048x32xf32, #tpu.memory_space<vmem>>, %arg2: memref<2048x1xf32, #tpu.memory_space<vmem>>, %arg3: memref<2048x32xf32, #tpu.memory_space<vmem>>, %arg4: memref<32xf32, #tpu.memory_space<vmem>>, %arg5: memref<32x32xf32, #tpu.memory_space<vmem>>, %arg6: memref<2048x32xf32, #tpu.memory_space<vmem>>) attributes {dimension_semantics = [#tpu.dimension_semantics<arbitrary>], iteration_bounds = array<i64: 5>, scalar_prefetch = 0 : i64, scratch_operands = 0 : i64, tpu.core_type = #tpu.core_type<tc>, window_params = [{transform_indices = @transform_0, window_bounds = array<i64: 2, 2048, 32>}, {transform_indices = @transform_1, window_bounds = array<i64: 2048, 1>}, {transform_indices = @transform_2, window_bounds = array<i64: 2048, 32>}, {pipeline_mode = #tpu.pipeline_mode<synchronous>, transform_indices = @transform_3, window_bounds = array<i64: 32>}, {pipeline_mode = #tpu.pipeline_mode<synchronous>, transform_indices = @transform_4, window_bounds = array<i64: 32, 32>}, {transform_indices = @transform_5, window_bounds = array<i64: 2048, 32>}]} {
    %get3A = arith.constant 0 : index
    %get3A_0 = arith.constant 0 : index
    %get3A_1 = vector.load %arg2[%get3A, %get3A_0] : memref<2048x1xf32, #tpu.memory_space<vmem>>, vector<2048x1xf32>
    %get3A_2 = arith.constant 0 : index
    %get3A_3 = arith.constant 0 : index
    %get3A_4 = arith.constant 0 : index
    %get3A_5 = vector.load %arg1[%get3A_2, %get3A_3, %get3A_4] : memref<2x2048x32xf32, #tpu.memory_space<vmem>>, vector<1x2048x32xf32>
    %get3A_6 = vector.shape_cast %get3A_5 : vector<1x2048x32xf32> to vector<2048x32xf32>
    %get3A_7 = arith.constant 1 : index
    %get3A_8 = arith.constant 0 : index
    %get3A_9 = arith.constant 0 : index
    %get3A_10 = vector.load %arg1[%get3A_7, %get3A_8, %get3A_9] : memref<2x2048x32xf32, #tpu.memory_space<vmem>>, vector<1x2048x32xf32>
    %get3A_11 = vector.shape_cast %get3A_10 : vector<1x2048x32xf32> to vector<2048x32xf32>
    %add3A = arith.addf %get3A_6, %get3A_11 : vector<2048x32xf32>
    %mul3A = vector.broadcast %get3A_1 : vector<2048x1xf32> to vector<2048x32xf32>
    %mul3A_12 = arith.mulf %mul3A, %add3A : vector<2048x32xf32>
    %get3A_13 = arith.constant 0 : index
    %get3A_14 = arith.constant 0 : index
    %get3A_15 = vector.load %arg3[%get3A_13, %get3A_14] : memref<2048x32xf32, #tpu.memory_space<vmem>>, vector<2048x32xf32>
    %mul3A_16 = vector.broadcast %get3A_1 : vector<2048x1xf32> to vector<2048x32xf32>
    %mul3A_17 = arith.mulf %mul3A_16, %get3A_15 : vector<2048x32xf32>
    %add3A_18 = arith.addf %mul3A_12, %mul3A_17 : vector<2048x32xf32>
    %get3A_19 = arith.constant 0 : index
    %get3A_20 = vector.load %arg4[%get3A_19] : memref<32xf32, #tpu.memory_space<vmem>>, vector<32xf32>
    %broadcast_in_dim3A = vector.shape_cast %get3A_20 : vector<32xf32> to vector<1x32xf32>
    %add3A_21 = vector.broadcast %broadcast_in_dim3A : vector<1x32xf32> to vector<2048x32xf32>
    %add3A_22 = arith.addf %add3A_18, %add3A_21 : vector<2048x32xf32>
    %max3A = arith.constant 0.000000e+00 : f32
    %max3A_23 = vector.broadcast %max3A : f32 to vector<2048x32xf32>
    %max3A_24 = arith.maximumf %add3A_22, %max3A_23 : vector<2048x32xf32>
    %get3A_25 = arith.constant 0 : index
    %get3A_26 = arith.constant 0 : index
    %get3A_27 = vector.load %arg5[%get3A_25, %get3A_26] : memref<32x32xf32, #tpu.memory_space<vmem>>, vector<32x32xf32>
    %dot_general3A = arith.constant dense<0.000000e+00> : vector<2048x32xf32>
    %dot_general3A_28 = tpu.matmul %max3A_24, %get3A_27, %dot_general3A {dimension_numbers = #tpu.dot_dimension_numbers<[1], [0], [0], [1], [0, 0, 1, 1], [], []>, transpose_lhs_hint = false} : vector<2048x32xf32>, vector<32x32xf32>, vector<2048x32xf32> -> vector<2048x32xf32>
    %mul3A_29 = vector.broadcast %get3A_1 : vector<2048x1xf32> to vector<2048x32xf32>
    %mul3A_30 = arith.mulf %mul3A_29, %dot_general3A_28 : vector<2048x32xf32>
    %swap3A = arith.constant 0 : index
    %swap3A_31 = arith.constant 0 : index
    %swap3A_32 = vector.load %arg6[%swap3A, %swap3A_31] : memref<2048x32xf32, #tpu.memory_space<vmem>>, vector<2048x32xf32>
    tpu.vector_store %arg6[%swap3A, %swap3A_31], %mul3A_30 {strides = array<i32>} : memref<2048x32xf32, #tpu.memory_space<vmem>>, vector<2048x32xf32>,
    return
  }
  func.func @transform_0(%arg0: i32) -> (i32, i32, i32) {
    %c0_i32 = arith.constant 0 : i32
    %c0_i32_0 = arith.constant 0 : i32
    %c0_i32_1 = arith.constant 0 : i32
    return %c0_i32, %arg0, %c0_i32_0 : i32, i32, i32
  }
  func.func @transform_1(%arg0: i32) -> (i32, i32) {
    %c0_i32 = arith.constant 0 : i32
    %c0_i32_0 = arith.constant 0 : i32
    return %arg0, %c0_i32 : i32, i32
  }
  func.func @transform_2(%arg0: i32) -> (i32, i32) {
    %c0_i32 = arith.constant 0 : i32
    %c0_i32_0 = arith.constant 0 : i32
    return %arg0, %c0_i32 : i32, i32
  }
  func.func @transform_3(%arg0: i32) -> i32 {
    %c0_i32 = arith.constant 0 : i32
    %c0_i32_0 = arith.constant 0 : i32
    return %c0_i32 : i32
  }
  func.func @transform_4(%arg0: i32) -> (i32, i32) {
    %c0_i32 = arith.constant 0 : i32
    %c0_i32_0 = arith.constant 0 : i32
    %c0_i32_1 = arith.constant 0 : i32
    return %c0_i32, %c0_i32_0 : i32, i32
  }
  func.func @transform_5(%arg0: i32) -> (i32, i32) {
    %c0_i32 = arith.constant 0 : i32
    %c0_i32_0 = arith.constant 0 : i32
    return %arg0, %c0_i32 : i32, i32
  }
}

module attributes {stable_mosaic.version = 14 : i64} {
  func.func @body(%arg0: memref<2x10240x32xf32, #tpu.memory_space<vmem>>, %arg1: memref<10240x1xf32, #tpu.memory_space<vmem>>, %arg2: memref<10240x32xf32, #tpu.memory_space<vmem>>, %arg3: memref<32xf32, #tpu.memory_space<vmem>>, %arg4: memref<10240xi32, #tpu.memory_space<vmem>>, %arg5: memref<32x1xf32, #tpu.memory_space<vmem>>, %arg6: memref<1xf32, #tpu.memory_space<vmem>>, %arg7: memref<64x1xf32, #tpu.memory_space<vmem>>) attributes {dimension_semantics = [], scalar_prefetch = 0 : i64, scratch_operands = 0 : i64, tpu.core_type = #tpu.core_type<tc>} {
    %get3A = arith.constant 0 : index
    %get3A_0 = arith.constant 0 : index
    %get3A_1 = vector.load %arg1[%get3A, %get3A_0] : memref<10240x1xf32, #tpu.memory_space<vmem>>, vector<10240x1xf32>
    %get3A_2 = arith.constant 0 : index
    %get3A_3 = arith.constant 0 : index
    %get3A_4 = arith.constant 0 : index
    %get3A_5 = vector.load %arg0[%get3A_2, %get3A_3, %get3A_4] : memref<2x10240x32xf32, #tpu.memory_space<vmem>>, vector<1x10240x32xf32>
    %get3A_6 = vector.shape_cast %get3A_5 : vector<1x10240x32xf32> to vector<10240x32xf32>
    %get3A_7 = arith.constant 1 : index
    %get3A_8 = arith.constant 0 : index
    %get3A_9 = arith.constant 0 : index
    %get3A_10 = vector.load %arg0[%get3A_7, %get3A_8, %get3A_9] : memref<2x10240x32xf32, #tpu.memory_space<vmem>>, vector<1x10240x32xf32>
    %get3A_11 = vector.shape_cast %get3A_10 : vector<1x10240x32xf32> to vector<10240x32xf32>
    %add3A = arith.addf %get3A_6, %get3A_11 : vector<10240x32xf32>
    %mul3A = vector.broadcast %get3A_1 : vector<10240x1xf32> to vector<10240x32xf32>
    %mul3A_12 = arith.mulf %mul3A, %add3A : vector<10240x32xf32>
    %get3A_13 = arith.constant 0 : index
    %get3A_14 = arith.constant 0 : index
    %get3A_15 = vector.load %arg2[%get3A_13, %get3A_14] : memref<10240x32xf32, #tpu.memory_space<vmem>>, vector<10240x32xf32>
    %mul3A_16 = vector.broadcast %get3A_1 : vector<10240x1xf32> to vector<10240x32xf32>
    %mul3A_17 = arith.mulf %mul3A_16, %get3A_15 : vector<10240x32xf32>
    %add3A_18 = arith.addf %mul3A_12, %mul3A_17 : vector<10240x32xf32>
    %get3A_19 = arith.constant 0 : index
    %get3A_20 = vector.load %arg3[%get3A_19] : memref<32xf32, #tpu.memory_space<vmem>>, vector<32xf32>
    %broadcast_in_dim3A = vector.shape_cast %get3A_20 : vector<32xf32> to vector<1x32xf32>
    %add3A_21 = vector.broadcast %broadcast_in_dim3A : vector<1x32xf32> to vector<10240x32xf32>
    %add3A_22 = arith.addf %add3A_18, %add3A_21 : vector<10240x32xf32>
    %max3A = arith.constant 0.000000e+00 : f32
    %max3A_23 = vector.broadcast %max3A : f32 to vector<10240x32xf32>
    %max3A_24 = arith.maximumf %add3A_22, %max3A_23 : vector<10240x32xf32>
    %get3A_25 = arith.constant 0 : index
    %get3A_26 = arith.constant 0 : index
    %get3A_27 = vector.load %arg5[%get3A_25, %get3A_26] : memref<32x1xf32, #tpu.memory_space<vmem>>, vector<32x1xf32>
    %dot_general3A = arith.constant dense<0.000000e+00> : vector<10240x1xf32>
    %dot_general3A_28 = tpu.matmul %max3A_24, %get3A_27, %dot_general3A {dimension_numbers = #tpu.dot_dimension_numbers<[1], [0], [0], [1], [0, 0, 1, 1], [], []>, transpose_lhs_hint = false} : vector<10240x32xf32>, vector<32x1xf32>, vector<10240x1xf32> -> vector<10240x1xf32>
    %iota3A = tpu.iota {dimensions = array<i32: 0>} : vector<64x10240xi32>
    %get3A_29 = arith.constant 0 : index
    %get3A_30 = vector.load %arg4[%get3A_29] : memref<10240xi32, #tpu.memory_space<vmem>>, vector<10240xi32>
    %broadcast_in_dim3A_31 = vector.shape_cast %get3A_30 : vector<10240xi32> to vector<1x10240xi32>
    %eq3A = vector.broadcast %broadcast_in_dim3A_31 : vector<1x10240xi32> to vector<64x10240xi32>
    %eq3A_32 = arith.cmpi eq, %eq3A, %iota3A : vector<64x10240xi32>
    %convert_element_type3A = arith.extui %eq3A_32 : vector<64x10240xi1> to vector<64x10240xi32>
    %convert_element_type3A_33 = arith.sitofp %convert_element_type3A : vector<64x10240xi32> to vector<64x10240xf32>
    %dot_general3A_34 = arith.constant dense<0.000000e+00> : vector<64x1xf32>
    %dot_general3A_35 = tpu.matmul %convert_element_type3A_33, %dot_general3A_28, %dot_general3A_34 {dimension_numbers = #tpu.dot_dimension_numbers<[1], [0], [0], [1], [0, 0, 1, 1], [], []>, transpose_lhs_hint = false} : vector<64x10240xf32>, vector<10240x1xf32>, vector<64x1xf32> -> vector<64x1xf32>
    %reduce_sum3A = arith.constant dense<0.000000e+00> : vector<64xf32>
    %reduce_sum3A_36 = vector.multi_reduction <add>, %convert_element_type3A_33, %reduce_sum3A [1] : vector<64x10240xf32> to vector<64xf32>
    %broadcast_in_dim3A_37 = vector.shape_cast %reduce_sum3A_36 : vector<64xf32> to vector<64x1xf32>
    %max3A_38 = arith.constant 1.000000e+00 : f32
    %max3A_39 = vector.broadcast %max3A_38 : f32 to vector<64x1xf32>
    %max3A_40 = arith.maximumf %broadcast_in_dim3A_37, %max3A_39 : vector<64x1xf32>
    %div3A = arith.divf %dot_general3A_35, %max3A_40 : vector<64x1xf32>
    %get3A_41 = arith.constant 0 : index
    %get3A_42 = vector.load %arg6[%get3A_41] : memref<1xf32, #tpu.memory_space<vmem>>, vector<1xf32>
    %broadcast_in_dim3A_43 = vector.shape_cast %get3A_42 : vector<1xf32> to vector<1x1xf32>
    %add3A_44 = vector.broadcast %broadcast_in_dim3A_43 : vector<1x1xf32> to vector<64x1xf32>
    %add3A_45 = arith.addf %div3A, %add3A_44 : vector<64x1xf32>
    %swap3A = arith.constant 0 : index
    %swap3A_46 = arith.constant 0 : index
    %swap3A_47 = vector.load %arg7[%swap3A, %swap3A_46] : memref<64x1xf32, #tpu.memory_space<vmem>>, vector<64x1xf32>
    tpu.vector_store %arg7[%swap3A, %swap3A_46], %add3A_45 {strides = array<i32>} : memref<64x1xf32, #tpu.memory_space<vmem>>, vector<64x1xf32>,
    return
  }
}

</mosaic_0001>

<sc_bundles>
// kernel: kernel.11.cloned.1.call-start
scs
__scs_entry_jumppad:
0x0: {  	(pc) =	sbr.rel $0x88, $3  }
0x1: {  	(tag) =	ssettag $0x0;
	lr =	simm.s32 $0x1  }
0x2: {  	[smem:$0x3F98] =	sst lr;
	_ =	strace $0xD0000000  }
0x3: {  	_ = 	snop  }
0x4: {  	_ = 	snop  }
0x5: {  	_ = 	snop  }
0x6: {  	_ = 	snop  }
0x7: {  	_ = 	snop  }
__scs_overlays_trampoline_lowered:
0x8: {  	[smem:$0x3FA7] =	sst s0  }
0x9: {  	[smem:$0x3FA8] =	sst s1  }
0xa: {  	[smem:$0x3FA9] =	sst s2  }
0xb: {  	[smem:$0x3FAA] =	sst s3  }
0xc: {  	[smem:$0x3FAB] =	sst s4  }
0xd: {  	[smem:$0x3FAC] =	sst s5  }
0xe: {  	[smem:$0x3FAD] =	sst s6  }
0xf: {  	[smem:$0x3FAE] =	sst s7  }
0x10: {  	[smem:$0x3FAF] =	sst s8  }
0x11: {  	[smem:$0x3FB0] =	sst s9;
	s0 =	simm.s32 @!p0 $0x0  }
0x12: {  	s1 =	sld [smem:$0x3F96];
	s0 =	simm.s32 @p0 $0x1  }
0x13: {  	[smem:$0x3FB1] =	sst s0;
	s0 =	simm.s32 @!p1 $0x0  }
0x14: {  	s2 =	sld [smem:$0x3F95];
	s0 =	simm.s32 @p1 $0x1  }
0x15: {  	[smem:$0x3FB2] =	sst s0;
	s0 =	simm.s32 @!p2 $0x0  }
0x16: {  	s3 =	sld [smem:$0x3FDB];
	s0 =	simm.s32 @p2 $0x1  }
0x17: {  	s4 =	simm.s32 $0x1BF5;
	[smem:$0x3FB4] =	sst s0  }
0x18: {  	s0 =	sld [smem:$0x3F97];
	_ =	swait.ge [sflag:s4], $0x0  }
0x19: {  	s7 =	sld [smem:$0x3F98]  }
0x1a: {  	s8 =	sadd.s32 $0xFFFFE003, lr  }
0x1b: {  	s9 =	sadd.s32 $0xFFFFFEF7, lr;
	s5 =	simm.s32 $0xFFFFFFFF;
	p2 =	slt.u32 s8, $0xFFFFF086  }
0x1c: {  	p1 =	slt.u32 s9, $0xF7A;
	s5 =	simm.s32 @!p2 $0x0  }
0x1d: {  	s5 =	simm.s32 @p1 $0x1;
	p0 =	seq.s32 s7, s2  }
0x1e: {  	s7 =	smul.u32 @!p0 $0xF7A, s2;
	p2 =	seq.s32 @!p0 s5, $0x0  }
0x1f: {  	s9 =	smul.u32 $0xF7A, s1;
	s8 =	simm.s32 @!p0 $0x1BF5;
	p2 =	por !p2, p0  }
0x20: {  	[sflag:s8] =	ssyncset.s32 @!p0 $0xFFFFF086;
	s6 =	sadd.s32 @!p0 s3, s7;
	s7 =	simm.s32 @!p0 $0x108  }
0x21: {  	s3 =	sadd.s32 s3, s9;
	s6 =	sadd.s32 @!p0 $0x88, s6;
	s7 =	simm.s32 @p2 $0x1082  }
0x22: {  	[simem:s7], [sflag:s8] =	dma.local @!p0 [hbm:s6], $0xF7A  }
0x23: {  	s9 =	sor.u32 $0xD0000000, s2;
	s6 =	simm.s32 $0x108;
	_ =	swait.ge @!p0 [sflag:s8], $0x0  }
0x24: {  	s3 =	sadd.s32 $0x88, s3;
	s6 =	simm.s32 @!p1 $0x1082;
	[sflag:s4] =	ssyncset.s32 $0xFFFFF086  }
0x25: {  	[simem:s6], [sflag:s4] =	dma.local [hbm:s3], $0xF7A  }
0x26: {  	[smem:$0x3F98] =	sst s1;
	(tag) =	ssettag s2;
	_ =	strace s9  }
0x27: {  	s1 =	sld [smem:$0x3FA8]  }
0x28: {  	s2 =	sld [smem:$0x3FA9]  }
0x29: {  	s4 =	sld [smem:$0x3FAB]  }
0x2a: {  	p0 =	seq.s32 s5, $0x0;
	s5 =	sld [smem:$0x3FAC]  }
0x2b: {  	s6 =	sld [smem:$0x3FAD]  }
0x2c: {  	s7 =	sld [smem:$0x3FAE]  }
0x2d: {  	s3 =	simm.s32 $0x108;
	s8 =	sld [smem:$0x3FAF]  }
0x2e: {  	s3 =	simm.s32 @!p0 $0x1082;
	s9 =	sld [smem:$0x3FB0]  }
0x2f: {  	lr =	sadd.s32 s0, s3;
	s0 =	sld [smem:$0x3FA7]  }
0x30: {  	s3 =	sld [smem:$0x3FAA]  }
0x31: {  	[smem:$0x3FB3] =	sst s10  }
0x32: {  	s10 =	sld [smem:$0x3FB1];
	_ =	sdelay $0x3  }
0x33: {  	p0 =	seq.s32 s10, $0x1;
	s10 =	sld [smem:$0x3FB3];
	_ =	sdelay $0x3  }
0x34: {  	[smem:$0x3FB3] =	sst s10  }
0x35: {  	s10 =	sld [smem:$0x3FB2];
	_ =	sdelay $0x3  }
0x36: {  	p1 =	seq.s32 s10, $0x1;
	s10 =	sld [smem:$0x3FB3];
	_ =	sdelay $0x3  }
0x37: {  	[smem:$0x3FB3] =	sst s10  }
0x38: {  	s10 =	sld [smem:$0x3FB4]  }
0x39: {  	_ = 	snop;
	(pc) =	sbr.ind lr, $3  }
0x3a: {  	_ = 	snop  }
0x3b: {  	_ = 	snop  }
0x3c: {  	p2 =	seq.s32 s10, $0x1;
	s10 =	sld [smem:$0x3FB3]  }
0x3d: {  	_ =	shalt  }
0x3e: {  	_ =	shalt  }
0x3f: {  	_ =	shalt  }
0x40: {  	_ =	shalt  }
0x41: {  	_ =	shalt  }
0x42: {  	_ =	shalt  }
0x43: {  	_ =	shalt  }
0x44: {  	_ =	shalt  }
0x45: {  	_ =	shalt  }
0x46: {  	_ =	shalt  }
0x47: {  	_ =	shalt  }
0x48: {  	_ =	shalt  }
0x49: {  	_ =	shalt  }
0x4a: {  	_ =	shalt  }
0x4b: {  	_ =	shalt  }
0x4c: {  	_ =	shalt  }
0x4d: {  	_ =	shalt  }
0x4e: {  	_ =	shalt  }
0x4f: {  	_ =	shalt  }
0x50: {  	_ =	shalt  }
0x51: {  	_ =	shalt  }
0x52: {  	_ =	shalt  }
0x53: {  	_ =	shalt  }
0x54: {  	_ =	shalt  }
0x55: {  	_ =	shalt  }
0x56: {  	_ =	shalt  }
0x57: {  	_ =	shalt  }
0x58: {  	_ =	shalt  }
0x59: {  	_ =	shalt  }
0x5a: {  	_ =	shalt  }
0x5b: {  	_ =	shalt  }
0x5c: {  	_ =	shalt  }
0x5d: {  	_ =	shalt  }
0x5e: {  	_ =	shalt  }
0x5f: {  	_ =	shalt  }
0x60: {  	_ =	shalt  }
0x61: {  	_ =	shalt  }
0x62: {  	_ =	shalt  }
0x63: {  	_ =	shalt  }
0x64: {  	_ =	shalt  }
0x65: {  	_ =	shalt  }
0x66: {  	_ =	shalt  }
0x67: {  	_ =	shalt  }
0x68: {  	_ =	shalt  }
0x69: {  	_ =	shalt  }
0x6a: {  	_ =	shalt  }
0x6b: {  	_ =	shalt  }
0x6c: {  	_ =	shalt  }
0x6d: {  	_ =	shalt  }
0x6e: {  	_ =	shalt  }
0x6f: {  	_ =	shalt  }
0x70: {  	_ =	shalt  }
0x71: {  	_ =	shalt  }
0x72: {  	_ =	shalt  }
0x73: {  	_ =	shalt  }
0x74: {  	_ =	shalt  }
0x75: {  	_ =	shalt  }
0x76: {  	_ =	shalt  }
0x77: {  	_ =	shalt  }
0x78: {  	_ =	shalt  }
0x79: {  	_ =	shalt  }
0x7a: {  	_ =	shalt  }
0x7b: {  	_ =	shalt  }
0x7c: {  	_ =	shalt  }
0x7d: {  	_ =	shalt  }
0x7e: {  	_ =	shalt  }
0x7f: {  	_ =	shalt  }
0x80: {  	_ =	shalt  }
0x81: {  	_ =	shalt  }
0x82: {  	_ =	shalt  }
0x83: {  	_ =	shalt  }
0x84: {  	_ =	shalt  }
0x85: {  	_ =	shalt  }
0x86: {  	_ =	shalt  }
0x87: {  	_ =	shalt  }
.Lfunc_end0:
.L_simem_size_0:
called_computation.1_lowered:
.L_overlay_start_0:
0x88: {  	s2 =	sld [smem:$0x3FD9]  }
0x89: {  	s3 =	sld [smem:$0x3FFE];
	_ =	sdelay $0x1  }
0x8a: {  	s1 =	srdreg.scid  }
0x8b: {  	s0 =	sand.u32 $0x1, s1  }
0x8c: {  	s16 =	sshll.u32 s0, $0xA;
	s2 =	sadd.s32 s3, s2  }
0x8d: {  	s2 =	sadd.s32 s2, s16  }
0x8e: {  	[smem:$0x3FBF] =	sst s2  }
0x8f: {  	_ = 	snop  }
0x90: {  	(tm) =	ssettm $0x1  }
0x91: {  	s17 =	sld [smem:$0x3FFB];
	_ =	sdelay $0x3  }
0x92: {  	_ =	strace s17  }
0x93: {  	s2 =	sld [smem:$0x3FFC];
	_ =	sdelay $0x3  }
0x94: {  	_ =	strace s2  }
0x95: {  	s2 =	sld [smem:$0x3FFD];
	_ =	sdelay $0x3  }
0x96: {  	_ =	strace s2  }
0x97: {  	_ =	strace $0x8FFFFFFF  }
0x98: {  	s18 =	sld [smem:$0x3FDB];
	_ =	sdelay $0x1  }
0x99: {  	s19 =	simm.s32 $_scs_section_size  }
0x9a: {  	s4 =	simm.s32 $_size__tile_overlayer_lowered;
	s5 =	simm.s32 $_tile_overlayer_lowered  }
0x9b: {  	s22 =	simm.s32 $0x1BFF;
	s21 =	sshll.u32 s5, $0x1;
	s2 =	sadd.s32 s19, s18  }
0x9c: {  	s6 =	simm.s32 $0x0;
	s20 =	sshll.u32 s4, $0x1;
	s4 =	sadd.s32 s21, s2  }
0x9d: {  	[timem:s6], [sflag:s22] =	dma.local [hbm:s4], s20  }
0x9e: {  	_ =	swait.ge [sflag:s22], s20  }
0x9f: {  	s3 =	ssub.s32 $0x0, s20;
	[sflag:s22] =	ssyncset.done $0x0  }
0xa0: {  	[sflag:s22] =	ssyncadd.s32 s3;
	_ =	sdelay $0x1  }
0xa1: {  	s23 =	simm.s32 $0x1B8B  }
0xa2: {  	_ =	swait.ge [sflag:s23], $0x1  }
0xa3: {  	[sflag:s23] =	ssyncset.done $0x0  }
0xa4: {  	s25 =	simm.s32 $0x1B8E;
	s24 =	sld [smem:$0x3FFE];
	[sflag:s23] =	ssyncadd.s32 $0xFFFFFFFF  }
0xa5: {  	s26 =	simm.s32 $execute0_lowered;
	[smem:$0x3FD2] =	sst s25  }
0xa6: {  	s4 =	sshll.u32 s26, $0x1;
	_ =	strace $0x80000049;
	[dreg:$0x1] =	wrdreg $0xFFFFFFFF  }
0xa7: {  	s28 =	simm.s32 $_size_execute0_lowered;
	s2 =	sadd.s32 s2, s4;
	[dreg:$0x0] =	wrdreg $0x0  }
0xa8: {  	s4 =	sshll.u32 s28, $0x1;
	[dreg:$0x2] =	wrdreg s2  }
0xa9: {  	[dreg:$0x3] =	wrdreg s4  }
0xaa: {  	[dreg:$0x4] =	wrdreg $0xC0  }
0xab: {  	_ =	task [dreg:s6], $0x5FFFF  }
0xac: {  	[dreg:$0x1] =	wrdreg $0xFFFFFFFF  }
0xad: {  	[dreg:$0x0] =	wrdreg $0x60  }
0xae: {  	[dreg:$0x2] =	wrdreg s24  }
0xaf: {  	[dreg:$0x3] =	wrdreg $0x0  }
0xb0: {  	[dreg:$0x4] =	wrdreg $0x9  }
0xb1: {  	_ =	task.clear_ibuf [dreg:s6], $0x5FFFF;
	_ =	strace $0x90000049  }
0xb2: {  	s29 =	simm.s32 $0x9;
	_ =	strace $0x8000004B  }
0xb3: {  	_ =	swait.ge [sflag:s29], $0x1  }
0xb4: {  	[sflag:s29] =	ssyncadd.s32 $0xFFFFFFFF  }
0xb5: {  	_ =	strace $0x9000004B  }
0xb6: {  	_ =	sfence  }
0xb7: {  	s30 =	sld [smem:$0x0];
	_ =	sdelay $0x2  }
0xb8: {  	s31 =	sshll.u32 s1, $0xD;
	s1 =	sshrl.u32 s1, $0x2  }
0xb9: {  	s3 =	sand.u32 $0x4000, s31;
	s1 =	sadd.s32 s1, s30  }
0xba: {  	s0 =	sor.u32 s3, s0;
	s1 =	sshll.u32 s1, $0x11  }
0xbb: {  	s0 =	sor.u32 s1, s0  }
0xbc: {  	s0 =	sadd.s32 $0x8F2B, s0  }
0xbd: {  	[sflag:s0] =	ssyncadd.remote.s32 $0x1  }
0xbe: {  	_ =	sfence.sel $0xFFFF  }
0xbf: {  	[dreg:$0x0] =	wrdreg $0xFFFFFFFF;
	(pc) =	sbr.abs _section_cstart, $3  }
0xc0: {  	[dreg:$0x1] =	wrdreg $0xFFFFFFFF  }
0xc1: {  	_ =	task.clear_ibuf [dreg:s6], $0x2FFFF;
	_ =	strace $0x9FFFFFFF  }
0xc2: {  	(tm) =	ssettm $0x7FFFFFFF  }
0xc3: {  	_ =	shalt  }
tec
execute0_lowered:
.L_overlay_start_1:
0x0: {  	(tag) =	ssettag $0x1  }
0x1: {  	s0 =	srdreg.scid  }
0x2: {  	s12 =	stileid.u32;
	s6 =	rddreg [dreg:$0x0]  }
0x3: {  	s2 =	rddreg [dreg:$0x1];
	s3 =	simm.s32 $0x0;
	s15 =	simm.s32 $0x11  }
0x4: {  	s16 =	simm.s32 $0x80;
	s18 =	simm.s32 $0xA000;
	s20 =	simm.s32 $0xB000  }
0x5: {  	s28 =	simm.s32 $0x2;
	s29 =	simm.s32 $0xF000;
	s30 =	simm.s32 $0x3  }
0x6: {  	s31 =	simm.s32 $0x10000;
	s17 =	simm.s32 $0x5;
	s19 =	simm.s32 $0x7  }
0x7: {  	s21 =	simm.s32 $0x8;
	s0 =	sand.u32 $0x1, s0;
	s7 =	smul.u32 $0x5000, s12  }
0x8: {  	[smem:$0x7FF] =	sst s3;
	s4 =	sadd.s32 $0x15400, s6;
	s23 =	sshll.u32 s12, $0x6  }
0x9: {  	s25 =	sadd.s32 $0xB300, s6;
	s1 =	sshll.u32 s0, $0x4;
	s8 =	smul.u32 $0x50000, s0  }
0xa: {  	_ =	strace $0x8000004A;
	s0 =	ssub.s32 $0x2, s0;
	[dreg:$0x6] =	wrdreg s25  }
0xb: {  	s25 =	simm.s32 $0x1;
	s1 =	sor.u32 s12, s1;
	s10 =	sshrl.u32 s7, $0x3  }
0xc: {  	s11 =	sshrl.u32 s0, $0x1;
	s22 =	sadd.s32 s7, s2;
	s5 =	smul.u32 $0x500, s1  }
0xd: {  	s8 =	sadd.s32 s7, s8;
	s10 =	sadd.s32 s10, s6;
	s0 =	ssub.s32 s0, s11  }
0xe: {  	s7 =	sor.u32 $0x1C11, s23;
	p0 =	seq.s32 s1, $0x1F;
	s14 =	sshrl.u32 s22, $0x3  }
0xf: {  	s8 =	sshrl.u32 s8, $0x3;
	s10 =	sadd.s32 $0x1F400, s10;
	s0 =	smax.u32 s0, $0x1  }
0x10: {  	s9 =	sadd.s32 s5, s6;
	s5 =	sadd.s32 $0x1400, s6;
	[dreg:$0x3] =	wrdreg s10  }
0x11: {  	s8 =	sadd.s32 s8, s6;
	s6 =	sadd.s32 $0x15100, s6;
	[dreg:$0x9] =	wrdreg s0  }
.Ltmp0:
0x12: {  	s24 =	sadd.s32 $0x1800, s9;
	[dreg:$0x7] =	wrdreg s6;
	(pc) =	sbr.rel .LBB2_1-.Ltmp0, $4  }
0x13: {  	s22 =	simm.s32 $0xC000;
	s9 =	sadd.s32 $0xB600, s9;
	[dreg:$0x4] =	wrdreg s24  }
0x14: {  	s1 =	simm.s32 $0x4;
	s26 =	sadd.s32 $0x29400, s8;
	[dreg:$0x5] =	wrdreg s9  }
0x15: {  	s0 =	simm.s32 $0x11000;
	s8 =	simm.s32 $0xB;
	[dreg:$0x8] =	wrdreg s26  }
0x16: {  	s24 =	simm.s32 $0xD000;
	s26 =	simm.s32 $0xE000;
	s9 =	simm.s32 $0xC  }
.LBB2_4:
0x17: {  	_ =	swait.ge [sflag:s21], $0x1000  }
0x18: {  	[sflag:s21] =	ssyncset.done $0x0  }
0x19: {  	s6 =	simm.s32 $0x9;
	[sflag:s21] =	ssyncadd.s32 $0xFFFFF000  }
0x1a: {  	[spmem:s2] =	stream.indirect.scatter.add.f32 [tilespmem:s0], [sflag:$0x10], $0x20, s10, s16, $0xb8;
	[tilespmem:$0x12000] =	vst v63  }
0x1b: {  	_ =	swait.ge [sflag:s6], $0x1000  }
0x1c: {  	[sflag:s6] =	ssyncset.done $0x0  }
0x1d: {  	s13 =	simm.s32 $0xA;
	[sflag:s6] =	ssyncadd.s32 $0xFFFFF000  }
0x1e: {  	_ =	swait.ge [sflag:s13], $0x1000  }
0x1f: {  	[sflag:s13] =	ssyncset.done $0x0  }
0x20: {  	[sflag:s13] =	ssyncadd.s32 $0xFFFFF000  }
0x21: {  	_ =	swait.ge [sflag:s8], $0x1000  }
0x22: {  	[sflag:s8] =	ssyncset.done $0x0  }
0x23: {  	[sflag:s8] =	ssyncadd.s32 $0xFFFFF000  }
0x24: {  	_ =	swait.ge [sflag:s9], $0x1000  }
0x25: {  	[sflag:s9] =	ssyncset.done $0x0  }
0x26: {  	s23 =	simm.s32 $0xD;
	[sflag:s9] =	ssyncadd.s32 $0xFFFFF000  }
0x27: {  	_ =	swait.ge [sflag:s23], $0x1000  }
0x28: {  	[sflag:s23] =	ssyncset.done $0x0  }
0x29: {  	s10 =	simm.s32 $0xE;
	[sflag:s23] =	ssyncadd.s32 $0xFFFFF000  }
0x2a: {  	_ =	swait.ge [sflag:s10], $0x1000  }
0x2b: {  	[sflag:s10] =	ssyncset.done $0x0  }
0x2c: {  	s11 =	simm.s32 $0xF;
	[sflag:s10] =	ssyncadd.s32 $0xFFFFF000  }
0x2d: {  	_ =	swait.ge [sflag:s11], $0x1000  }
0x2e: {  	[sflag:s11] =	ssyncset.done $0x0  }
0x2f: {  	s12 =	simm.s32 $0x10;
	[sflag:s11] =	ssyncadd.s32 $0xFFFFF000  }
0x30: {  	_ =	swait.ge [sflag:s12], $0x1000  }
0x31: {  	[sflag:s12] =	ssyncset.done $0x0  }
0x32: {  	[sflag:s12] =	ssyncadd.s32 $0xFFFFF000  }
0x33: {  	[bflag:$0x0] =	sbarrier.arrive $0xFFFF  }
0x34: {  	s13 =	rddreg [dreg:$0x8]  }
0x35: {  	[hbm:s13], [sflag:s7] =	dma.local [spmem:s14], $0xA00  }
0x36: {  	_ =	swait.ge [sflag:s15], $0xA00  }
0x37: {  	s3 =	sadd.s32 $0x1, s3;
	s23 =	rddreg [dreg:$0x9]  }
0x38: {  	p1 =	sne.s32 s3, s23  }
.Ltmp1:
0x39: {  	_ = 	snop;
	(pc) =	sbr.rel @!p1 .LBB2_5-.Ltmp1, $3  }
0x3a: {  	_ =	sdelay $0x1  }
0x3b: {  	[sflag:s15] =	ssyncset.done $0x0  }
0x3c: {  	[sflag:s15] =	ssyncadd.s32 $0xFFFFF600  }
.LBB2_1:
0x3d: {  	s6 =	rddreg [dreg:$0x3]  }
0x3e: {  	[spmem:s14], [sflag:s7] =	dma.local [hbm:s6], $0xA00  }
0x3f: {  	_ =	swait.ge [sflag:s15], $0xA00  }
0x40: {  	s10 =	simm.s32 @p0 $0x5000;
	[sflag:s15] =	ssyncset.done $0x0  }
0x41: {  	s6 =	simm.s32 @p0 $0x0;
	s11 =	rddreg [dreg:$0x6];
	[sflag:s15] =	ssyncadd.s32 $0xFFFFF600  }
0x42: {  	[tilespmem:s10], [sflag:$0x11] =	stream.linear.gather @p0 [hbm4b:s11+s6], $0xA00, $0x38;
	[tilespmem:$0x12000] =	vst v63  }
0x43: {  	s10 =	simm.s32 @p0 $0x11  }
0x44: {  	_ =	swait.ge @p0 [sflag:s10], $0xA00  }
0x45: {  	[sflag:s10] =	ssyncset.done @p0 $0x0  }
0x46: {  	s23 =	simm.s32 @p0 $0x5A00;
	[sflag:s10] =	ssyncadd.s32 @p0 $0xFFFFF600  }
0x47: {  	[tilespmem:s23], [sflag:$0x11] =	stream.linear.gather @p0 [hbm4b:s5+s6], $0x1E00, $0x38;
	[tilespmem:$0x12000] =	vst v63  }
0x48: {  	_ =	swait.ge @p0 [sflag:s10], $0x1E00  }
0x49: {  	[sflag:s10] =	ssyncset.done @p0 $0x0  }
0x4a: {  	s23 =	simm.s32 @p0 $0x7800;
	s11 =	rddreg [dreg:$0x7];
	[sflag:s10] =	ssyncadd.s32 @p0 $0xFFFFE200  }
0x4b: {  	[tilespmem:s23], [sflag:$0x11] =	stream.linear.gather @p0 [hbm4b:s11+s6], $0xA00, $0x38;
	[tilespmem:$0x12000] =	vst v63  }
0x4c: {  	_ =	swait.ge @p0 [sflag:s10], $0xA00  }
0x4d: {  	[sflag:s10] =	ssyncset.done @p0 $0x0  }
0x4e: {  	s23 =	simm.s32 @p0 $0x8200;
	[sflag:s10] =	ssyncadd.s32 @p0 $0xFFFFF600  }
0x4f: {  	[tilespmem:s23], [sflag:$0x11] =	stream.linear.gather @p0 [hbm4b:s5+s6], $0x1E00, $0x38;
	[tilespmem:$0x12000] =	vst v63  }
0x50: {  	_ =	swait.ge @p0 [sflag:s10], $0x1E00  }
0x51: {  	s6 =	simm.s32 @!p0 $0x0;
	[sflag:s10] =	ssyncset.done @p0 $0x0  }
0x52: {  	s11 =	rddreg [dreg:$0x4];
	[sflag:s10] =	ssyncadd.s32 @p0 $0xFFFFE200;
	s10 =	simm.s32 @!p0 $0x5000  }
0x53: {  	[tilespmem:s10], [sflag:$0x11] =	stream.linear.gather @!p0 [hbm4b:s11+s6], $0x2800, $0x38;
	[tilespmem:$0x12000] =	vst v63  }
0x54: {  	s10 =	simm.s32 @!p0 $0x11  }
0x55: {  	_ =	swait.ge @!p0 [sflag:s10], $0x2800  }
0x56: {  	[sflag:s10] =	ssyncset.done @!p0 $0x0  }
0x57: {  	s23 =	simm.s32 @!p0 $0x7800;
	s11 =	rddreg [dreg:$0x5];
	[sflag:s10] =	ssyncadd.s32 @!p0 $0xFFFFD800  }
0x58: {  	[tilespmem:s23], [sflag:$0x11] =	stream.linear.gather @!p0 [hbm4b:s11+s6], $0x2800, $0x38;
	[tilespmem:$0x12000] =	vst v63  }
0x59: {  	_ =	swait.ge @!p0 [sflag:s10], $0x2800  }
0x5a: {  	[sflag:s10] =	ssyncset.done @!p0 $0x0  }
0x5b: {  	[sflag:s10] =	ssyncadd.s32 @!p0 $0xFFFFD800  }
0x5c: {  	s11 =	simm.s32 $0x5000;
	[bflag:$0x0] =	sbarrier.arrive $0xFFFF  }
0x5d: {  	[tilespmem:s18], [sflag:$0x1] =	stream.indirect.gather [hbm4b:s4+s16], $0x20, s11, s16, $0xb8;
	[tilespmem:$0x12000] =	vst v63  }
0x5e: {  	s12 =	simm.s32 $0x5080  }
0x5f: {  	[tilespmem:s20], [sflag:$0x2] =	stream.indirect.gather [hbm4b:s4+s16], $0x20, s12, s16, $0xb8;
	[tilespmem:$0x12000] =	vst v63  }
0x60: {  	s13 =	simm.s32 $0x5100  }
0x61: {  	[tilespmem:s22], [sflag:$0x3] =	stream.indirect.gather [hbm4b:s4+s16], $0x20, s13, s16, $0xb8;
	[tilespmem:$0x12000] =	vst v63  }
0x62: {  	s23 =	simm.s32 $0x5180  }
0x63: {  	[tilespmem:s24], [sflag:$0x4] =	stream.indirect.gather [hbm4b:s4+s16], $0x20, s23, s16, $0xb8;
	[tilespmem:$0x12000] =	vst v63  }
0x64: {  	s23 =	simm.s32 $0x0  }
.LBB2_2:
0x65: {  	_ =	swait.ge [sflag:s25], $0x1000  }
0x66: {  	s6 =	sshra.s32 s23, $0x2;
	[sflag:s25] =	ssyncset.done $0x0  }
0x67: {  	p1 =	seq.s32 s23, $0x0;
	s10 =	sadd.s32 $0x7800, s6;
	[sflag:s25] =	ssyncadd.s32 $0xFFFFF000  }
0x68: {  	[spmem:s2] =	stream.indirect.scatter.add.f32 [tilespmem:s18], [sflag:$0x9], $0x20, s10, s16, $0xb8;
	[tilespmem:$0x12000] =	vst v63  }
0x69: {  	s10 =	simm.s32 @!p1 $0xD  }
0x6a: {  	_ =	swait.ge @!p1 [sflag:s10], $0x1000  }
0x6b: {  	[sflag:s10] =	ssyncset.done @!p1 $0x0  }
0x6c: {  	s11 =	sadd.s32 $0x5200, s6;
	[sflag:s10] =	ssyncadd.s32 @!p1 $0xFFFFF000  }
0x6d: {  	[tilespmem:s26], [sflag:$0x5] =	stream.indirect.gather [hbm4b:s4+s16], $0x20, s11, s16, $0xb8;
	[tilespmem:$0x12000] =	vst v63  }
0x6e: {  	_ =	swait.ge [sflag:s28], $0x1000  }
0x6f: {  	[sflag:s28] =	ssyncset.done $0x0  }
0x70: {  	s12 =	sadd.s32 $0x7880, s6;
	s10 =	simm.s32 @!p1 $0xE;
	[sflag:s28] =	ssyncadd.s32 $0xFFFFF000  }
0x71: {  	[spmem:s2] =	stream.indirect.scatter.add.f32 [tilespmem:s20], [sflag:$0xA], $0x20, s12, s16, $0xb8;
	[tilespmem:$0x12000] =	vst v63  }
0x72: {  	_ =	swait.ge @!p1 [sflag:s10], $0x1000  }
0x73: {  	[sflag:s10] =	ssyncset.done @!p1 $0x0  }
0x74: {  	s13 =	sadd.s32 $0x5280, s6;
	[sflag:s10] =	ssyncadd.s32 @!p1 $0xFFFFF000  }
0x75: {  	[tilespmem:s29], [sflag:$0x6] =	stream.indirect.gather [hbm4b:s4+s16], $0x20, s13, s16, $0xb8;
	[tilespmem:$0x12000] =	vst v63  }
0x76: {  	_ =	swait.ge [sflag:s30], $0x1000  }
0x77: {  	[sflag:s30] =	ssyncset.done $0x0  }
0x78: {  	s11 =	sadd.s32 $0x7900, s6;
	s10 =	simm.s32 @!p1 $0xF;
	[sflag:s30] =	ssyncadd.s32 $0xFFFFF000  }
0x79: {  	[spmem:s2] =	stream.indirect.scatter.add.f32 [tilespmem:s22], [sflag:$0xB], $0x20, s11, s16, $0xb8;
	[tilespmem:$0x12000] =	vst v63  }
0x7a: {  	_ =	swait.ge @!p1 [sflag:s10], $0x1000  }
0x7b: {  	[sflag:s10] =	ssyncset.done @!p1 $0x0  }
0x7c: {  	s12 =	sadd.s32 $0x5300, s6;
	[sflag:s10] =	ssyncadd.s32 @!p1 $0xFFFFF000  }
0x7d: {  	[tilespmem:s31], [sflag:$0x7] =	stream.indirect.gather [hbm4b:s4+s16], $0x20, s12, s16, $0xb8;
	[tilespmem:$0x12000] =	vst v63  }
0x7e: {  	_ =	swait.ge [sflag:s1], $0x1000  }
0x7f: {  	[sflag:s1] =	ssyncset.done $0x0  }
0x80: {  	s13 =	sadd.s32 $0x7980, s6;
	s10 =	simm.s32 @!p1 $0x10;
	[sflag:s1] =	ssyncadd.s32 $0xFFFFF000  }
0x81: {  	[spmem:s2] =	stream.indirect.scatter.add.f32 [tilespmem:s24], [sflag:$0xC], $0x20, s13, s16, $0xb8;
	[tilespmem:$0x12000] =	vst v63  }
0x82: {  	_ =	swait.ge @!p1 [sflag:s10], $0x1000  }
0x83: {  	[sflag:s10] =	ssyncset.done @!p1 $0x0  }
0x84: {  	s11 =	sadd.s32 $0x5380, s6;
	[sflag:s10] =	ssyncadd.s32 @!p1 $0xFFFFF000  }
0x85: {  	[tilespmem:s0], [sflag:$0x8] =	stream.indirect.gather [hbm4b:s4+s16], $0x20, s11, s16, $0xb8;
	[tilespmem:$0x12000] =	vst v63  }
0x86: {  	_ =	swait.ge [sflag:s17], $0x1000  }
0x87: {  	p1 =	seq.s32 s23, $0x9000;
	[sflag:s17] =	ssyncset.done $0x0  }
0x88: {  	s12 =	sadd.s32 $0x7A00, s6;
	s10 =	simm.s32 @p1 $0x6;
	[sflag:s17] =	ssyncadd.s32 $0xFFFFF000  }
0x89: {  	[spmem:s2] =	stream.indirect.scatter.add.f32 [tilespmem:s26], [sflag:$0xD], $0x20, s12, s16, $0xb8;
	[tilespmem:$0x12000] =	vst v63  }
0x8a: {  	_ =	swait.ge @p1 [sflag:s10], $0x1000  }
0x8b: {  	[sflag:s10] =	ssyncset.done @p1 $0x0  }
0x8c: {  	[sflag:s10] =	ssyncadd.s32 @p1 $0xFFFFF000;
	s10 =	sshra.s32 @p1 s23, $0x2  }
0x8d: {  	s11 =	simm.s32 @p1 $0x80;
	s12 =	simm.s32 @p1 $0xF000;
	s10 =	sadd.s32 @p1 $0x7A80, s10  }
0x8e: {  	[spmem:s2] =	stream.indirect.scatter.add.f32 @p1 [tilespmem:s12], [sflag:$0xE], $0x20, s10, s11, $0xb8;
	[tilespmem:$0x12000] =	vst v63  }
0x8f: {  	s10 =	simm.s32 @!p1 $0x9  }
0x90: {  	_ =	swait.ge @!p1 [sflag:s10], $0x1000  }
0x91: {  	[sflag:s10] =	ssyncset.done @!p1 $0x0  }
0x92: {  	[sflag:s10] =	ssyncadd.s32 @!p1 $0xFFFFF000;
	s10 =	sshra.s32 @!p1 s23, $0x2  }
0x93: {  	s13 =	simm.s32 @!p1 $0xA000;
	s12 =	simm.s32 @!p1 $0x80;
	s11 =	sadd.s32 @!p1 $0x5400, s10  }
0x94: {  	[tilespmem:s13], [sflag:$0x1] =	stream.indirect.gather @!p1 [hbm4b:s4+s12], $0x20, s11, s12, $0xb8;
	[tilespmem:$0x12000] =	vst v63  }
0x95: {  	s11 =	simm.s32 @!p1 $0x6  }
0x96: {  	_ =	swait.ge @!p1 [sflag:s11], $0x1000  }
0x97: {  	[sflag:s11] =	ssyncset.done @!p1 $0x0  }
0x98: {  	s13 =	simm.s32 @!p1 $0xF000;
	[sflag:s11] =	ssyncadd.s32 @!p1 $0xFFFFF000;
	s11 =	sadd.s32 @!p1 $0x7A80, s10  }
0x99: {  	[spmem:s2] =	stream.indirect.scatter.add.f32 @!p1 [tilespmem:s13], [sflag:$0xE], $0x20, s11, s12, $0xb8;
	[tilespmem:$0x12000] =	vst v63  }
0x9a: {  	s11 =	simm.s32 @!p1 $0xA  }
0x9b: {  	_ =	swait.ge @!p1 [sflag:s11], $0x1000  }
0x9c: {  	[sflag:s11] =	ssyncset.done @!p1 $0x0  }
0x9d: {  	s10 =	sadd.s32 @!p1 $0x5480, s10;
	[sflag:s11] =	ssyncadd.s32 @!p1 $0xFFFFF000;
	s11 =	simm.s32 @!p1 $0xB000  }
0x9e: {  	[tilespmem:s11], [sflag:$0x2] =	stream.indirect.gather @!p1 [hbm4b:s4+s12], $0x20, s10, s12, $0xb8;
	[tilespmem:$0x12000] =	vst v63  }
.Ltmp2:
0x9f: {  	_ = 	snop;
	(pc) =	sbr.rel @p1 .LBB2_4-.Ltmp2, $4  }
0xa0: {  	_ =	swait.ge [sflag:s19], $0x1000  }
0xa1: {  	[sflag:s19] =	ssyncset.done $0x0  }
0xa2: {  	s13 =	sadd.s32 $0x7B00, s6;
	s10 =	sadd.s32 $0x7B80, s6;
	[sflag:s19] =	ssyncadd.s32 $0xFFFFF000  }
0xa3: {  	[spmem:s2] =	stream.indirect.scatter.add.f32 [tilespmem:s31], [sflag:$0xF], $0x20, s13, s16, $0xb8;
	[tilespmem:$0x12000] =	vst v63  }
0xa4: {  	_ =	swait.ge [sflag:s8], $0x1000  }
0xa5: {  	[sflag:s8] =	ssyncset.done $0x0  }
0xa6: {  	s11 =	sadd.s32 $0x5500, s6;
	[sflag:s8] =	ssyncadd.s32 $0xFFFFF000  }
0xa7: {  	[tilespmem:s22], [sflag:$0x3] =	stream.indirect.gather [hbm4b:s4+s16], $0x20, s11, s16, $0xb8;
	[tilespmem:$0x12000] =	vst v63  }
0xa8: {  	_ =	swait.ge [sflag:s21], $0x1000  }
0xa9: {  	[sflag:s21] =	ssyncset.done $0x0  }
0xaa: {  	[sflag:s21] =	ssyncadd.s32 $0xFFFFF000  }
0xab: {  	[spmem:s2] =	stream.indirect.scatter.add.f32 [tilespmem:s0], [sflag:$0x10], $0x20, s10, s16, $0xb8;
	[tilespmem:$0x12000] =	vst v63  }
.Ltmp3:
0xac: {  	_ = 	snop;
	(pc) =	sbr.rel .LBB2_2-.Ltmp3, $4  }
0xad: {  	_ =	swait.ge [sflag:s9], $0x1000  }
0xae: {  	[sflag:s9] =	ssyncset.done $0x0  }
0xaf: {  	s13 =	sadd.s32 $0x5580, s6;
	s23 =	sadd.s32 $0x1000, s23;
	[sflag:s9] =	ssyncadd.s32 $0xFFFFF000  }
0xb0: {  	[tilespmem:s24], [sflag:$0x4] =	stream.indirect.gather [hbm4b:s4+s16], $0x20, s13, s16, $0xb8;
	[tilespmem:$0x12000] =	vst v63  }
.LBB2_5:
0xb1: {  	_ =	sfence.sel $0x180000  }
0xb2: {  	[bflag:$0x0] =	sbarrier.arrive $0xFFFF  }
0xb3: {  	_ =	strace $0x9000004A  }
0xb4: {  	s0 =	stileid.u32;
	[bflag:$0x2] =	sbarrier.arrive $0xFFFF  }
0xb5: {  	p0 =	sne.s32 s0, $0x0;
	s0 =	rddreg [dreg:$0x2]  }
0xb6: {  	s0 =	sadd.s32 @!p0 $0x100000, s0  }
0xb7: {  	[sflag:s0] =	ssyncadd.tile.s32 @!p0 $0x1;
	_ =	shalt  }
.Lfunc_end2:
_tile_overlayer_lowered:
.L_overlay_start_2:
0xb8: {  	(tag) =	ssettag $0x2  }
0xb9: {  	s0 =	rddreg [dreg:$0x0];
	s2 =	stileid.u32  }
0xba: {  	s1 =	rddreg [dreg:$0x1];
	p0 =	sne.s32 s2, $0x0  }
0xbb: {  	s3 =	rddreg [dreg:$0x2];
	[bflag:$0x3] =	sbarrier.arrive $0xFFFF;
	s2 =	simm.s32 @!p0 $0x1C11  }
0xbc: {  	[timem:s3], [sflag:s2] =	dma.local @!p0 [hbm:s0], s1  }
0xbd: {  	s0 =	simm.s32 @!p0 $0x11  }
0xbe: {  	_ =	swait.ge @!p0 [sflag:s0], s1  }
0xbf: {  	s1 =	ssub.s32 @!p0 $0x0, s1;
	[sflag:s0] =	ssyncset.done @!p0 $0x0  }
0xc0: {  	[sflag:s0] =	ssyncadd.s32 @!p0 s1  }
0xc1: {  	[bflag:$0x3] =	sbarrier.arrive $0xFFFF  }
0xc2: {  	_ =	shalt  }

// kernel: kernel.14.cloned.1.call-start
scs
__scs_entry_jumppad:
0x0: {  	(pc) =	sbr.rel $0x88, $3  }
0x1: {  	(tag) =	ssettag $0x0;
	lr =	simm.s32 $0x1  }
0x2: {  	[smem:$0x3F98] =	sst lr;
	_ =	strace $0xD0000000  }
0x3: {  	_ = 	snop  }
0x4: {  	_ = 	snop  }
0x5: {  	_ = 	snop  }
0x6: {  	_ = 	snop  }
0x7: {  	_ = 	snop  }
__scs_overlays_trampoline_lowered:
0x8: {  	[smem:$0x3FA7] =	sst s0  }
0x9: {  	[smem:$0x3FA8] =	sst s1  }
0xa: {  	[smem:$0x3FA9] =	sst s2  }
0xb: {  	[smem:$0x3FAA] =	sst s3  }
0xc: {  	[smem:$0x3FAB] =	sst s4  }
0xd: {  	[smem:$0x3FAC] =	sst s5  }
0xe: {  	[smem:$0x3FAD] =	sst s6  }
0xf: {  	[smem:$0x3FAE] =	sst s7  }
0x10: {  	[smem:$0x3FAF] =	sst s8  }
0x11: {  	[smem:$0x3FB0] =	sst s9;
	s0 =	simm.s32 @!p0 $0x0  }
0x12: {  	s1 =	sld [smem:$0x3F96];
	s0 =	simm.s32 @p0 $0x1  }
0x13: {  	[smem:$0x3FB1] =	sst s0;
	s0 =	simm.s32 @!p1 $0x0  }
0x14: {  	s2 =	sld [smem:$0x3F95];
	s0 =	simm.s32 @p1 $0x1  }
0x15: {  	[smem:$0x3FB2] =	sst s0;
	s0 =	simm.s32 @!p2 $0x0  }
0x16: {  	s3 =	sld [smem:$0x3FDB];
	s0 =	simm.s32 @p2 $0x1  }
0x17: {  	s4 =	simm.s32 $0x1BF5;
	[smem:$0x3FB4] =	sst s0  }
0x18: {  	s0 =	sld [smem:$0x3F97];
	_ =	swait.ge [sflag:s4], $0x0  }
0x19: {  	s7 =	sld [smem:$0x3F98]  }
0x1a: {  	s8 =	sadd.s32 $0xFFFFE003, lr  }
0x1b: {  	s9 =	sadd.s32 $0xFFFFFEF7, lr;
	s5 =	simm.s32 $0xFFFFFFFF;
	p2 =	slt.u32 s8, $0xFFFFF086  }
0x1c: {  	p1 =	slt.u32 s9, $0xF7A;
	s5 =	simm.s32 @!p2 $0x0  }
0x1d: {  	s5 =	simm.s32 @p1 $0x1;
	p0 =	seq.s32 s7, s2  }
0x1e: {  	s7 =	smul.u32 @!p0 $0xF7A, s2;
	p2 =	seq.s32 @!p0 s5, $0x0  }
0x1f: {  	s9 =	smul.u32 $0xF7A, s1;
	s8 =	simm.s32 @!p0 $0x1BF5;
	p2 =	por !p2, p0  }
0x20: {  	[sflag:s8] =	ssyncset.s32 @!p0 $0xFFFFF086;
	s6 =	sadd.s32 @!p0 s3, s7;
	s7 =	simm.s32 @!p0 $0x108  }
0x21: {  	s3 =	sadd.s32 s3, s9;
	s6 =	sadd.s32 @!p0 $0x88, s6;
	s7 =	simm.s32 @p2 $0x1082  }
0x22: {  	[simem:s7], [sflag:s8] =	dma.local @!p0 [hbm:s6], $0xF7A  }
0x23: {  	s9 =	sor.u32 $0xD0000000, s2;
	s6 =	simm.s32 $0x108;
	_ =	swait.ge @!p0 [sflag:s8], $0x0  }
0x24: {  	s3 =	sadd.s32 $0x88, s3;
	s6 =	simm.s32 @!p1 $0x1082;
	[sflag:s4] =	ssyncset.s32 $0xFFFFF086  }
0x25: {  	[simem:s6], [sflag:s4] =	dma.local [hbm:s3], $0xF7A  }
0x26: {  	[smem:$0x3F98] =	sst s1;
	(tag) =	ssettag s2;
	_ =	strace s9  }
0x27: {  	s1 =	sld [smem:$0x3FA8]  }
0x28: {  	s2 =	sld [smem:$0x3FA9]  }
0x29: {  	s4 =	sld [smem:$0x3FAB]  }
0x2a: {  	p0 =	seq.s32 s5, $0x0;
	s5 =	sld [smem:$0x3FAC]  }
0x2b: {  	s6 =	sld [smem:$0x3FAD]  }
0x2c: {  	s7 =	sld [smem:$0x3FAE]  }
0x2d: {  	s3 =	simm.s32 $0x108;
	s8 =	sld [smem:$0x3FAF]  }
0x2e: {  	s3 =	simm.s32 @!p0 $0x1082;
	s9 =	sld [smem:$0x3FB0]  }
0x2f: {  	lr =	sadd.s32 s0, s3;
	s0 =	sld [smem:$0x3FA7]  }
0x30: {  	s3 =	sld [smem:$0x3FAA]  }
0x31: {  	[smem:$0x3FB3] =	sst s10  }
0x32: {  	s10 =	sld [smem:$0x3FB1];
	_ =	sdelay $0x3  }
0x33: {  	p0 =	seq.s32 s10, $0x1;
	s10 =	sld [smem:$0x3FB3];
	_ =	sdelay $0x3  }
0x34: {  	[smem:$0x3FB3] =	sst s10  }
0x35: {  	s10 =	sld [smem:$0x3FB2];
	_ =	sdelay $0x3  }
0x36: {  	p1 =	seq.s32 s10, $0x1;
	s10 =	sld [smem:$0x3FB3];
	_ =	sdelay $0x3  }
0x37: {  	[smem:$0x3FB3] =	sst s10  }
0x38: {  	s10 =	sld [smem:$0x3FB4]  }
0x39: {  	_ = 	snop;
	(pc) =	sbr.ind lr, $3  }
0x3a: {  	_ = 	snop  }
0x3b: {  	_ = 	snop  }
0x3c: {  	p2 =	seq.s32 s10, $0x1;
	s10 =	sld [smem:$0x3FB3]  }
0x3d: {  	_ =	shalt  }
0x3e: {  	_ =	shalt  }
0x3f: {  	_ =	shalt  }
0x40: {  	_ =	shalt  }
0x41: {  	_ =	shalt  }
0x42: {  	_ =	shalt  }
0x43: {  	_ =	shalt  }
0x44: {  	_ =	shalt  }
0x45: {  	_ =	shalt  }
0x46: {  	_ =	shalt  }
0x47: {  	_ =	shalt  }
0x48: {  	_ =	shalt  }
0x49: {  	_ =	shalt  }
0x4a: {  	_ =	shalt  }
0x4b: {  	_ =	shalt  }
0x4c: {  	_ =	shalt  }
0x4d: {  	_ =	shalt  }
0x4e: {  	_ =	shalt  }
0x4f: {  	_ =	shalt  }
0x50: {  	_ =	shalt  }
0x51: {  	_ =	shalt  }
0x52: {  	_ =	shalt  }
0x53: {  	_ =	shalt  }
0x54: {  	_ =	shalt  }
0x55: {  	_ =	shalt  }
0x56: {  	_ =	shalt  }
0x57: {  	_ =	shalt  }
0x58: {  	_ =	shalt  }
0x59: {  	_ =	shalt  }
0x5a: {  	_ =	shalt  }
0x5b: {  	_ =	shalt  }
0x5c: {  	_ =	shalt  }
0x5d: {  	_ =	shalt  }
0x5e: {  	_ =	shalt  }
0x5f: {  	_ =	shalt  }
0x60: {  	_ =	shalt  }
0x61: {  	_ =	shalt  }
0x62: {  	_ =	shalt  }
0x63: {  	_ =	shalt  }
0x64: {  	_ =	shalt  }
0x65: {  	_ =	shalt  }
0x66: {  	_ =	shalt  }
0x67: {  	_ =	shalt  }
0x68: {  	_ =	shalt  }
0x69: {  	_ =	shalt  }
0x6a: {  	_ =	shalt  }
0x6b: {  	_ =	shalt  }
0x6c: {  	_ =	shalt  }
0x6d: {  	_ =	shalt  }
0x6e: {  	_ =	shalt  }
0x6f: {  	_ =	shalt  }
0x70: {  	_ =	shalt  }
0x71: {  	_ =	shalt  }
0x72: {  	_ =	shalt  }
0x73: {  	_ =	shalt  }
0x74: {  	_ =	shalt  }
0x75: {  	_ =	shalt  }
0x76: {  	_ =	shalt  }
0x77: {  	_ =	shalt  }
0x78: {  	_ =	shalt  }
0x79: {  	_ =	shalt  }
0x7a: {  	_ =	shalt  }
0x7b: {  	_ =	shalt  }
0x7c: {  	_ =	shalt  }
0x7d: {  	_ =	shalt  }
0x7e: {  	_ =	shalt  }
0x7f: {  	_ =	shalt  }
0x80: {  	_ =	shalt  }
0x81: {  	_ =	shalt  }
0x82: {  	_ =	shalt  }
0x83: {  	_ =	shalt  }
0x84: {  	_ =	shalt  }
0x85: {  	_ =	shalt  }
0x86: {  	_ =	shalt  }
0x87: {  	_ =	shalt  }
.Lfunc_end0:
.L_simem_size_0:
called_computation.2_lowered:
.L_overlay_start_0:
0x88: {  	s2 =	sld [smem:$0x3FD9]  }
0x89: {  	s3 =	sld [smem:$0x3FFE];
	_ =	sdelay $0x1  }
0x8a: {  	s1 =	srdreg.scid  }
0x8b: {  	s0 =	sand.u32 $0x1, s1  }
0x8c: {  	s16 =	sshll.u32 s0, $0xA;
	s2 =	sadd.s32 s3, s2  }
0x8d: {  	s2 =	sadd.s32 s2, s16  }
0x8e: {  	[smem:$0x3FBF] =	sst s2  }
0x8f: {  	_ = 	snop  }
0x90: {  	(tm) =	ssettm $0x1  }
0x91: {  	s17 =	sld [smem:$0x3FFB];
	_ =	sdelay $0x3  }
0x92: {  	_ =	strace s17  }
0x93: {  	s2 =	sld [smem:$0x3FFC];
	_ =	sdelay $0x3  }
0x94: {  	_ =	strace s2  }
0x95: {  	s2 =	sld [smem:$0x3FFD];
	_ =	sdelay $0x3  }
0x96: {  	_ =	strace s2  }
0x97: {  	_ =	strace $0x8FFFFFFF  }
0x98: {  	s18 =	sld [smem:$0x3FDB];
	_ =	sdelay $0x1  }
0x99: {  	s19 =	simm.s32 $_scs_section_size  }
0x9a: {  	s4 =	simm.s32 $_size__tile_overlayer_lowered;
	s5 =	simm.s32 $_tile_overlayer_lowered  }
0x9b: {  	s22 =	simm.s32 $0x1BFF;
	s21 =	sshll.u32 s5, $0x1;
	s2 =	sadd.s32 s19, s18  }
0x9c: {  	s6 =	simm.s32 $0x0;
	s20 =	sshll.u32 s4, $0x1;
	s4 =	sadd.s32 s21, s2  }
0x9d: {  	[timem:s6], [sflag:s22] =	dma.local [hbm:s4], s20  }
0x9e: {  	_ =	swait.ge [sflag:s22], s20  }
0x9f: {  	s3 =	ssub.s32 $0x0, s20;
	[sflag:s22] =	ssyncset.done $0x0  }
0xa0: {  	[sflag:s22] =	ssyncadd.s32 s3;
	_ =	sdelay $0x1  }
0xa1: {  	s23 =	simm.s32 $0x1B8B  }
0xa2: {  	_ =	swait.ge [sflag:s23], $0x1  }
0xa3: {  	[sflag:s23] =	ssyncset.done $0x0  }
0xa4: {  	s25 =	simm.s32 $0x1B8E;
	s24 =	sld [smem:$0x3FFE];
	[sflag:s23] =	ssyncadd.s32 $0xFFFFFFFF  }
0xa5: {  	s26 =	simm.s32 $execute0_lowered;
	[smem:$0x3FD2] =	sst s25  }
0xa6: {  	s4 =	sshll.u32 s26, $0x1;
	_ =	strace $0x8000004C;
	[dreg:$0x1] =	wrdreg $0xFFFFFFFF  }
0xa7: {  	s28 =	simm.s32 $_size_execute0_lowered;
	s2 =	sadd.s32 s2, s4;
	[dreg:$0x0] =	wrdreg $0x0  }
0xa8: {  	s4 =	sshll.u32 s28, $0x1;
	[dreg:$0x2] =	wrdreg s2  }
0xa9: {  	[dreg:$0x3] =	wrdreg s4  }
0xaa: {  	[dreg:$0x4] =	wrdreg $0xC0  }
0xab: {  	_ =	task [dreg:s6], $0x5FFFF  }
0xac: {  	[dreg:$0x1] =	wrdreg $0xFFFFFFFF  }
0xad: {  	[dreg:$0x0] =	wrdreg $0x60  }
0xae: {  	[dreg:$0x2] =	wrdreg s24  }
0xaf: {  	[dreg:$0x3] =	wrdreg $0x0  }
0xb0: {  	[dreg:$0x4] =	wrdreg $0x9  }
0xb1: {  	_ =	task.clear_ibuf [dreg:s6], $0x5FFFF;
	_ =	strace $0x9000004C  }
0xb2: {  	s29 =	simm.s32 $0x9;
	_ =	strace $0x8000004E  }
0xb3: {  	_ =	swait.ge [sflag:s29], $0x1  }
0xb4: {  	[sflag:s29] =	ssyncadd.s32 $0xFFFFFFFF  }
0xb5: {  	_ =	strace $0x9000004E  }
0xb6: {  	_ =	sfence  }
0xb7: {  	s30 =	sld [smem:$0x0];
	_ =	sdelay $0x2  }
0xb8: {  	s31 =	sshll.u32 s1, $0xD;
	s1 =	sshrl.u32 s1, $0x2  }
0xb9: {  	s3 =	sand.u32 $0x4000, s31;
	s1 =	sadd.s32 s1, s30  }
0xba: {  	s0 =	sor.u32 s3, s0;
	s1 =	sshll.u32 s1, $0x11  }
0xbb: {  	s0 =	sor.u32 s1, s0  }
0xbc: {  	s0 =	sadd.s32 $0x8F2B, s0  }
0xbd: {  	[sflag:s0] =	ssyncadd.remote.s32 $0x1  }
0xbe: {  	_ =	sfence.sel $0xFFFF  }
0xbf: {  	[dreg:$0x0] =	wrdreg $0xFFFFFFFF;
	(pc) =	sbr.abs _section_cstart, $3  }
0xc0: {  	[dreg:$0x1] =	wrdreg $0xFFFFFFFF  }
0xc1: {  	_ =	task.clear_ibuf [dreg:s6], $0x2FFFF;
	_ =	strace $0x9FFFFFFF  }
0xc2: {  	(tm) =	ssettm $0x7FFFFFFF  }
0xc3: {  	_ =	shalt  }
tec
execute0_lowered:
.L_overlay_start_1:
0x0: {  	(tag) =	ssettag $0x1  }
0x1: {  	s0 =	srdreg.scid  }
0x2: {  	s12 =	stileid.u32;
	s6 =	rddreg [dreg:$0x0]  }
0x3: {  	s2 =	rddreg [dreg:$0x1];
	s3 =	simm.s32 $0x0;
	s15 =	simm.s32 $0x11  }
0x4: {  	s16 =	simm.s32 $0x80;
	s18 =	simm.s32 $0xA000;
	s20 =	simm.s32 $0xB000  }
0x5: {  	s28 =	simm.s32 $0x2;
	s29 =	simm.s32 $0xF000;
	s30 =	simm.s32 $0x3  }
0x6: {  	s31 =	simm.s32 $0x10000;
	s17 =	simm.s32 $0x5;
	s19 =	simm.s32 $0x7  }
0x7: {  	s21 =	simm.s32 $0x8;
	s0 =	sand.u32 $0x1, s0;
	s7 =	smul.u32 $0x5000, s12  }
0x8: {  	[smem:$0x7FF] =	sst s3;
	s4 =	sadd.s32 $0x15400, s6;
	s23 =	sshll.u32 s12, $0x6  }
0x9: {  	s25 =	sadd.s32 $0xB300, s6;
	s1 =	sshll.u32 s0, $0x4;
	s8 =	smul.u32 $0x50000, s0  }
0xa: {  	_ =	strace $0x8000004D;
	s0 =	ssub.s32 $0x2, s0;
	[dreg:$0x6] =	wrdreg s25  }
0xb: {  	s25 =	simm.s32 $0x1;
	s1 =	sor.u32 s12, s1;
	s10 =	sshrl.u32 s7, $0x3  }
0xc: {  	s11 =	sshrl.u32 s0, $0x1;
	s22 =	sadd.s32 s7, s2;
	s5 =	smul.u32 $0x500, s1  }
0xd: {  	s8 =	sadd.s32 s7, s8;
	s10 =	sadd.s32 s10, s6;
	s0 =	ssub.s32 s0, s11  }
0xe: {  	s7 =	sor.u32 $0x1C11, s23;
	p0 =	seq.s32 s1, $0x1F;
	s14 =	sshrl.u32 s22, $0x3  }
0xf: {  	s8 =	sshrl.u32 s8, $0x3;
	s10 =	sadd.s32 $0x1F400, s10;
	s0 =	smax.u32 s0, $0x1  }
0x10: {  	s9 =	sadd.s32 s5, s6;
	s5 =	sadd.s32 $0x1400, s6;
	[dreg:$0x3] =	wrdreg s10  }
0x11: {  	s8 =	sadd.s32 s8, s6;
	s6 =	sadd.s32 $0x15100, s6;
	[dreg:$0x9] =	wrdreg s0  }
.Ltmp0:
0x12: {  	s24 =	sadd.s32 $0x1800, s9;
	[dreg:$0x7] =	wrdreg s6;
	(pc) =	sbr.rel .LBB2_1-.Ltmp0, $4  }
0x13: {  	s22 =	simm.s32 $0xC000;
	s9 =	sadd.s32 $0xB600, s9;
	[dreg:$0x4] =	wrdreg s24  }
0x14: {  	s1 =	simm.s32 $0x4;
	s26 =	sadd.s32 $0x29400, s8;
	[dreg:$0x5] =	wrdreg s9  }
0x15: {  	s0 =	simm.s32 $0x11000;
	s8 =	simm.s32 $0xB;
	[dreg:$0x8] =	wrdreg s26  }
0x16: {  	s24 =	simm.s32 $0xD000;
	s26 =	simm.s32 $0xE000;
	s9 =	simm.s32 $0xC  }
.LBB2_4:
0x17: {  	_ =	swait.ge [sflag:s21], $0x1000  }
0x18: {  	[sflag:s21] =	ssyncset.done $0x0  }
0x19: {  	s6 =	simm.s32 $0x9;
	[sflag:s21] =	ssyncadd.s32 $0xFFFFF000  }
0x1a: {  	[spmem:s2] =	stream.indirect.scatter.add.f32 [tilespmem:s0], [sflag:$0x10], $0x20, s10, s16, $0xb8;
	[tilespmem:$0x12000] =	vst v63  }
0x1b: {  	_ =	swait.ge [sflag:s6], $0x1000  }
0x1c: {  	[sflag:s6] =	ssyncset.done $0x0  }
0x1d: {  	s13 =	simm.s32 $0xA;
	[sflag:s6] =	ssyncadd.s32 $0xFFFFF000  }
0x1e: {  	_ =	swait.ge [sflag:s13], $0x1000  }
0x1f: {  	[sflag:s13] =	ssyncset.done $0x0  }
0x20: {  	[sflag:s13] =	ssyncadd.s32 $0xFFFFF000  }
0x21: {  	_ =	swait.ge [sflag:s8], $0x1000  }
0x22: {  	[sflag:s8] =	ssyncset.done $0x0  }
0x23: {  	[sflag:s8] =	ssyncadd.s32 $0xFFFFF000  }
0x24: {  	_ =	swait.ge [sflag:s9], $0x1000  }
0x25: {  	[sflag:s9] =	ssyncset.done $0x0  }
0x26: {  	s23 =	simm.s32 $0xD;
	[sflag:s9] =	ssyncadd.s32 $0xFFFFF000  }
0x27: {  	_ =	swait.ge [sflag:s23], $0x1000  }
0x28: {  	[sflag:s23] =	ssyncset.done $0x0  }
0x29: {  	s10 =	simm.s32 $0xE;
	[sflag:s23] =	ssyncadd.s32 $0xFFFFF000  }
0x2a: {  	_ =	swait.ge [sflag:s10], $0x1000  }
0x2b: {  	[sflag:s10] =	ssyncset.done $0x0  }
0x2c: {  	s11 =	simm.s32 $0xF;
	[sflag:s10] =	ssyncadd.s32 $0xFFFFF000  }
0x2d: {  	_ =	swait.ge [sflag:s11], $0x1000  }
0x2e: {  	[sflag:s11] =	ssyncset.done $0x0  }
0x2f: {  	s12 =	simm.s32 $0x10;
	[sflag:s11] =	ssyncadd.s32 $0xFFFFF000  }
0x30: {  	_ =	swait.ge [sflag:s12], $0x1000  }
0x31: {  	[sflag:s12] =	ssyncset.done $0x0  }
0x32: {  	[sflag:s12] =	ssyncadd.s32 $0xFFFFF000  }
0x33: {  	[bflag:$0x0] =	sbarrier.arrive $0xFFFF  }
0x34: {  	s13 =	rddreg [dreg:$0x8]  }
0x35: {  	[hbm:s13], [sflag:s7] =	dma.local [spmem:s14], $0xA00  }
0x36: {  	_ =	swait.ge [sflag:s15], $0xA00  }
0x37: {  	s3 =	sadd.s32 $0x1, s3;
	s23 =	rddreg [dreg:$0x9]  }
0x38: {  	p1 =	sne.s32 s3, s23  }
.Ltmp1:
0x39: {  	_ = 	snop;
	(pc) =	sbr.rel @!p1 .LBB2_5-.Ltmp1, $3  }
0x3a: {  	_ =	sdelay $0x1  }
0x3b: {  	[sflag:s15] =	ssyncset.done $0x0  }
0x3c: {  	[sflag:s15] =	ssyncadd.s32 $0xFFFFF600  }
.LBB2_1:
0x3d: {  	s6 =	rddreg [dreg:$0x3]  }
0x3e: {  	[spmem:s14], [sflag:s7] =	dma.local [hbm:s6], $0xA00  }
0x3f: {  	_ =	swait.ge [sflag:s15], $0xA00  }
0x40: {  	s10 =	simm.s32 @p0 $0x5000;
	[sflag:s15] =	ssyncset.done $0x0  }
0x41: {  	s6 =	simm.s32 @p0 $0x0;
	s11 =	rddreg [dreg:$0x6];
	[sflag:s15] =	ssyncadd.s32 $0xFFFFF600  }
0x42: {  	[tilespmem:s10], [sflag:$0x11] =	stream.linear.gather @p0 [hbm4b:s11+s6], $0xA00, $0x38;
	[tilespmem:$0x12000] =	vst v63  }
0x43: {  	s10 =	simm.s32 @p0 $0x11  }
0x44: {  	_ =	swait.ge @p0 [sflag:s10], $0xA00  }
0x45: {  	[sflag:s10] =	ssyncset.done @p0 $0x0  }
0x46: {  	s23 =	simm.s32 @p0 $0x5A00;
	[sflag:s10] =	ssyncadd.s32 @p0 $0xFFFFF600  }
0x47: {  	[tilespmem:s23], [sflag:$0x11] =	stream.linear.gather @p0 [hbm4b:s5+s6], $0x1E00, $0x38;
	[tilespmem:$0x12000] =	vst v63  }
0x48: {  	_ =	swait.ge @p0 [sflag:s10], $0x1E00  }
0x49: {  	[sflag:s10] =	ssyncset.done @p0 $0x0  }
0x4a: {  	s23 =	simm.s32 @p0 $0x7800;
	s11 =	rddreg [dreg:$0x7];
	[sflag:s10] =	ssyncadd.s32 @p0 $0xFFFFE200  }
0x4b: {  	[tilespmem:s23], [sflag:$0x11] =	stream.linear.gather @p0 [hbm4b:s11+s6], $0xA00, $0x38;
	[tilespmem:$0x12000] =	vst v63  }
0x4c: {  	_ =	swait.ge @p0 [sflag:s10], $0xA00  }
0x4d: {  	[sflag:s10] =	ssyncset.done @p0 $0x0  }
0x4e: {  	s23 =	simm.s32 @p0 $0x8200;
	[sflag:s10] =	ssyncadd.s32 @p0 $0xFFFFF600  }
0x4f: {  	[tilespmem:s23], [sflag:$0x11] =	stream.linear.gather @p0 [hbm4b:s5+s6], $0x1E00, $0x38;
	[tilespmem:$0x12000] =	vst v63  }
0x50: {  	_ =	swait.ge @p0 [sflag:s10], $0x1E00  }
0x51: {  	s6 =	simm.s32 @!p0 $0x0;
	[sflag:s10] =	ssyncset.done @p0 $0x0  }
0x52: {  	s11 =	rddreg [dreg:$0x4];
	[sflag:s10] =	ssyncadd.s32 @p0 $0xFFFFE200;
	s10 =	simm.s32 @!p0 $0x5000  }
0x53: {  	[tilespmem:s10], [sflag:$0x11] =	stream.linear.gather @!p0 [hbm4b:s11+s6], $0x2800, $0x38;
	[tilespmem:$0x12000] =	vst v63  }
0x54: {  	s10 =	simm.s32 @!p0 $0x11  }
0x55: {  	_ =	swait.ge @!p0 [sflag:s10], $0x2800  }
0x56: {  	[sflag:s10] =	ssyncset.done @!p0 $0x0  }
0x57: {  	s23 =	simm.s32 @!p0 $0x7800;
	s11 =	rddreg [dreg:$0x5];
	[sflag:s10] =	ssyncadd.s32 @!p0 $0xFFFFD800  }
0x58: {  	[tilespmem:s23], [sflag:$0x11] =	stream.linear.gather @!p0 [hbm4b:s11+s6], $0x2800, $0x38;
	[tilespmem:$0x12000] =	vst v63  }
0x59: {  	_ =	swait.ge @!p0 [sflag:s10], $0x2800  }
0x5a: {  	[sflag:s10] =	ssyncset.done @!p0 $0x0  }
0x5b: {  	[sflag:s10] =	ssyncadd.s32 @!p0 $0xFFFFD800  }
0x5c: {  	s11 =	simm.s32 $0x5000;
	[bflag:$0x0] =	sbarrier.arrive $0xFFFF  }
0x5d: {  	[tilespmem:s18], [sflag:$0x1] =	stream.indirect.gather [hbm4b:s4+s16], $0x20, s11, s16, $0xb8;
	[tilespmem:$0x12000] =	vst v63  }
0x5e: {  	s12 =	simm.s32 $0x5080  }
0x5f: {  	[tilespmem:s20], [sflag:$0x2] =	stream.indirect.gather [hbm4b:s4+s16], $0x20, s12, s16, $0xb8;
	[tilespmem:$0x12000] =	vst v63  }
0x60: {  	s13 =	simm.s32 $0x5100  }
0x61: {  	[tilespmem:s22], [sflag:$0x3] =	stream.indirect.gather [hbm4b:s4+s16], $0x20, s13, s16, $0xb8;
	[tilespmem:$0x12000] =	vst v63  }
0x62: {  	s23 =	simm.s32 $0x5180  }
0x63: {  	[tilespmem:s24], [sflag:$0x4] =	stream.indirect.gather [hbm4b:s4+s16], $0x20, s23, s16, $0xb8;
	[tilespmem:$0x12000] =	vst v63  }
0x64: {  	s23 =	simm.s32 $0x0  }
.LBB2_2:
0x65: {  	_ =	swait.ge [sflag:s25], $0x1000  }
0x66: {  	s6 =	sshra.s32 s23, $0x2;
	[sflag:s25] =	ssyncset.done $0x0  }
0x67: {  	p1 =	seq.s32 s23, $0x0;
	s10 =	sadd.s32 $0x7800, s6;
	[sflag:s25] =	ssyncadd.s32 $0xFFFFF000  }
0x68: {  	[spmem:s2] =	stream.indirect.scatter.add.f32 [tilespmem:s18], [sflag:$0x9], $0x20, s10, s16, $0xb8;
	[tilespmem:$0x12000] =	vst v63  }
0x69: {  	s10 =	simm.s32 @!p1 $0xD  }
0x6a: {  	_ =	swait.ge @!p1 [sflag:s10], $0x1000  }
0x6b: {  	[sflag:s10] =	ssyncset.done @!p1 $0x0  }
0x6c: {  	s11 =	sadd.s32 $0x5200, s6;
	[sflag:s10] =	ssyncadd.s32 @!p1 $0xFFFFF000  }
0x6d: {  	[tilespmem:s26], [sflag:$0x5] =	stream.indirect.gather [hbm4b:s4+s16], $0x20, s11, s16, $0xb8;
	[tilespmem:$0x12000] =	vst v63  }
0x6e: {  	_ =	swait.ge [sflag:s28], $0x1000  }
0x6f: {  	[sflag:s28] =	ssyncset.done $0x0  }
0x70: {  	s12 =	sadd.s32 $0x7880, s6;
	s10 =	simm.s32 @!p1 $0xE;
	[sflag:s28] =	ssyncadd.s32 $0xFFFFF000  }
0x71: {  	[spmem:s2] =	stream.indirect.scatter.add.f32 [tilespmem:s20], [sflag:$0xA], $0x20, s12, s16, $0xb8;
	[tilespmem:$0x12000] =	vst v63  }
0x72: {  	_ =	swait.ge @!p1 [sflag:s10], $0x1000  }
0x73: {  	[sflag:s10] =	ssyncset.done @!p1 $0x0  }
0x74: {  	s13 =	sadd.s32 $0x5280, s6;
	[sflag:s10] =	ssyncadd.s32 @!p1 $0xFFFFF000  }
0x75: {  	[tilespmem:s29], [sflag:$0x6] =	stream.indirect.gather [hbm4b:s4+s16], $0x20, s13, s16, $0xb8;
	[tilespmem:$0x12000] =	vst v63  }
0x76: {  	_ =	swait.ge [sflag:s30], $0x1000  }
0x77: {  	[sflag:s30] =	ssyncset.done $0x0  }
0x78: {  	s11 =	sadd.s32 $0x7900, s6;
	s10 =	simm.s32 @!p1 $0xF;
	[sflag:s30] =	ssyncadd.s32 $0xFFFFF000  }
0x79: {  	[spmem:s2] =	stream.indirect.scatter.add.f32 [tilespmem:s22], [sflag:$0xB], $0x20, s11, s16, $0xb8;
	[tilespmem:$0x12000] =	vst v63  }
0x7a: {  	_ =	swait.ge @!p1 [sflag:s10], $0x1000  }
0x7b: {  	[sflag:s10] =	ssyncset.done @!p1 $0x0  }
0x7c: {  	s12 =	sadd.s32 $0x5300, s6;
	[sflag:s10] =	ssyncadd.s32 @!p1 $0xFFFFF000  }
0x7d: {  	[tilespmem:s31], [sflag:$0x7] =	stream.indirect.gather [hbm4b:s4+s16], $0x20, s12, s16, $0xb8;
	[tilespmem:$0x12000] =	vst v63  }
0x7e: {  	_ =	swait.ge [sflag:s1], $0x1000  }
0x7f: {  	[sflag:s1] =	ssyncset.done $0x0  }
0x80: {  	s13 =	sadd.s32 $0x7980, s6;
	s10 =	simm.s32 @!p1 $0x10;
	[sflag:s1] =	ssyncadd.s32 $0xFFFFF000  }
0x81: {  	[spmem:s2] =	stream.indirect.scatter.add.f32 [tilespmem:s24], [sflag:$0xC], $0x20, s13, s16, $0xb8;
	[tilespmem:$0x12000] =	vst v63  }
0x82: {  	_ =	swait.ge @!p1 [sflag:s10], $0x1000  }
0x83: {  	[sflag:s10] =	ssyncset.done @!p1 $0x0  }
0x84: {  	s11 =	sadd.s32 $0x5380, s6;
	[sflag:s10] =	ssyncadd.s32 @!p1 $0xFFFFF000  }
0x85: {  	[tilespmem:s0], [sflag:$0x8] =	stream.indirect.gather [hbm4b:s4+s16], $0x20, s11, s16, $0xb8;
	[tilespmem:$0x12000] =	vst v63  }
0x86: {  	_ =	swait.ge [sflag:s17], $0x1000  }
0x87: {  	p1 =	seq.s32 s23, $0x9000;
	[sflag:s17] =	ssyncset.done $0x0  }
0x88: {  	s12 =	sadd.s32 $0x7A00, s6;
	s10 =	simm.s32 @p1 $0x6;
	[sflag:s17] =	ssyncadd.s32 $0xFFFFF000  }
0x89: {  	[spmem:s2] =	stream.indirect.scatter.add.f32 [tilespmem:s26], [sflag:$0xD], $0x20, s12, s16, $0xb8;
	[tilespmem:$0x12000] =	vst v63  }
0x8a: {  	_ =	swait.ge @p1 [sflag:s10], $0x1000  }
0x8b: {  	[sflag:s10] =	ssyncset.done @p1 $0x0  }
0x8c: {  	[sflag:s10] =	ssyncadd.s32 @p1 $0xFFFFF000;
	s10 =	sshra.s32 @p1 s23, $0x2  }
0x8d: {  	s11 =	simm.s32 @p1 $0x80;
	s12 =	simm.s32 @p1 $0xF000;
	s10 =	sadd.s32 @p1 $0x7A80, s10  }
0x8e: {  	[spmem:s2] =	stream.indirect.scatter.add.f32 @p1 [tilespmem:s12], [sflag:$0xE], $0x20, s10, s11, $0xb8;
	[tilespmem:$0x12000] =	vst v63  }
0x8f: {  	s10 =	simm.s32 @!p1 $0x9  }
0x90: {  	_ =	swait.ge @!p1 [sflag:s10], $0x1000  }
0x91: {  	[sflag:s10] =	ssyncset.done @!p1 $0x0  }
0x92: {  	[sflag:s10] =	ssyncadd.s32 @!p1 $0xFFFFF000;
	s10 =	sshra.s32 @!p1 s23, $0x2  }
0x93: {  	s13 =	simm.s32 @!p1 $0xA000;
	s12 =	simm.s32 @!p1 $0x80;
	s11 =	sadd.s32 @!p1 $0x5400, s10  }
0x94: {  	[tilespmem:s13], [sflag:$0x1] =	stream.indirect.gather @!p1 [hbm4b:s4+s12], $0x20, s11, s12, $0xb8;
	[tilespmem:$0x12000] =	vst v63  }
0x95: {  	s11 =	simm.s32 @!p1 $0x6  }
0x96: {  	_ =	swait.ge @!p1 [sflag:s11], $0x1000  }
0x97: {  	[sflag:s11] =	ssyncset.done @!p1 $0x0  }
0x98: {  	s13 =	simm.s32 @!p1 $0xF000;
	[sflag:s11] =	ssyncadd.s32 @!p1 $0xFFFFF000;
	s11 =	sadd.s32 @!p1 $0x7A80, s10  }
0x99: {  	[spmem:s2] =	stream.indirect.scatter.add.f32 @!p1 [tilespmem:s13], [sflag:$0xE], $0x20, s11, s12, $0xb8;
	[tilespmem:$0x12000] =	vst v63  }
0x9a: {  	s11 =	simm.s32 @!p1 $0xA  }
0x9b: {  	_ =	swait.ge @!p1 [sflag:s11], $0x1000  }
0x9c: {  	[sflag:s11] =	ssyncset.done @!p1 $0x0  }
0x9d: {  	s10 =	sadd.s32 @!p1 $0x5480, s10;
	[sflag:s11] =	ssyncadd.s32 @!p1 $0xFFFFF000;
	s11 =	simm.s32 @!p1 $0xB000  }
0x9e: {  	[tilespmem:s11], [sflag:$0x2] =	stream.indirect.gather @!p1 [hbm4b:s4+s12], $0x20, s10, s12, $0xb8;
	[tilespmem:$0x12000] =	vst v63  }
.Ltmp2:
0x9f: {  	_ = 	snop;
	(pc) =	sbr.rel @p1 .LBB2_4-.Ltmp2, $4  }
0xa0: {  	_ =	swait.ge [sflag:s19], $0x1000  }
0xa1: {  	[sflag:s19] =	ssyncset.done $0x0  }
0xa2: {  	s13 =	sadd.s32 $0x7B00, s6;
	s10 =	sadd.s32 $0x7B80, s6;
	[sflag:s19] =	ssyncadd.s32 $0xFFFFF000  }
0xa3: {  	[spmem:s2] =	stream.indirect.scatter.add.f32 [tilespmem:s31], [sflag:$0xF], $0x20, s13, s16, $0xb8;
	[tilespmem:$0x12000] =	vst v63  }
0xa4: {  	_ =	swait.ge [sflag:s8], $0x1000  }
0xa5: {  	[sflag:s8] =	ssyncset.done $0x0  }
0xa6: {  	s11 =	sadd.s32 $0x5500, s6;
	[sflag:s8] =	ssyncadd.s32 $0xFFFFF000  }
0xa7: {  	[tilespmem:s22], [sflag:$0x3] =	stream.indirect.gather [hbm4b:s4+s16], $0x20, s11, s16, $0xb8;
	[tilespmem:$0x12000] =	vst v63  }
0xa8: {  	_ =	swait.ge [sflag:s21], $0x1000  }
0xa9: {  	[sflag:s21] =	ssyncset.done $0x0  }
0xaa: {  	[sflag:s21] =	ssyncadd.s32 $0xFFFFF000  }
0xab: {  	[spmem:s2] =	stream.indirect.scatter.add.f32 [tilespmem:s0], [sflag:$0x10], $0x20, s10, s16, $0xb8;
	[tilespmem:$0x12000] =	vst v63  }
.Ltmp3:
0xac: {  	_ = 	snop;
	(pc) =	sbr.rel .LBB2_2-.Ltmp3, $4  }
0xad: {  	_ =	swait.ge [sflag:s9], $0x1000  }
0xae: {  	[sflag:s9] =	ssyncset.done $0x0  }
0xaf: {  	s13 =	sadd.s32 $0x5580, s6;
	s23 =	sadd.s32 $0x1000, s23;
	[sflag:s9] =	ssyncadd.s32 $0xFFFFF000  }
0xb0: {  	[tilespmem:s24], [sflag:$0x4] =	stream.indirect.gather [hbm4b:s4+s16], $0x20, s13, s16, $0xb8;
	[tilespmem:$0x12000] =	vst v63  }
.LBB2_5:
0xb1: {  	_ =	sfence.sel $0x180000  }
0xb2: {  	[bflag:$0x0] =	sbarrier.arrive $0xFFFF  }
0xb3: {  	_ =	strace $0x9000004D  }
0xb4: {  	s0 =	stileid.u32;
	[bflag:$0x2] =	sbarrier.arrive $0xFFFF  }
0xb5: {  	p0 =	sne.s32 s0, $0x0;
	s0 =	rddreg [dreg:$0x2]  }
0xb6: {  	s0 =	sadd.s32 @!p0 $0x100000, s0  }
0xb7: {  	[sflag:s0] =	ssyncadd.tile.s32 @!p0 $0x1;
	_ =	shalt  }
.Lfunc_end2:
_tile_overlayer_lowered:
.L_overlay_start_2:
0xb8: {  	(tag) =	ssettag $0x2  }
0xb9: {  	s0 =	rddreg [dreg:$0x0];
	s2 =	stileid.u32  }
0xba: {  	s1 =	rddreg [dreg:$0x1];
	p0 =	sne.s32 s2, $0x0  }
0xbb: {  	s3 =	rddreg [dreg:$0x2];
	[bflag:$0x3] =	sbarrier.arrive $0xFFFF;
	s2 =	simm.s32 @!p0 $0x1C11  }
0xbc: {  	[timem:s3], [sflag:s2] =	dma.local @!p0 [hbm:s0], s1  }
0xbd: {  	s0 =	simm.s32 @!p0 $0x11  }
0xbe: {  	_ =	swait.ge @!p0 [sflag:s0], s1  }
0xbf: {  	s1 =	ssub.s32 @!p0 $0x0, s1;
	[sflag:s0] =	ssyncset.done @!p0 $0x0  }
0xc0: {  	[sflag:s0] =	ssyncadd.s32 @!p0 s1  }
0xc1: {  	[bflag:$0x3] =	sbarrier.arrive $0xFFFF  }
0xc2: {  	_ =	shalt  }

// kernel: kernel.8.cloned.1.call-start
scs
__scs_entry_jumppad:
0x0: {  	(pc) =	sbr.rel $0x88, $3  }
0x1: {  	(tag) =	ssettag $0x0;
	lr =	simm.s32 $0x1  }
0x2: {  	[smem:$0x3F98] =	sst lr;
	_ =	strace $0xD0000000  }
0x3: {  	_ = 	snop  }
0x4: {  	_ = 	snop  }
0x5: {  	_ = 	snop  }
0x6: {  	_ = 	snop  }
0x7: {  	_ = 	snop  }
__scs_overlays_trampoline_lowered:
0x8: {  	[smem:$0x3FA7] =	sst s0  }
0x9: {  	[smem:$0x3FA8] =	sst s1  }
0xa: {  	[smem:$0x3FA9] =	sst s2  }
0xb: {  	[smem:$0x3FAA] =	sst s3  }
0xc: {  	[smem:$0x3FAB] =	sst s4  }
0xd: {  	[smem:$0x3FAC] =	sst s5  }
0xe: {  	[smem:$0x3FAD] =	sst s6  }
0xf: {  	[smem:$0x3FAE] =	sst s7  }
0x10: {  	[smem:$0x3FAF] =	sst s8  }
0x11: {  	[smem:$0x3FB0] =	sst s9;
	s0 =	simm.s32 @!p0 $0x0  }
0x12: {  	s1 =	sld [smem:$0x3F96];
	s0 =	simm.s32 @p0 $0x1  }
0x13: {  	[smem:$0x3FB1] =	sst s0;
	s0 =	simm.s32 @!p1 $0x0  }
0x14: {  	s2 =	sld [smem:$0x3F95];
	s0 =	simm.s32 @p1 $0x1  }
0x15: {  	[smem:$0x3FB2] =	sst s0;
	s0 =	simm.s32 @!p2 $0x0  }
0x16: {  	s3 =	sld [smem:$0x3FDB];
	s0 =	simm.s32 @p2 $0x1  }
0x17: {  	s4 =	simm.s32 $0x1BF5;
	[smem:$0x3FB4] =	sst s0  }
0x18: {  	s0 =	sld [smem:$0x3F97];
	_ =	swait.ge [sflag:s4], $0x0  }
0x19: {  	s7 =	sld [smem:$0x3F98]  }
0x1a: {  	s8 =	sadd.s32 $0xFFFFE003, lr  }
0x1b: {  	s9 =	sadd.s32 $0xFFFFFEF7, lr;
	s5 =	simm.s32 $0xFFFFFFFF;
	p2 =	slt.u32 s8, $0xFFFFF086  }
0x1c: {  	p1 =	slt.u32 s9, $0xF7A;
	s5 =	simm.s32 @!p2 $0x0  }
0x1d: {  	s5 =	simm.s32 @p1 $0x1;
	p0 =	seq.s32 s7, s2  }
0x1e: {  	s7 =	smul.u32 @!p0 $0xF7A, s2;
	p2 =	seq.s32 @!p0 s5, $0x0  }
0x1f: {  	s9 =	smul.u32 $0xF7A, s1;
	s8 =	simm.s32 @!p0 $0x1BF5;
	p2 =	por !p2, p0  }
0x20: {  	[sflag:s8] =	ssyncset.s32 @!p0 $0xFFFFF086;
	s6 =	sadd.s32 @!p0 s3, s7;
	s7 =	simm.s32 @!p0 $0x108  }
0x21: {  	s3 =	sadd.s32 s3, s9;
	s6 =	sadd.s32 @!p0 $0x88, s6;
	s7 =	simm.s32 @p2 $0x1082  }
0x22: {  	[simem:s7], [sflag:s8] =	dma.local @!p0 [hbm:s6], $0xF7A  }
0x23: {  	s9 =	sor.u32 $0xD0000000, s2;
	s6 =	simm.s32 $0x108;
	_ =	swait.ge @!p0 [sflag:s8], $0x0  }
0x24: {  	s3 =	sadd.s32 $0x88, s3;
	s6 =	simm.s32 @!p1 $0x1082;
	[sflag:s4] =	ssyncset.s32 $0xFFFFF086  }
0x25: {  	[simem:s6], [sflag:s4] =	dma.local [hbm:s3], $0xF7A  }
0x26: {  	[smem:$0x3F98] =	sst s1;
	(tag) =	ssettag s2;
	_ =	strace s9  }
0x27: {  	s1 =	sld [smem:$0x3FA8]  }
0x28: {  	s2 =	sld [smem:$0x3FA9]  }
0x29: {  	s4 =	sld [smem:$0x3FAB]  }
0x2a: {  	p0 =	seq.s32 s5, $0x0;
	s5 =	sld [smem:$0x3FAC]  }
0x2b: {  	s6 =	sld [smem:$0x3FAD]  }
0x2c: {  	s7 =	sld [smem:$0x3FAE]  }
0x2d: {  	s3 =	simm.s32 $0x108;
	s8 =	sld [smem:$0x3FAF]  }
0x2e: {  	s3 =	simm.s32 @!p0 $0x1082;
	s9 =	sld [smem:$0x3FB0]  }
0x2f: {  	lr =	sadd.s32 s0, s3;
	s0 =	sld [smem:$0x3FA7]  }
0x30: {  	s3 =	sld [smem:$0x3FAA]  }
0x31: {  	[smem:$0x3FB3] =	sst s10  }
0x32: {  	s10 =	sld [smem:$0x3FB1];
	_ =	sdelay $0x3  }
0x33: {  	p0 =	seq.s32 s10, $0x1;
	s10 =	sld [smem:$0x3FB3];
	_ =	sdelay $0x3  }
0x34: {  	[smem:$0x3FB3] =	sst s10  }
0x35: {  	s10 =	sld [smem:$0x3FB2];
	_ =	sdelay $0x3  }
0x36: {  	p1 =	seq.s32 s10, $0x1;
	s10 =	sld [smem:$0x3FB3];
	_ =	sdelay $0x3  }
0x37: {  	[smem:$0x3FB3] =	sst s10  }
0x38: {  	s10 =	sld [smem:$0x3FB4]  }
0x39: {  	_ = 	snop;
	(pc) =	sbr.ind lr, $3  }
0x3a: {  	_ = 	snop  }
0x3b: {  	_ = 	snop  }
0x3c: {  	p2 =	seq.s32 s10, $0x1;
	s10 =	sld [smem:$0x3FB3]  }
0x3d: {  	_ =	shalt  }
0x3e: {  	_ =	shalt  }
0x3f: {  	_ =	shalt  }
0x40: {  	_ =	shalt  }
0x41: {  	_ =	shalt  }
0x42: {  	_ =	shalt  }
0x43: {  	_ =	shalt  }
0x44: {  	_ =	shalt  }
0x45: {  	_ =	shalt  }
0x46: {  	_ =	shalt  }
0x47: {  	_ =	shalt  }
0x48: {  	_ =	shalt  }
0x49: {  	_ =	shalt  }
0x4a: {  	_ =	shalt  }
0x4b: {  	_ =	shalt  }
0x4c: {  	_ =	shalt  }
0x4d: {  	_ =	shalt  }
0x4e: {  	_ =	shalt  }
0x4f: {  	_ =	shalt  }
0x50: {  	_ =	shalt  }
0x51: {  	_ =	shalt  }
0x52: {  	_ =	shalt  }
0x53: {  	_ =	shalt  }
0x54: {  	_ =	shalt  }
0x55: {  	_ =	shalt  }
0x56: {  	_ =	shalt  }
0x57: {  	_ =	shalt  }
0x58: {  	_ =	shalt  }
0x59: {  	_ =	shalt  }
0x5a: {  	_ =	shalt  }
0x5b: {  	_ =	shalt  }
0x5c: {  	_ =	shalt  }
0x5d: {  	_ =	shalt  }
0x5e: {  	_ =	shalt  }
0x5f: {  	_ =	shalt  }
0x60: {  	_ =	shalt  }
0x61: {  	_ =	shalt  }
0x62: {  	_ =	shalt  }
0x63: {  	_ =	shalt  }
0x64: {  	_ =	shalt  }
0x65: {  	_ =	shalt  }
0x66: {  	_ =	shalt  }
0x67: {  	_ =	shalt  }
0x68: {  	_ =	shalt  }
0x69: {  	_ =	shalt  }
0x6a: {  	_ =	shalt  }
0x6b: {  	_ =	shalt  }
0x6c: {  	_ =	shalt  }
0x6d: {  	_ =	shalt  }
0x6e: {  	_ =	shalt  }
0x6f: {  	_ =	shalt  }
0x70: {  	_ =	shalt  }
0x71: {  	_ =	shalt  }
0x72: {  	_ =	shalt  }
0x73: {  	_ =	shalt  }
0x74: {  	_ =	shalt  }
0x75: {  	_ =	shalt  }
0x76: {  	_ =	shalt  }
0x77: {  	_ =	shalt  }
0x78: {  	_ =	shalt  }
0x79: {  	_ =	shalt  }
0x7a: {  	_ =	shalt  }
0x7b: {  	_ =	shalt  }
0x7c: {  	_ =	shalt  }
0x7d: {  	_ =	shalt  }
0x7e: {  	_ =	shalt  }
0x7f: {  	_ =	shalt  }
0x80: {  	_ =	shalt  }
0x81: {  	_ =	shalt  }
0x82: {  	_ =	shalt  }
0x83: {  	_ =	shalt  }
0x84: {  	_ =	shalt  }
0x85: {  	_ =	shalt  }
0x86: {  	_ =	shalt  }
0x87: {  	_ =	shalt  }
.Lfunc_end0:
.L_simem_size_0:
called_computation_lowered:
.L_overlay_start_0:
0x88: {  	s2 =	sld [smem:$0x3FD9]  }
0x89: {  	s3 =	sld [smem:$0x3FFE];
	_ =	sdelay $0x1  }
0x8a: {  	s1 =	srdreg.scid  }
0x8b: {  	s0 =	sand.u32 $0x1, s1  }
0x8c: {  	s16 =	sshll.u32 s0, $0xA;
	s2 =	sadd.s32 s3, s2  }
0x8d: {  	s2 =	sadd.s32 s2, s16  }
0x8e: {  	[smem:$0x3FBF] =	sst s2  }
0x8f: {  	_ = 	snop  }
0x90: {  	(tm) =	ssettm $0x1  }
0x91: {  	s17 =	sld [smem:$0x3FFB];
	_ =	sdelay $0x3  }
0x92: {  	_ =	strace s17  }
0x93: {  	s2 =	sld [smem:$0x3FFC];
	_ =	sdelay $0x3  }
0x94: {  	_ =	strace s2  }
0x95: {  	s2 =	sld [smem:$0x3FFD];
	_ =	sdelay $0x3  }
0x96: {  	_ =	strace s2  }
0x97: {  	_ =	strace $0x8FFFFFFF  }
0x98: {  	s18 =	sld [smem:$0x3FDB];
	_ =	sdelay $0x1  }
0x99: {  	s19 =	simm.s32 $_scs_section_size  }
0x9a: {  	s4 =	simm.s32 $_size__tile_overlayer_lowered;
	s5 =	simm.s32 $_tile_overlayer_lowered  }
0x9b: {  	s22 =	simm.s32 $0x1BFF;
	s21 =	sshll.u32 s5, $0x1;
	s2 =	sadd.s32 s19, s18  }
0x9c: {  	s6 =	simm.s32 $0x0;
	s20 =	sshll.u32 s4, $0x1;
	s4 =	sadd.s32 s21, s2  }
0x9d: {  	[timem:s6], [sflag:s22] =	dma.local [hbm:s4], s20  }
0x9e: {  	_ =	swait.ge [sflag:s22], s20  }
0x9f: {  	s3 =	ssub.s32 $0x0, s20;
	[sflag:s22] =	ssyncset.done $0x0  }
0xa0: {  	[sflag:s22] =	ssyncadd.s32 s3;
	_ =	sdelay $0x1  }
0xa1: {  	s23 =	simm.s32 $0x1B8B  }
0xa2: {  	_ =	swait.ge [sflag:s23], $0x1  }
0xa3: {  	[sflag:s23] =	ssyncset.done $0x0  }
0xa4: {  	s25 =	simm.s32 $0x1B8E;
	s24 =	sld [smem:$0x3FFE];
	[sflag:s23] =	ssyncadd.s32 $0xFFFFFFFF  }
0xa5: {  	s26 =	simm.s32 $execute0_lowered;
	[smem:$0x3FD2] =	sst s25  }
0xa6: {  	s4 =	sshll.u32 s26, $0x1;
	_ =	strace $0x80000046;
	[dreg:$0x1] =	wrdreg $0xFFFFFFFF  }
0xa7: {  	s28 =	simm.s32 $_size_execute0_lowered;
	s2 =	sadd.s32 s2, s4;
	[dreg:$0x0] =	wrdreg $0x0  }
0xa8: {  	s4 =	sshll.u32 s28, $0x1;
	[dreg:$0x2] =	wrdreg s2  }
0xa9: {  	[dreg:$0x3] =	wrdreg s4  }
0xaa: {  	[dreg:$0x4] =	wrdreg $0xC0  }
0xab: {  	_ =	task [dreg:s6], $0x5FFFF  }
0xac: {  	[dreg:$0x1] =	wrdreg $0xFFFFFFFF  }
0xad: {  	[dreg:$0x0] =	wrdreg $0x60  }
0xae: {  	[dreg:$0x2] =	wrdreg s24  }
0xaf: {  	[dreg:$0x3] =	wrdreg $0x0  }
0xb0: {  	[dreg:$0x4] =	wrdreg $0x9  }
0xb1: {  	_ =	task.clear_ibuf [dreg:s6], $0x5FFFF;
	_ =	strace $0x90000046  }
0xb2: {  	s29 =	simm.s32 $0x9;
	_ =	strace $0x80000048  }
0xb3: {  	_ =	swait.ge [sflag:s29], $0x1  }
0xb4: {  	[sflag:s29] =	ssyncadd.s32 $0xFFFFFFFF  }
0xb5: {  	_ =	strace $0x90000048  }
0xb6: {  	_ =	sfence  }
0xb7: {  	s30 =	sld [smem:$0x0];
	_ =	sdelay $0x2  }
0xb8: {  	s31 =	sshll.u32 s1, $0xD;
	s1 =	sshrl.u32 s1, $0x2  }
0xb9: {  	s3 =	sand.u32 $0x4000, s31;
	s1 =	sadd.s32 s1, s30  }
0xba: {  	s0 =	sor.u32 s3, s0;
	s1 =	sshll.u32 s1, $0x11  }
0xbb: {  	s0 =	sor.u32 s1, s0  }
0xbc: {  	s0 =	sadd.s32 $0x8F2B, s0  }
0xbd: {  	[sflag:s0] =	ssyncadd.remote.s32 $0x1  }
0xbe: {  	_ =	sfence.sel $0xFFFF  }
0xbf: {  	[dreg:$0x0] =	wrdreg $0xFFFFFFFF;
	(pc) =	sbr.abs _section_cstart, $3  }
0xc0: {  	[dreg:$0x1] =	wrdreg $0xFFFFFFFF  }
0xc1: {  	_ =	task.clear_ibuf [dreg:s6], $0x2FFFF;
	_ =	strace $0x9FFFFFFF  }
0xc2: {  	(tm) =	ssettm $0x7FFFFFFF  }
0xc3: {  	_ =	shalt  }
tec
execute0_lowered:
.L_overlay_start_1:
0x0: {  	(tag) =	ssettag $0x1  }
0x1: {  	s0 =	srdreg.scid;
	s8 =	rddreg [dreg:$0x0]  }
0x2: {  	s2 =	rddreg [dreg:$0x1];
	s5 =	sand.u32 $0x1, s0;
	s0 =	stileid.u32  }
0x3: {  	s3 =	simm.s32 $0x0;
	s15 =	simm.s32 $0x1;
	s6 =	smul.u32 $0x280, s0  }
0x4: {  	[smem:$0x7FF] =	sst s3;
	s1 =	sshll.u32 s5, $0x4;
	s7 =	smul.u32 $0x2800, s5  }
0x5: {  	s5 =	ssub.s32 $0x2, s5;
	s31 =	sshll.u32 s0, $0x6;
	s11 =	sor.u32 s0, s1  }
0x6: {  	s1 =	rddreg [dreg:$0x2];
	_ =	strace $0x80000047;
	s30 =	sshrl.u32 s5, $0x1  }
0x7: {  	s4 =	smul.u32 $0x500, s11;
	s7 =	sadd.s32 s6, s7;
	s10 =	sshrl.u32 s6, $0x3  }
0x8: {  	s13 =	ssub.s32 s5, s30;
	s14 =	sadd.s32 s6, s2;
	s6 =	sor.u32 $0x1C02, s31  }
0x9: {  	p0 =	seq.s32 s11, $0x1F;
	s7 =	sshrl.u32 s7, $0x3;
	s10 =	sadd.s32 s10, s8  }
0xa: {  	s11 =	sshrl.u32 s14, $0x3;
	s14 =	simm.s32 $0x2A80;
	s9 =	sadd.s32 s4, s8  }
0xb: {  	s4 =	sadd.s32 $0x1400, s8;
	s12 =	sadd.s32 s7, s8;
	s5 =	sadd.s32 $0x15400, s10  }
0xc: {  	s8 =	sadd.s32 $0x15100, s8;
	s10 =	smax.u32 s13, $0x1;
	s13 =	simm.s32 $0x80  }
0xd: {  	v0 =	vimm.f32 $1.000000000e+00;
	s7 =	sadd.s32 $0xB600, s9;
	s9 =	sadd.s32 $0x15A00, s12;
	s12 =	simm.s32 $0x2  }
.LBB2_1:
0xe: {  	[tilespmem:$0x2A80] =	vst v0  }
0xf: {  	[tilespmem:$0x2A90] =	vst v0  }
0x10: {  	[tilespmem:$0x2AA0] =	vst v0  }
0x11: {  	[tilespmem:$0x2AB0] =	vst v0  }
0x12: {  	[tilespmem:$0x2AC0] =	vst v0  }
0x13: {  	[tilespmem:$0x2AD0] =	vst v0  }
0x14: {  	[tilespmem:$0x2AE0] =	vst v0  }
0x15: {  	[tilespmem:$0x2AF0] =	vst v0  }
0x16: {  	[spmem:s11], [sflag:s6] =	dma.local [hbm:s5], $0x50  }
0x17: {  	_ =	swait.ge [sflag:s12], $0x50  }
0x18: {  	[sflag:s12] =	ssyncset.done $0x0  }
0x19: {  	s16 =	simm.s32 @p0 $0x0;
	s17 =	simm.s32 @p0 $0x280;
	[sflag:s12] =	ssyncadd.s32 $0xFFFFFFB0  }
0x1a: {  	[tilespmem:s17], [sflag:$0x2] =	stream.linear.gather @p0 [hbm4b:s8+s16], $0xA00, $0x38;
	[tilespmem:$0x2B00] =	vst v63  }
0x1b: {  	s17 =	simm.s32 @p0 $0x2  }
0x1c: {  	_ =	swait.ge @p0 [sflag:s17], $0xA00  }
0x1d: {  	[sflag:s17] =	ssyncset.done @p0 $0x0  }
0x1e: {  	s18 =	simm.s32 @p0 $0xC80;
	[sflag:s17] =	ssyncadd.s32 @p0 $0xFFFFF600  }
0x1f: {  	[tilespmem:s18], [sflag:$0x2] =	stream.linear.gather @p0 [hbm4b:s4+s16], $0x1E00, $0x38;
	[tilespmem:$0x2B00] =	vst v63  }
0x20: {  	_ =	swait.ge @p0 [sflag:s17], $0x1E00  }
0x21: {  	[sflag:s17] =	ssyncset.done @p0 $0x0  }
0x22: {  	s16 =	simm.s32 @!p0 $0x0;
	[sflag:s17] =	ssyncadd.s32 @p0 $0xFFFFE200;
	s17 =	simm.s32 @!p0 $0x280  }
0x23: {  	[tilespmem:s17], [sflag:$0x2] =	stream.linear.gather @!p0 [hbm4b:s7+s16], $0x2800, $0x38;
	[tilespmem:$0x2B00] =	vst v63  }
0x24: {  	s16 =	simm.s32 @!p0 $0x2  }
0x25: {  	_ =	swait.ge @!p0 [sflag:s16], $0x2800  }
0x26: {  	[sflag:s16] =	ssyncset.done @!p0 $0x0  }
0x27: {  	p1 =	por $0x1, $0x1;
	[sflag:s16] =	ssyncadd.s32 @!p0 $0xFFFFD800  }
0x28: {  	s17 =	simm.s32 @!p1 $0x1;
	[bflag:$0x0] =	sbarrier.arrive $0xFFFF  }
0x29: {  	_ =	swait.ge @!p1 [sflag:s17], $0x80  }
0x2a: {  	s18 =	simm.s32 $0x280;
	[sflag:s17] =	ssyncset.done @!p1 $0x0  }
0x2b: {  	s16 =	simm.s32 $0x1;
	[sflag:s17] =	ssyncadd.s32 @!p1 $0xFFFFFF80;
	s17 =	simm.s32 $0x300  }
.LBB2_2:
0x2c: {  	[spmem:s2] =	stream.indirect.scatter.add.f32 [tilespmem:s14], [sflag:$0x1], $0x1, s18, s13, $0xb8;
	[tilespmem:$0x2B00] =	vst v63  }
0x2d: {  	p1 =	slt.u32 s16, $0x8;
	s16 =	sadd.s32 $0x1, s16  }
0x2e: {  	p2 =	sne.s32 s16, $0x50  }
.Ltmp0:
0x2f: {  	(pc) =	sbr.rel @p2 .LBB2_2-.Ltmp0, $4  }
0x30: {  	s18 =	smov.u32 s17;
	s19 =	simm.s32 @!p1 $0x1  }
0x31: {  	_ =	swait.ge @!p1 [sflag:s19], $0x80  }
0x32: {  	[sflag:s19] =	ssyncset.done @!p1 $0x0  }
0x33: {  	s17 =	sadd.s32 $0x80, s17;
	[sflag:s19] =	ssyncadd.s32 @!p1 $0xFFFFFF80  }
0x34: {  	[spmem:s2] =	stream.indirect.scatter.add.f32 [tilespmem:s14], [sflag:$0x1], $0x1, s18, s13, $0xb8;
	[tilespmem:$0x2B00] =	vst v63  }
0x35: {  	_ =	swait.ge [sflag:s15], $0x80  }
0x36: {  	[sflag:s15] =	ssyncset.done $0x0  }
0x37: {  	[sflag:s15] =	ssyncadd.s32 $0xFFFFFF80  }
0x38: {  	_ =	swait.ge [sflag:s15], $0x80  }
0x39: {  	[sflag:s15] =	ssyncset.done $0x0  }
0x3a: {  	[sflag:s15] =	ssyncadd.s32 $0xFFFFFF80  }
0x3b: {  	_ =	swait.ge [sflag:s15], $0x80  }
0x3c: {  	[sflag:s15] =	ssyncset.done $0x0  }
0x3d: {  	[sflag:s15] =	ssyncadd.s32 $0xFFFFFF80  }
0x3e: {  	_ =	swait.ge [sflag:s15], $0x80  }
0x3f: {  	[sflag:s15] =	ssyncset.done $0x0  }
0x40: {  	[sflag:s15] =	ssyncadd.s32 $0xFFFFFF80  }
0x41: {  	_ =	swait.ge [sflag:s15], $0x80  }
0x42: {  	[sflag:s15] =	ssyncset.done $0x0  }
0x43: {  	[sflag:s15] =	ssyncadd.s32 $0xFFFFFF80  }
0x44: {  	_ =	swait.ge [sflag:s15], $0x80  }
0x45: {  	[sflag:s15] =	ssyncset.done $0x0  }
0x46: {  	[sflag:s15] =	ssyncadd.s32 $0xFFFFFF80  }
0x47: {  	_ =	swait.ge [sflag:s15], $0x80  }
0x48: {  	[sflag:s15] =	ssyncset.done $0x0  }
0x49: {  	[sflag:s15] =	ssyncadd.s32 $0xFFFFFF80  }
0x4a: {  	_ =	swait.ge [sflag:s15], $0x80  }
0x4b: {  	s3 =	sadd.s32 $0x1, s3;
	[sflag:s15] =	ssyncset.done $0x0  }
0x4c: {  	p1 =	sne.s32 s3, s10;
	[sflag:s15] =	ssyncadd.s32 $0xFFFFFF80  }
.Ltmp1:
0x4d: {  	[bflag:$0x0] =	sbarrier.arrive $0xFFFF;
	(pc) =	sbr.rel @p1 .LBB2_1-.Ltmp1, $4  }
0x4e: {  	[hbm:s9], [sflag:s6] =	dma.local [spmem:s11], $0x50  }
0x4f: {  	_ =	swait.ge [sflag:s12], $0x50  }
0x50: {  	[sflag:s12] =	ssyncset.done $0x0  }
0x51: {  	[sflag:s12] =	ssyncadd.s32 $0xFFFFFFB0  }
0x52: {  	_ =	sfence.sel $0x180000  }
0x53: {  	[bflag:$0x0] =	sbarrier.arrive $0xFFFF  }
0x54: {  	p0 =	sne.s32 s0, $0x0;
	_ =	strace $0x90000047  }
0x55: {  	s0 =	sadd.s32 @!p0 $0x100000, s1;
	[bflag:$0x2] =	sbarrier.arrive $0xFFFF  }
0x56: {  	[sflag:s0] =	ssyncadd.tile.s32 @!p0 $0x1;
	_ =	shalt  }
.Lfunc_end2:
_tile_overlayer_lowered:
.L_overlay_start_2:
0x57: {  	(tag) =	ssettag $0x2  }
0x58: {  	s0 =	rddreg [dreg:$0x0];
	s2 =	stileid.u32  }
0x59: {  	s1 =	rddreg [dreg:$0x1];
	p0 =	sne.s32 s2, $0x0  }
0x5a: {  	s3 =	rddreg [dreg:$0x2];
	[bflag:$0x3] =	sbarrier.arrive $0xFFFF;
	s2 =	simm.s32 @!p0 $0x1C02  }
0x5b: {  	[timem:s3], [sflag:s2] =	dma.local @!p0 [hbm:s0], s1  }
0x5c: {  	s0 =	simm.s32 @!p0 $0x2  }
0x5d: {  	_ =	swait.ge @!p0 [sflag:s0], s1  }
0x5e: {  	s1 =	ssub.s32 @!p0 $0x0, s1;
	[sflag:s0] =	ssyncset.done @!p0 $0x0  }
0x5f: {  	[sflag:s0] =	ssyncadd.s32 @!p0 s1  }
0x60: {  	[bflag:$0x3] =	sbarrier.arrive $0xFFFF  }
0x61: {  	_ =	shalt  }

</sc_bundles>
